<compile_context>
chip_gen: v7x
topology: tpu7x:2x2x1
jax: 0.10.2.dev20260603
libtpu: 0.0.44.dev20260713+nightly
codegen_flags: <defaults>
</compile_context>

<pallas_src>
import functools

import jax
import jax.numpy as jnp
from jax import lax
from jax.experimental import pallas as pl
from jax.experimental.pallas import tpu as pltpu
from jax.experimental.pallas import tpu_sc as plsc

FH, FW, K = 48, 48, 9
N = FH * FW * K
NS = 16
PER = N // NS
VR = PER // 16
NUM_ROIS = 300
IMG = 768.0
NEG = float("-inf")
BIG = 1 << 30
ROIS_PAD = 4 * NUM_ROIS + 32


def _perm(v, idx):
    return lax.gather(
        v, idx[:, None],
        lax.GatherDimensionNumbers(offset_dims=(), collapsed_slice_dims=(0,),
                                   start_index_map=(0,)),
        slice_sizes=(1,),
        mode=lax.GatherScatterMode.PROMISE_IN_BOUNDS)


def _allmax(v, shuf):
    for s in shuf:
        v = jnp.maximum(v, _perm(v, s))
    return v


def _allmin(v, shuf):
    for s in shuf:
        v = jnp.minimum(v, _perm(v, s))
    return v


def _nms_kernel(l0_h, l1_h, ty_h, tx_h, th_h, tw_h,
                ay1_h, ax1_h, ay2_h, ax2_h, out_h,
                l0_v, l1_v, ty_v, tx_v, th_v, tw_v,
                a1_v, a2_v, a3_v, a4_v,
                y1_v, x1_v, y2_v, x2_v, ar_v, sc_v,
                row_v, cand_v, flag_v, rois_v, shared):
    cid = lax.axis_index("c")
    sid = lax.axis_index("s")
    base = sid * PER
    iota = lax.broadcasted_iota(jnp.int32, (16,), 0)
    shuf = [iota ^ s for s in (8, 4, 2, 1)]

    for src, dst in ((l0_h, l0_v), (l1_h, l1_v), (ty_h, ty_v), (tx_h, tx_v),
                     (th_h, th_v), (tw_h, tw_v), (ay1_h, a1_v), (ax1_h, a2_v),
                     (ay2_h, a3_v), (ax2_h, a4_v)):
        pltpu.sync_copy(src.at[pl.ds(base, PER)], dst)

    def zero_j(j, c):
        rois_v[pl.ds(j * 16, 16)] = jnp.zeros((16,), jnp.float32)
        return c
    lax.fori_loop(0, ROIS_PAD // 16, zero_j, 0)

    bv0 = jnp.full((16,), NEG, jnp.float32)
    bi0 = jnp.zeros((16,), jnp.int32)

    def top2_update(s, li, bv1, bi1, bv2, bi2):
        gt1 = s > bv1
        gt2 = s > bv2
        nbv2 = jnp.where(gt1, bv1, jnp.where(gt2, s, bv2))
        nbi2 = jnp.where(gt1, bi1, jnp.where(gt2, li, bi2))
        nbv1 = jnp.where(gt1, s, bv1)
        nbi1 = jnp.where(gt1, li, bi1)
        return nbv1, nbi1, nbv2, nbi2

    def decode_j(j, carry):
        bv1, bi1, bv2, bi2, li = carry
        sl = pl.ds(j * 16, 16)
        l0 = l0_v[sl]
        l1 = l1_v[sl]
        m = jnp.maximum(l0, l1)
        e0 = jnp.exp(l0 - m)
        e1 = jnp.exp(l1 - m)
        p = e1 / (e0 + e1)
        ay1 = a1_v[sl]
        ax1 = a2_v[sl]
        ay2 = a3_v[sl]
        ax2 = a4_v[sl]
        ah = ay2 - ay1
        aw = ax2 - ax1
        cy = ay1 + ah * 0.5 + ty_v[sl] * ah
        cx = ax1 + aw * 0.5 + tx_v[sl] * aw
        bh = ah * jnp.exp(th_v[sl])
        bw = aw * jnp.exp(tw_v[sl])
        y1 = jnp.minimum(jnp.maximum(cy - bh * 0.5, 0.0), IMG)
        x1 = jnp.minimum(jnp.maximum(cx - bw * 0.5, 0.0), IMG)
        y2 = jnp.minimum(jnp.maximum(cy + bh * 0.5, 0.0), IMG)
        x2 = jnp.minimum(jnp.maximum(cx + bw * 0.5, 0.0), IMG)
        area = jnp.maximum(y2 - y1, 0.0) * jnp.maximum(x2 - x1, 0.0)
        s = jnp.where(p >= 0.5, p, NEG)
        y1_v[sl] = y1
        x1_v[sl] = x1
        y2_v[sl] = y2
        x2_v[sl] = x2
        ar_v[sl] = area
        sc_v[sl] = s
        bv1, bi1, bv2, bi2 = top2_update(s, li, bv1, bi1, bv2, bi2)
        return bv1, bi1, bv2, bi2, li + 16

    bv1, bi1, bv2, bi2, _ = lax.fori_loop(
        0, VR, decode_j, (bv0, bi0, bv0, bi0, iota))

    def publish_reduce(bv1, bi1, bv2, bi2):
        t1 = _allmax(bv1, shuf)
        i1 = _allmin(jnp.where(bv1 == t1, bi1, BIG), shuf)
        win = bi1 == i1
        sec_v = jnp.where(win, bv2, bv1)
        sec_i = jnp.where(win, bi2, bi1)
        t2 = _allmax(sec_v, shuf)
        i2 = _allmin(jnp.where(sec_v == t2, sec_i, BIG), shuf)
        i1c = jnp.minimum(i1, PER - 1)
        i2c = jnp.minimum(i2, PER - 1)
        wy1 = plsc.load_gather(y1_v, [i1c])
        wx1 = plsc.load_gather(x1_v, [i1c])
        wy2 = plsc.load_gather(y2_v, [i1c])
        wx2 = plsc.load_gather(x2_v, [i1c])
        wa = plsc.load_gather(ar_v, [i1c])
        vy1 = plsc.load_gather(y1_v, [i2c])
        vx1 = plsc.load_gather(x1_v, [i2c])
        vy2 = plsc.load_gather(y2_v, [i2c])
        vx2 = plsc.load_gather(x2_v, [i2c])
        va = plsc.load_gather(ar_v, [i2c])
        gidx1 = (i1c + base).astype(jnp.float32)
        gidx2 = (i2c + base).astype(jnp.float32)
        row = jnp.where(iota == 0, t1,
              jnp.where(iota == 1, gidx1,
              jnp.where(iota == 2, wy1,
              jnp.where(iota == 3, wx1,
              jnp.where(iota == 4, wy2,
              jnp.where(iota == 5, wx2,
              jnp.where(iota == 6, wa,
              jnp.where(iota == 7, t2,
              jnp.where(iota == 8, gidx2,
              jnp.where(iota == 9, vy1,
              jnp.where(iota == 10, vx1,
              jnp.where(iota == 11, vy2,
              jnp.where(iota == 12, vx2,
              jnp.where(iota == 13, va, 0.0))))))))))))))
        row_v[...] = row
        pltpu.sync_copy(row_v, shared.at[pl.ds(sid * 16, 16)])
        plsc.subcore_barrier()
        pltpu.sync_copy(shared, cand_v)
        tbase = iota * 16
        sc1 = plsc.load_gather(cand_v, [tbase])
        ix1 = plsc.load_gather(cand_v, [tbase + 1]).astype(jnp.int32)
        gm1 = _allmax(sc1, shuf)
        gi1 = _allmin(jnp.where(sc1 == gm1, ix1, BIG), shuf)
        rb1 = (gi1 // PER) * 16
        gy1 = plsc.load_gather(cand_v, [rb1 + 2])
        gx1 = plsc.load_gather(cand_v, [rb1 + 3])
        gy2 = plsc.load_gather(cand_v, [rb1 + 4])
        gx2 = plsc.load_gather(cand_v, [rb1 + 5])
        ga = plsc.load_gather(cand_v, [rb1 + 6])
        winr = ix1 == gi1
        sc2c = jnp.where(winr, plsc.load_gather(cand_v, [tbase + 7]), sc1)
        ix2c = jnp.where(winr,
                         plsc.load_gather(cand_v, [tbase + 8]).astype(jnp.int32),
                         ix1)
        gm2 = _allmax(sc2c, shuf)
        gi2 = _allmin(jnp.where(sc2c == gm2, ix2c, BIG), shuf)
        gi2c = jnp.minimum(gi2, N - 1)
        rb2 = (gi2c // PER) * 16
        slot1_ix = plsc.load_gather(cand_v, [rb2 + 1]).astype(jnp.int32)
        off2 = jnp.where(slot1_ix == gi2c, rb2 + 2, rb2 + 9)
        hy1 = plsc.load_gather(cand_v, [off2])
        hx1 = plsc.load_gather(cand_v, [off2 + 1])
        hy2 = plsc.load_gather(cand_v, [off2 + 2])
        hx2 = plsc.load_gather(cand_v, [off2 + 3])
        ha = plsc.load_gather(cand_v, [off2 + 4])
        yy1 = jnp.maximum(gy1, hy1)
        xx1 = jnp.maximum(gx1, hx1)
        yy2 = jnp.minimum(gy2, hy2)
        xx2 = jnp.minimum(gx2, hx2)
        inter = jnp.maximum(yy2 - yy1, 0.0) * jnp.maximum(xx2 - xx1, 0.0)
        union = ga + ha - inter + 1e-8
        c2vec = (gm2 > NEG) & jnp.logical_not(inter > 0.5 * union)
        c2s = c2vec.astype(jnp.int32)[0]
        z = c2vec.astype(jnp.float32)
        hy1 = hy1 * z
        hx1 = hx1 * z
        hy2 = hy2 * z
        hx2 = hx2 * z
        ha = ha * z
        gi2m = jnp.where(c2vec, gi2, -BIG)
        return (c2s, gm1, gi1, gy1, gx1, gy2, gx2, ga,
                gi2m, hy1, hx1, hy2, hx2, ha)

    st0 = publish_reduce(bv1, bi1, bv2, bi2)

    def cond(carry):
        return carry[0] < NUM_ROIS

    def body(carry):
        (t, c2s, gm1, gi1, gy1, gx1, gy2, gx2, ga,
         gi2m, hy1, hx1, hy2, hx2, ha) = carry
        valid = gm1 > NEG

        @pl.when((cid == 0) & (sid == 0))
        def _store_roi1():
            roi = jnp.where(iota == 0, gy1,
                  jnp.where(iota == 1, gx1,
                  jnp.where(iota == 2, gy2,
                  jnp.where(iota == 3, gx2, 0.0))))
            rois_v[pl.ds(t * 4, 16)] = jnp.where(valid, roi, 0.0)

        @pl.when((cid == 0) & (sid == 0) & (c2s == 1))
        def _store_roi2():
            roi = jnp.where(iota == 0, hy1,
                  jnp.where(iota == 1, hx1,
                  jnp.where(iota == 2, hy2,
                  jnp.where(iota == 3, hx2, 0.0))))
            rois_v[pl.ds(t * 4 + 4, 16)] = roi

        plsc.subcore_barrier()

        gl1 = gi1 - base
        gl2 = gi2m - base

        def supp_j(j, carry):
            bv1, bi1, bv2, bi2, li = carry
            sl = pl.ds(j * 16, 16)
            s = sc_v[sl]
            py1 = y1_v[sl]
            px1 = x1_v[sl]
            py2 = y2_v[sl]
            px2 = x2_v[sl]
            pa = ar_v[sl]
            yy1 = jnp.maximum(gy1, py1)
            xx1 = jnp.maximum(gx1, px1)
            yy2 = jnp.minimum(gy2, py2)
            xx2 = jnp.minimum(gx2, px2)
            ih = jnp.maximum(yy2 - yy1, 0.0)
            iw = jnp.maximum(xx2 - xx1, 0.0)
            inter = ih * iw
            union = ga + pa - inter + 1e-8
            sup = (inter > 0.5 * union) | (li == gl1)
            by1 = jnp.maximum(hy1, py1)
            bx1 = jnp.maximum(hx1, px1)
            by2 = jnp.minimum(hy2, py2)
            bx2 = jnp.minimum(hx2, px2)
            bh_ = jnp.maximum(by2 - by1, 0.0)
            bw_ = jnp.maximum(bx2 - bx1, 0.0)
            binter = bh_ * bw_
            bunion = ha + pa - binter + 1e-8
            sup = sup | (binter > 0.5 * bunion) | (li == gl2)
            ns = jnp.where(sup, NEG, s)
            sc_v[sl] = ns
            bv1, bi1, bv2, bi2 = top2_update(ns, li, bv1, bi1, bv2, bi2)
            return bv1, bi1, bv2, bi2, li + 16

        bv1, bi1, bv2, bi2, _ = lax.fori_loop(
            0, VR, supp_j, (bv0, bi0, bv0, bi0, iota))
        nxt = publish_reduce(bv1, bi1, bv2, bi2)
        return (t + 1 + c2s,) + nxt

    lax.while_loop(cond, body, (jnp.int32(0),) + st0)

    @pl.when((cid == 0) & (sid == 0))
    def _write_out():
        pltpu.sync_copy(rois_v.at[pl.ds(0, 4 * NUM_ROIS)], out_h)


@functools.partial(
    pl.kernel,
    out_type=jax.ShapeDtypeStruct((4 * NUM_ROIS,), jnp.float32),
    mesh=plsc.VectorSubcoreMesh(core_axis_name="c", subcore_axis_name="s",
                                num_cores=1, num_subcores=16),
    compiler_params=pltpu.CompilerParams(needs_layout_passes=False),
    scratch_types=[pltpu.VMEM((PER,), jnp.float32) for _ in range(16)]
                  + [pltpu.VMEM((16,), jnp.float32),
                     pltpu.VMEM((256,), jnp.float32),
                     pltpu.VMEM((16,), jnp.int32),
                     pltpu.VMEM((ROIS_PAD,), jnp.float32),
                     pltpu.VMEM_SHARED((256,), jnp.float32)],
)
def _nms_call(*args):
    _nms_kernel(*args)


def kernel(x, anchors):
    t = x.reshape(N, 6)
    a = anchors.reshape(N, 4)
    cols = tuple(t[:, i] for i in range(6))
    acols = tuple(a[:, i] for i in range(4))
    rois = _nms_call(*cols, *acols)
    return rois.reshape(1, NUM_ROIS, 4)

# --- scband reference (transcript-rebuilt; emitter-appended) ---
"""Pipeline reference for scband-nsmlayer-77627238908016 (READ-ONLY COPY).

The authoritative reference and input builder live on the scoring server;
editing this copy changes nothing except your own understanding.
"""

import jax, jax.numpy as jnp
import numpy as np

ISHAPE = (768, 768, 3)
FH, FW, K = 48, 48, 9
STRIDE = 16
NUM_ROIS = 300
IOU_THR = 0.5
SCORE_THR = 0.5


def _make_anchors():
    scales = np.array([64.0, 128.0, 256.0], dtype=np.float32)
    ratios = np.array([0.5, 1.0, 2.0], dtype=np.float32)
    ah = (scales[:, None] * np.sqrt(ratios)[None, :]).reshape(-1)
    aw = (scales[:, None] / np.sqrt(ratios)[None, :]).reshape(-1)
    cy = (np.arange(FH, dtype=np.float32) + 0.5) * STRIDE
    cx = (np.arange(FW, dtype=np.float32) + 0.5) * STRIDE
    ys = cy[:, None, None]
    xs = cx[None, :, None]
    y1 = np.broadcast_to(ys - ah[None, None, :] * 0.5, (FH, FW, K))
    x1 = np.broadcast_to(xs - aw[None, None, :] * 0.5, (FH, FW, K))
    y2 = np.broadcast_to(ys + ah[None, None, :] * 0.5, (FH, FW, K))
    x2 = np.broadcast_to(xs + aw[None, None, :] * 0.5, (FH, FW, K))
    return np.stack([y1, x1, y2, x2], axis=-1).astype(np.float32)


def setup_inputs(seed: int = 0) -> dict:
    key = jax.random.key(seed)
    x = jax.random.normal(key, (1, FH, FW, 6 * K), dtype=jnp.float32)
    anchors = jnp.asarray(_make_anchors())
    return {"x": x, "anchors": anchors}


def _iou_one_vs_all(box, boxes):
    yy1 = jnp.maximum(box[0], boxes[:, 0])
    xx1 = jnp.maximum(box[1], boxes[:, 1])
    yy2 = jnp.minimum(box[2], boxes[:, 2])
    xx2 = jnp.minimum(box[3], boxes[:, 3])
    ih = jnp.maximum(yy2 - yy1, 0.0)
    iw = jnp.maximum(xx2 - xx1, 0.0)
    inter = ih * iw
    area_a = jnp.maximum(box[2] - box[0], 0.0) * jnp.maximum(box[3] - box[1], 0.0)
    area_b = jnp.maximum(boxes[:, 2] - boxes[:, 0], 0.0) * jnp.maximum(boxes[:, 3] - boxes[:, 1], 0.0)
    return inter / (area_a + area_b - inter + 1e-8)


def _forward(x, anchors):
    t = x[0].reshape(FH, FW, K, 6)
    logits = t[..., :2]
    deltas = t[..., 2:]
    probs = jax.nn.softmax(logits, axis=-1)[..., 1]
    ay1, ax1, ay2, ax2 = anchors[..., 0], anchors[..., 1], anchors[..., 2], anchors[..., 3]
    ah = ay2 - ay1
    aw = ax2 - ax1
    acy = ay1 + ah * 0.5
    acx = ax1 + aw * 0.5
    ty, tx, th, tw = deltas[..., 0], deltas[..., 1], deltas[..., 2], deltas[..., 3]
    cy = acy + ty * ah
    cx = acx + tx * aw
    bh = ah * jnp.exp(th)
    bw = aw * jnp.exp(tw)
    y1 = jnp.clip(cy - bh * 0.5, 0.0, float(ISHAPE[0]))
    x1 = jnp.clip(cx - bw * 0.5, 0.0, float(ISHAPE[1]))
    y2 = jnp.clip(cy + bh * 0.5, 0.0, float(ISHAPE[0]))
    x2 = jnp.clip(cx + bw * 0.5, 0.0, float(ISHAPE[1]))
    boxes = jnp.stack([y1, x1, y2, x2], axis=-1).reshape(-1, 4)
    scores = probs.reshape(-1)
    scores = jnp.where(scores >= SCORE_THR, scores, -jnp.inf)

    def step(scores_work, _):
        idx = jnp.argmax(scores_work)
        sc = scores_work[idx]
        valid = sc > -jnp.inf
        box = boxes[idx]
        iou = _iou_one_vs_all(box, boxes)
        new_scores = jnp.where(valid & (iou > IOU_THR), -jnp.inf, scores_work)
        new_scores = new_scores.at[idx].set(-jnp.inf)
        out_box = jnp.where(valid, box, jnp.zeros_like(box))
        return new_scores, out_box

    _, rois = jax.lax.scan(step, scores, None, length=NUM_ROIS)
    return rois[None, :, :]


def reference(x, anchors):
    return _forward(x, anchors)

if __name__ == "__main__":
    import jax
    _d = setup_inputs()
    print(jax.jit(kernel)(*tuple(_d.values())))

</pallas_src>

<mosaic_0001>
#map = affine_map<(d0, d1) -> (0)>
module attributes {stable_mosaic.version = 14 : i64} {
  func.func @_nms_call(%arg0: i32, %arg1: i32, %arg2: memref<20736xf32, #tpu.memory_space<hbm>>, %arg3: memref<20736xf32, #tpu.memory_space<hbm>>, %arg4: memref<20736xf32, #tpu.memory_space<hbm>>, %arg5: memref<20736xf32, #tpu.memory_space<hbm>>, %arg6: memref<20736xf32, #tpu.memory_space<hbm>>, %arg7: memref<20736xf32, #tpu.memory_space<hbm>>, %arg8: memref<20736xf32, #tpu.memory_space<hbm>>, %arg9: memref<20736xf32, #tpu.memory_space<hbm>>, %arg10: memref<20736xf32, #tpu.memory_space<hbm>>, %arg11: memref<20736xf32, #tpu.memory_space<hbm>>, %arg12: memref<1200xf32, #tpu.memory_space<hbm>>, %arg13: memref<1296xf32, #tpu.memory_space<vmem>>, %arg14: memref<1296xf32, #tpu.memory_space<vmem>>, %arg15: memref<1296xf32, #tpu.memory_space<vmem>>, %arg16: memref<1296xf32, #tpu.memory_space<vmem>>, %arg17: memref<1296xf32, #tpu.memory_space<vmem>>, %arg18: memref<1296xf32, #tpu.memory_space<vmem>>, %arg19: memref<1296xf32, #tpu.memory_space<vmem>>, %arg20: memref<1296xf32, #tpu.memory_space<vmem>>, %arg21: memref<1296xf32, #tpu.memory_space<vmem>>, %arg22: memref<1296xf32, #tpu.memory_space<vmem>>, %arg23: memref<1296xf32, #tpu.memory_space<vmem>>, %arg24: memref<1296xf32, #tpu.memory_space<vmem>>, %arg25: memref<1296xf32, #tpu.memory_space<vmem>>, %arg26: memref<1296xf32, #tpu.memory_space<vmem>>, %arg27: memref<1296xf32, #tpu.memory_space<vmem>>, %arg28: memref<1296xf32, #tpu.memory_space<vmem>>, %arg29: memref<16xf32, #tpu.memory_space<vmem>>, %arg30: memref<256xf32, #tpu.memory_space<vmem>>, %arg31: memref<16xi32, #tpu.memory_space<vmem>>, %arg32: memref<1232xf32, #tpu.memory_space<vmem>>, %arg33: memref<256xf32, #tpu.memory_space<vmem_shared>>) attributes {dimension_semantics = [#tpu.dimension_semantics<core_parallel>, #tpu.dimension_semantics<subcore_parallel>], iteration_bounds = array<i64: 1, 16>, scalar_prefetch = 0 : i64, scratch_operands = 21 : i64, tpu.core_type = #tpu.core_type<sc_vector_subcore>, window_params = [{transform_indices = #map}, {transform_indices = #map}, {transform_indices = #map}, {transform_indices = #map}, {transform_indices = #map}, {transform_indices = #map}, {transform_indices = #map}, {transform_indices = #map}, {transform_indices = #map}, {transform_indices = #map}, {transform_indices = #map}]} {
    %mul3A = arith.constant 1296 : i32
    %mul3A_0 = arith.muli %arg1, %mul3A : i32
    %iota3A = tpu.iota {dimensions = array<i32: 0>} : vector<16xi32>
    %xor3A = arith.constant 8 : i32
    %xor3A_1 = vector.broadcast %xor3A : i32 to vector<16xi32>
    %xor3A_2 = arith.xori %iota3A, %xor3A_1 : vector<16xi32>
    %xor3A_3 = arith.constant 4 : i32
    %xor3A_4 = vector.broadcast %xor3A_3 : i32 to vector<16xi32>
    %xor3A_5 = arith.xori %iota3A, %xor3A_4 : vector<16xi32>
    %xor3A_6 = arith.constant 2 : i32
    %xor3A_7 = vector.broadcast %xor3A_6 : i32 to vector<16xi32>
    %xor3A_8 = arith.xori %iota3A, %xor3A_7 : vector<16xi32>
    %xor3A_9 = arith.constant 1 : i32
    %xor3A_10 = vector.broadcast %xor3A_9 : i32 to vector<16xi32>
    %xor3A_11 = arith.xori %iota3A, %xor3A_10 : vector<16xi32>
    "tpu.region"() ({
      %run_scoped3A = tpu.sem_alloc : memref<!tpu.dma_semaphore, #tpu.memory_space<semaphore_mem>>
      %dma_start3A = tpu.memref_slice %arg2[%mul3A_0] : memref<20736xf32, #tpu.memory_space<hbm>> -> memref<1296xf32, #tpu.memory_space<hbm>>
      %dma_start3A_429 = tpu.memref_slice %arg2[%mul3A_0] : memref<20736xf32, #tpu.memory_space<hbm>> -> memref<1296xf32, #tpu.memory_space<hbm>>
      tpu.enqueue_dma source(%dma_start3A_429 : memref<1296xf32, #tpu.memory_space<hbm>>) target(%arg13 : memref<1296xf32, #tpu.memory_space<vmem>>) target_semaphore(%run_scoped3A : memref<!tpu.dma_semaphore, #tpu.memory_space<semaphore_mem>>)
      %dma_wait3A = tpu.memref_slice %arg2[%mul3A_0] : memref<20736xf32, #tpu.memory_space<hbm>> -> memref<1296xf32, #tpu.memory_space<hbm>>
      %dma_wait3A_430 = tpu.memref_slice %arg2[%mul3A_0] : memref<20736xf32, #tpu.memory_space<hbm>> -> memref<1296xf32, #tpu.memory_space<hbm>>
      tpu.wait_dma2 semaphore(%run_scoped3A : memref<!tpu.dma_semaphore, #tpu.memory_space<semaphore_mem>>) src(%dma_wait3A_430 : memref<1296xf32, #tpu.memory_space<hbm>>) dst(%arg13 : memref<1296xf32, #tpu.memory_space<vmem>>)
      tpu.yield
    }) : () -> ()
    "tpu.region"() ({
      %run_scoped3A = tpu.sem_alloc : memref<!tpu.dma_semaphore, #tpu.memory_space<semaphore_mem>>
      %dma_start3A = tpu.memref_slice %arg3[%mul3A_0] : memref<20736xf32, #tpu.memory_space<hbm>> -> memref<1296xf32, #tpu.memory_space<hbm>>
      %dma_start3A_429 = tpu.memref_slice %arg3[%mul3A_0] : memref<20736xf32, #tpu.memory_space<hbm>> -> memref<1296xf32, #tpu.memory_space<hbm>>
      tpu.enqueue_dma source(%dma_start3A_429 : memref<1296xf32, #tpu.memory_space<hbm>>) target(%arg14 : memref<1296xf32, #tpu.memory_space<vmem>>) target_semaphore(%run_scoped3A : memref<!tpu.dma_semaphore, #tpu.memory_space<semaphore_mem>>)
      %dma_wait3A = tpu.memref_slice %arg3[%mul3A_0] : memref<20736xf32, #tpu.memory_space<hbm>> -> memref<1296xf32, #tpu.memory_space<hbm>>
      %dma_wait3A_430 = tpu.memref_slice %arg3[%mul3A_0] : memref<20736xf32, #tpu.memory_space<hbm>> -> memref<1296xf32, #tpu.memory_space<hbm>>
      tpu.wait_dma2 semaphore(%run_scoped3A : memref<!tpu.dma_semaphore, #tpu.memory_space<semaphore_mem>>) src(%dma_wait3A_430 : memref<1296xf32, #tpu.memory_space<hbm>>) dst(%arg14 : memref<1296xf32, #tpu.memory_space<vmem>>)
      tpu.yield
    }) : () -> ()
    "tpu.region"() ({
      %run_scoped3A = tpu.sem_alloc : memref<!tpu.dma_semaphore, #tpu.memory_space<semaphore_mem>>
      %dma_start3A = tpu.memref_slice %arg4[%mul3A_0] : memref<20736xf32, #tpu.memory_space<hbm>> -> memref<1296xf32, #tpu.memory_space<hbm>>
      %dma_start3A_429 = tpu.memref_slice %arg4[%mul3A_0] : memref<20736xf32, #tpu.memory_space<hbm>> -> memref<1296xf32, #tpu.memory_space<hbm>>
      tpu.enqueue_dma source(%dma_start3A_429 : memref<1296xf32, #tpu.memory_space<hbm>>) target(%arg15 : memref<1296xf32, #tpu.memory_space<vmem>>) target_semaphore(%run_scoped3A : memref<!tpu.dma_semaphore, #tpu.memory_space<semaphore_mem>>)
      %dma_wait3A = tpu.memref_slice %arg4[%mul3A_0] : memref<20736xf32, #tpu.memory_space<hbm>> -> memref<1296xf32, #tpu.memory_space<hbm>>
      %dma_wait3A_430 = tpu.memref_slice %arg4[%mul3A_0] : memref<20736xf32, #tpu.memory_space<hbm>> -> memref<1296xf32, #tpu.memory_space<hbm>>
      tpu.wait_dma2 semaphore(%run_scoped3A : memref<!tpu.dma_semaphore, #tpu.memory_space<semaphore_mem>>) src(%dma_wait3A_430 : memref<1296xf32, #tpu.memory_space<hbm>>) dst(%arg15 : memref<1296xf32, #tpu.memory_space<vmem>>)
      tpu.yield
    }) : () -> ()
    "tpu.region"() ({
      %run_scoped3A = tpu.sem_alloc : memref<!tpu.dma_semaphore, #tpu.memory_space<semaphore_mem>>
      %dma_start3A = tpu.memref_slice %arg5[%mul3A_0] : memref<20736xf32, #tpu.memory_space<hbm>> -> memref<1296xf32, #tpu.memory_space<hbm>>
      %dma_start3A_429 = tpu.memref_slice %arg5[%mul3A_0] : memref<20736xf32, #tpu.memory_space<hbm>> -> memref<1296xf32, #tpu.memory_space<hbm>>
      tpu.enqueue_dma source(%dma_start3A_429 : memref<1296xf32, #tpu.memory_space<hbm>>) target(%arg16 : memref<1296xf32, #tpu.memory_space<vmem>>) target_semaphore(%run_scoped3A : memref<!tpu.dma_semaphore, #tpu.memory_space<semaphore_mem>>)
      %dma_wait3A = tpu.memref_slice %arg5[%mul3A_0] : memref<20736xf32, #tpu.memory_space<hbm>> -> memref<1296xf32, #tpu.memory_space<hbm>>
      %dma_wait3A_430 = tpu.memref_slice %arg5[%mul3A_0] : memref<20736xf32, #tpu.memory_space<hbm>> -> memref<1296xf32, #tpu.memory_space<hbm>>
      tpu.wait_dma2 semaphore(%run_scoped3A : memref<!tpu.dma_semaphore, #tpu.memory_space<semaphore_mem>>) src(%dma_wait3A_430 : memref<1296xf32, #tpu.memory_space<hbm>>) dst(%arg16 : memref<1296xf32, #tpu.memory_space<vmem>>)
      tpu.yield
    }) : () -> ()
    "tpu.region"() ({
      %run_scoped3A = tpu.sem_alloc : memref<!tpu.dma_semaphore, #tpu.memory_space<semaphore_mem>>
      %dma_start3A = tpu.memref_slice %arg6[%mul3A_0] : memref<20736xf32, #tpu.memory_space<hbm>> -> memref<1296xf32, #tpu.memory_space<hbm>>
      %dma_start3A_429 = tpu.memref_slice %arg6[%mul3A_0] : memref<20736xf32, #tpu.memory_space<hbm>> -> memref<1296xf32, #tpu.memory_space<hbm>>
      tpu.enqueue_dma source(%dma_start3A_429 : memref<1296xf32, #tpu.memory_space<hbm>>) target(%arg17 : memref<1296xf32, #tpu.memory_space<vmem>>) target_semaphore(%run_scoped3A : memref<!tpu.dma_semaphore, #tpu.memory_space<semaphore_mem>>)
      %dma_wait3A = tpu.memref_slice %arg6[%mul3A_0] : memref<20736xf32, #tpu.memory_space<hbm>> -> memref<1296xf32, #tpu.memory_space<hbm>>
      %dma_wait3A_430 = tpu.memref_slice %arg6[%mul3A_0] : memref<20736xf32, #tpu.memory_space<hbm>> -> memref<1296xf32, #tpu.memory_space<hbm>>
      tpu.wait_dma2 semaphore(%run_scoped3A : memref<!tpu.dma_semaphore, #tpu.memory_space<semaphore_mem>>) src(%dma_wait3A_430 : memref<1296xf32, #tpu.memory_space<hbm>>) dst(%arg17 : memref<1296xf32, #tpu.memory_space<vmem>>)
      tpu.yield
    }) : () -> ()
    "tpu.region"() ({
      %run_scoped3A = tpu.sem_alloc : memref<!tpu.dma_semaphore, #tpu.memory_space<semaphore_mem>>
      %dma_start3A = tpu.memref_slice %arg7[%mul3A_0] : memref<20736xf32, #tpu.memory_space<hbm>> -> memref<1296xf32, #tpu.memory_space<hbm>>
      %dma_start3A_429 = tpu.memref_slice %arg7[%mul3A_0] : memref<20736xf32, #tpu.memory_space<hbm>> -> memref<1296xf32, #tpu.memory_space<hbm>>
      tpu.enqueue_dma source(%dma_start3A_429 : memref<1296xf32, #tpu.memory_space<hbm>>) target(%arg18 : memref<1296xf32, #tpu.memory_space<vmem>>) target_semaphore(%run_scoped3A : memref<!tpu.dma_semaphore, #tpu.memory_space<semaphore_mem>>)
      %dma_wait3A = tpu.memref_slice %arg7[%mul3A_0] : memref<20736xf32, #tpu.memory_space<hbm>> -> memref<1296xf32, #tpu.memory_space<hbm>>
      %dma_wait3A_430 = tpu.memref_slice %arg7[%mul3A_0] : memref<20736xf32, #tpu.memory_space<hbm>> -> memref<1296xf32, #tpu.memory_space<hbm>>
      tpu.wait_dma2 semaphore(%run_scoped3A : memref<!tpu.dma_semaphore, #tpu.memory_space<semaphore_mem>>) src(%dma_wait3A_430 : memref<1296xf32, #tpu.memory_space<hbm>>) dst(%arg18 : memref<1296xf32, #tpu.memory_space<vmem>>)
      tpu.yield
    }) : () -> ()
    "tpu.region"() ({
      %run_scoped3A = tpu.sem_alloc : memref<!tpu.dma_semaphore, #tpu.memory_space<semaphore_mem>>
      %dma_start3A = tpu.memref_slice %arg8[%mul3A_0] : memref<20736xf32, #tpu.memory_space<hbm>> -> memref<1296xf32, #tpu.memory_space<hbm>>
      %dma_start3A_429 = tpu.memref_slice %arg8[%mul3A_0] : memref<20736xf32, #tpu.memory_space<hbm>> -> memref<1296xf32, #tpu.memory_space<hbm>>
      tpu.enqueue_dma source(%dma_start3A_429 : memref<1296xf32, #tpu.memory_space<hbm>>) target(%arg19 : memref<1296xf32, #tpu.memory_space<vmem>>) target_semaphore(%run_scoped3A : memref<!tpu.dma_semaphore, #tpu.memory_space<semaphore_mem>>)
      %dma_wait3A = tpu.memref_slice %arg8[%mul3A_0] : memref<20736xf32, #tpu.memory_space<hbm>> -> memref<1296xf32, #tpu.memory_space<hbm>>
      %dma_wait3A_430 = tpu.memref_slice %arg8[%mul3A_0] : memref<20736xf32, #tpu.memory_space<hbm>> -> memref<1296xf32, #tpu.memory_space<hbm>>
      tpu.wait_dma2 semaphore(%run_scoped3A : memref<!tpu.dma_semaphore, #tpu.memory_space<semaphore_mem>>) src(%dma_wait3A_430 : memref<1296xf32, #tpu.memory_space<hbm>>) dst(%arg19 : memref<1296xf32, #tpu.memory_space<vmem>>)
      tpu.yield
    }) : () -> ()
    "tpu.region"() ({
      %run_scoped3A = tpu.sem_alloc : memref<!tpu.dma_semaphore, #tpu.memory_space<semaphore_mem>>
      %dma_start3A = tpu.memref_slice %arg9[%mul3A_0] : memref<20736xf32, #tpu.memory_space<hbm>> -> memref<1296xf32, #tpu.memory_space<hbm>>
      %dma_start3A_429 = tpu.memref_slice %arg9[%mul3A_0] : memref<20736xf32, #tpu.memory_space<hbm>> -> memref<1296xf32, #tpu.memory_space<hbm>>
      tpu.enqueue_dma source(%dma_start3A_429 : memref<1296xf32, #tpu.memory_space<hbm>>) target(%arg20 : memref<1296xf32, #tpu.memory_space<vmem>>) target_semaphore(%run_scoped3A : memref<!tpu.dma_semaphore, #tpu.memory_space<semaphore_mem>>)
      %dma_wait3A = tpu.memref_slice %arg9[%mul3A_0] : memref<20736xf32, #tpu.memory_space<hbm>> -> memref<1296xf32, #tpu.memory_space<hbm>>
      %dma_wait3A_430 = tpu.memref_slice %arg9[%mul3A_0] : memref<20736xf32, #tpu.memory_space<hbm>> -> memref<1296xf32, #tpu.memory_space<hbm>>
      tpu.wait_dma2 semaphore(%run_scoped3A : memref<!tpu.dma_semaphore, #tpu.memory_space<semaphore_mem>>) src(%dma_wait3A_430 : memref<1296xf32, #tpu.memory_space<hbm>>) dst(%arg20 : memref<1296xf32, #tpu.memory_space<vmem>>)
      tpu.yield
    }) : () -> ()
    "tpu.region"() ({
      %run_scoped3A = tpu.sem_alloc : memref<!tpu.dma_semaphore, #tpu.memory_space<semaphore_mem>>
      %dma_start3A = tpu.memref_slice %arg10[%mul3A_0] : memref<20736xf32, #tpu.memory_space<hbm>> -> memref<1296xf32, #tpu.memory_space<hbm>>
      %dma_start3A_429 = tpu.memref_slice %arg10[%mul3A_0] : memref<20736xf32, #tpu.memory_space<hbm>> -> memref<1296xf32, #tpu.memory_space<hbm>>
      tpu.enqueue_dma source(%dma_start3A_429 : memref<1296xf32, #tpu.memory_space<hbm>>) target(%arg21 : memref<1296xf32, #tpu.memory_space<vmem>>) target_semaphore(%run_scoped3A : memref<!tpu.dma_semaphore, #tpu.memory_space<semaphore_mem>>)
      %dma_wait3A = tpu.memref_slice %arg10[%mul3A_0] : memref<20736xf32, #tpu.memory_space<hbm>> -> memref<1296xf32, #tpu.memory_space<hbm>>
      %dma_wait3A_430 = tpu.memref_slice %arg10[%mul3A_0] : memref<20736xf32, #tpu.memory_space<hbm>> -> memref<1296xf32, #tpu.memory_space<hbm>>
      tpu.wait_dma2 semaphore(%run_scoped3A : memref<!tpu.dma_semaphore, #tpu.memory_space<semaphore_mem>>) src(%dma_wait3A_430 : memref<1296xf32, #tpu.memory_space<hbm>>) dst(%arg21 : memref<1296xf32, #tpu.memory_space<vmem>>)
      tpu.yield
    }) : () -> ()
    "tpu.region"() ({
      %run_scoped3A = tpu.sem_alloc : memref<!tpu.dma_semaphore, #tpu.memory_space<semaphore_mem>>
      %dma_start3A = tpu.memref_slice %arg11[%mul3A_0] : memref<20736xf32, #tpu.memory_space<hbm>> -> memref<1296xf32, #tpu.memory_space<hbm>>
      %dma_start3A_429 = tpu.memref_slice %arg11[%mul3A_0] : memref<20736xf32, #tpu.memory_space<hbm>> -> memref<1296xf32, #tpu.memory_space<hbm>>
      tpu.enqueue_dma source(%dma_start3A_429 : memref<1296xf32, #tpu.memory_space<hbm>>) target(%arg22 : memref<1296xf32, #tpu.memory_space<vmem>>) target_semaphore(%run_scoped3A : memref<!tpu.dma_semaphore, #tpu.memory_space<semaphore_mem>>)
      %dma_wait3A = tpu.memref_slice %arg11[%mul3A_0] : memref<20736xf32, #tpu.memory_space<hbm>> -> memref<1296xf32, #tpu.memory_space<hbm>>
      %dma_wait3A_430 = tpu.memref_slice %arg11[%mul3A_0] : memref<20736xf32, #tpu.memory_space<hbm>> -> memref<1296xf32, #tpu.memory_space<hbm>>
      tpu.wait_dma2 semaphore(%run_scoped3A : memref<!tpu.dma_semaphore, #tpu.memory_space<semaphore_mem>>) src(%dma_wait3A_430 : memref<1296xf32, #tpu.memory_space<hbm>>) dst(%arg22 : memref<1296xf32, #tpu.memory_space<vmem>>)
      tpu.yield
    }) : () -> ()
    %scan3A = arith.constant 0 : i32
    %scan3A_12 = arith.constant 0 : i32
    %scan3A_13 = arith.constant 77 : i32
    %scan3A_14 = arith.addi %scan3A_12, %scan3A_13 : i32
    %scan3A_15 = arith.constant 1 : i32
    scf.for %scan3A_429 = %scan3A_12 to %scan3A_14 step %scan3A_15  : i32 {
      %broadcast_in_dim3A_430 = arith.constant 0.000000e+00 : f32
      %broadcast_in_dim3A_431 = vector.broadcast %broadcast_in_dim3A_430 : f32 to vector<16xf32>
      %mul3A_432 = arith.constant 16 : i32
      %mul3A_433 = arith.muli %scan3A_429, %mul3A_432 : i32
      %swap3A_434 = arith.index_cast %mul3A_433 : i32 to index
      %swap3A_435 = tpu.vector_load %arg32[%swap3A_434] {strides = array<i32>} : memref<1232xf32, #tpu.memory_space<vmem>>, vector<16xf32>,
      tpu.vector_store %arg32[%swap3A_434], %broadcast_in_dim3A_431 {strides = array<i32>} : memref<1232xf32, #tpu.memory_space<vmem>>, vector<16xf32>,
    }
    %scan3A_16 = arith.constant 77 : i32
    %broadcast_in_dim3A = arith.constant 0xFF800000 : f32
    %broadcast_in_dim3A_17 = vector.broadcast %broadcast_in_dim3A : f32 to vector<16xf32>
    %broadcast_in_dim3A_18 = arith.constant 0 : i32
    %broadcast_in_dim3A_19 = vector.broadcast %broadcast_in_dim3A_18 : i32 to vector<16xi32>
    %scan3A_20 = arith.constant 0 : i32
    %scan3A_21 = arith.constant 81 : i32
    %scan3A_22 = arith.addi %scan3A_20, %scan3A_21 : i32
    %scan3A_23 = arith.constant 1 : i32
    %scan3A_24:5 = scf.for %scan3A_429 = %scan3A_20 to %scan3A_22 step %scan3A_23 iter_args(%scan3A_430 = %broadcast_in_dim3A_17, %scan3A_431 = %broadcast_in_dim3A_19, %scan3A_432 = %broadcast_in_dim3A_17, %scan3A_433 = %broadcast_in_dim3A_19, %scan3A_434 = %iota3A) -> (vector<16xf32>, vector<16xi32>, vector<16xf32>, vector<16xi32>, vector<16xi32>)  : i32 {
      %mul3A_435 = arith.constant 16 : i32
      %mul3A_436 = arith.muli %scan3A_429, %mul3A_435 : i32
      %get3A = arith.index_cast %mul3A_436 : i32 to index
      %get3A_437 = tpu.vector_load %arg13[%get3A] {strides = array<i32>} : memref<1296xf32, #tpu.memory_space<vmem>>, vector<16xf32>,
      %get3A_438 = arith.index_cast %mul3A_436 : i32 to index
      %get3A_439 = tpu.vector_load %arg14[%get3A_438] {strides = array<i32>} : memref<1296xf32, #tpu.memory_space<vmem>>, vector<16xf32>,
      %max3A_440 = arith.maximumf %get3A_437, %get3A_439 : vector<16xf32>
      %sub3A_441 = arith.subf %get3A_437, %max3A_440 : vector<16xf32>
      %exp3A = math.exp %sub3A_441 : vector<16xf32>
      %sub3A_442 = arith.subf %get3A_439, %max3A_440 : vector<16xf32>
      %exp3A_443 = math.exp %sub3A_442 : vector<16xf32>
      %add3A_444 = arith.addf %exp3A, %exp3A_443 : vector<16xf32>
      %div3A_445 = arith.divf %exp3A_443, %add3A_444 : vector<16xf32>
      %get3A_446 = arith.index_cast %mul3A_436 : i32 to index
      %get3A_447 = tpu.vector_load %arg19[%get3A_446] {strides = array<i32>} : memref<1296xf32, #tpu.memory_space<vmem>>, vector<16xf32>,
      %get3A_448 = arith.index_cast %mul3A_436 : i32 to index
      %get3A_449 = tpu.vector_load %arg20[%get3A_448] {strides = array<i32>} : memref<1296xf32, #tpu.memory_space<vmem>>, vector<16xf32>,
      %get3A_450 = arith.index_cast %mul3A_436 : i32 to index
      %get3A_451 = tpu.vector_load %arg21[%get3A_450] {strides = array<i32>} : memref<1296xf32, #tpu.memory_space<vmem>>, vector<16xf32>,
      %get3A_452 = arith.index_cast %mul3A_436 : i32 to index
      %get3A_453 = tpu.vector_load %arg22[%get3A_452] {strides = array<i32>} : memref<1296xf32, #tpu.memory_space<vmem>>, vector<16xf32>,
      %sub3A_454 = arith.subf %get3A_451, %get3A_447 : vector<16xf32>
      %sub3A_455 = arith.subf %get3A_453, %get3A_449 : vector<16xf32>
      %mul3A_456 = arith.constant 5.000000e-01 : f32
      %mul3A_457 = vector.broadcast %mul3A_456 : f32 to vector<16xf32>
      %mul3A_458 = arith.mulf %sub3A_454, %mul3A_457 : vector<16xf32>
      %add3A_459 = arith.addf %get3A_447, %mul3A_458 : vector<16xf32>
      %get3A_460 = arith.index_cast %mul3A_436 : i32 to index
      %get3A_461 = tpu.vector_load %arg15[%get3A_460] {strides = array<i32>} : memref<1296xf32, #tpu.memory_space<vmem>>, vector<16xf32>,
      %mul3A_462 = arith.mulf %get3A_461, %sub3A_454 : vector<16xf32>
      %add3A_463 = arith.addf %add3A_459, %mul3A_462 : vector<16xf32>
      %mul3A_464 = arith.constant 5.000000e-01 : f32
      %mul3A_465 = vector.broadcast %mul3A_464 : f32 to vector<16xf32>
      %mul3A_466 = arith.mulf %sub3A_455, %mul3A_465 : vector<16xf32>
      %add3A_467 = arith.addf %get3A_449, %mul3A_466 : vector<16xf32>
      %get3A_468 = arith.index_cast %mul3A_436 : i32 to index
      %get3A_469 = tpu.vector_load %arg16[%get3A_468] {strides = array<i32>} : memref<1296xf32, #tpu.memory_space<vmem>>, vector<16xf32>,
      %mul3A_470 = arith.mulf %get3A_469, %sub3A_455 : vector<16xf32>
      %add3A_471 = arith.addf %add3A_467, %mul3A_470 : vector<16xf32>
      %get3A_472 = arith.index_cast %mul3A_436 : i32 to index
      %get3A_473 = tpu.vector_load %arg17[%get3A_472] {strides = array<i32>} : memref<1296xf32, #tpu.memory_space<vmem>>, vector<16xf32>,
      %exp3A_474 = math.exp %get3A_473 : vector<16xf32>
      %mul3A_475 = arith.mulf %sub3A_454, %exp3A_474 : vector<16xf32>
      %get3A_476 = arith.index_cast %mul3A_436 : i32 to index
      %get3A_477 = tpu.vector_load %arg18[%get3A_476] {strides = array<i32>} : memref<1296xf32, #tpu.memory_space<vmem>>, vector<16xf32>,
      %exp3A_478 = math.exp %get3A_477 : vector<16xf32>
      %mul3A_479 = arith.mulf %sub3A_455, %exp3A_478 : vector<16xf32>
      %mul3A_480 = arith.constant 5.000000e-01 : f32
      %mul3A_481 = vector.broadcast %mul3A_480 : f32 to vector<16xf32>
      %mul3A_482 = arith.mulf %mul3A_475, %mul3A_481 : vector<16xf32>
      %sub3A_483 = arith.subf %add3A_463, %mul3A_482 : vector<16xf32>
      %max3A_484 = arith.constant 0.000000e+00 : f32
      %max3A_485 = vector.broadcast %max3A_484 : f32 to vector<16xf32>
      %max3A_486 = arith.maximumf %sub3A_483, %max3A_485 : vector<16xf32>
      %min3A_487 = arith.constant 7.680000e+02 : f32
      %min3A_488 = vector.broadcast %min3A_487 : f32 to vector<16xf32>
      %min3A_489 = arith.minimumf %max3A_486, %min3A_488 : vector<16xf32>
      %mul3A_490 = arith.constant 5.000000e-01 : f32
      %mul3A_491 = vector.broadcast %mul3A_490 : f32 to vector<16xf32>
      %mul3A_492 = arith.mulf %mul3A_479, %mul3A_491 : vector<16xf32>
      %sub3A_493 = arith.subf %add3A_471, %mul3A_492 : vector<16xf32>
      %max3A_494 = arith.constant 0.000000e+00 : f32
      %max3A_495 = vector.broadcast %max3A_494 : f32 to vector<16xf32>
      %max3A_496 = arith.maximumf %sub3A_493, %max3A_495 : vector<16xf32>
      %min3A_497 = arith.constant 7.680000e+02 : f32
      %min3A_498 = vector.broadcast %min3A_497 : f32 to vector<16xf32>
      %min3A_499 = arith.minimumf %max3A_496, %min3A_498 : vector<16xf32>
      %mul3A_500 = arith.constant 5.000000e-01 : f32
      %mul3A_501 = vector.broadcast %mul3A_500 : f32 to vector<16xf32>
      %mul3A_502 = arith.mulf %mul3A_475, %mul3A_501 : vector<16xf32>
      %add3A_503 = arith.addf %add3A_463, %mul3A_502 : vector<16xf32>
      %max3A_504 = arith.constant 0.000000e+00 : f32
      %max3A_505 = vector.broadcast %max3A_504 : f32 to vector<16xf32>
      %max3A_506 = arith.maximumf %add3A_503, %max3A_505 : vector<16xf32>
      %min3A_507 = arith.constant 7.680000e+02 : f32
      %min3A_508 = vector.broadcast %min3A_507 : f32 to vector<16xf32>
      %min3A_509 = arith.minimumf %max3A_506, %min3A_508 : vector<16xf32>
      %mul3A_510 = arith.constant 5.000000e-01 : f32
      %mul3A_511 = vector.broadcast %mul3A_510 : f32 to vector<16xf32>
      %mul3A_512 = arith.mulf %mul3A_479, %mul3A_511 : vector<16xf32>
      %add3A_513 = arith.addf %add3A_471, %mul3A_512 : vector<16xf32>
      %max3A_514 = arith.constant 0.000000e+00 : f32
      %max3A_515 = vector.broadcast %max3A_514 : f32 to vector<16xf32>
      %max3A_516 = arith.maximumf %add3A_513, %max3A_515 : vector<16xf32>
      %min3A_517 = arith.constant 7.680000e+02 : f32
      %min3A_518 = vector.broadcast %min3A_517 : f32 to vector<16xf32>
      %min3A_519 = arith.minimumf %max3A_516, %min3A_518 : vector<16xf32>
      %sub3A_520 = arith.subf %min3A_509, %min3A_489 : vector<16xf32>
      %max3A_521 = arith.constant 0.000000e+00 : f32
      %max3A_522 = vector.broadcast %max3A_521 : f32 to vector<16xf32>
      %max3A_523 = arith.maximumf %sub3A_520, %max3A_522 : vector<16xf32>
      %sub3A_524 = arith.subf %min3A_519, %min3A_499 : vector<16xf32>
      %max3A_525 = arith.constant 0.000000e+00 : f32
      %max3A_526 = vector.broadcast %max3A_525 : f32 to vector<16xf32>
      %max3A_527 = arith.maximumf %sub3A_524, %max3A_526 : vector<16xf32>
      %mul3A_528 = arith.mulf %max3A_523, %max3A_527 : vector<16xf32>
      %ge3A = arith.constant 5.000000e-01 : f32
      %ge3A_529 = vector.broadcast %ge3A : f32 to vector<16xf32>
      %ge3A_530 = arith.cmpf oge, %div3A_445, %ge3A_529 : vector<16xf32>
      %jit3A_531 = arith.constant 0xFF800000 : f32
      %broadcast_in_dim3A_532 = vector.broadcast %jit3A_531 : f32 to vector<16xf32>
      %select_n3A_533 = arith.select %ge3A_530, %div3A_445, %broadcast_in_dim3A_532 : vector<16xi1>, vector<16xf32>
      %swap3A_534 = arith.index_cast %mul3A_436 : i32 to index
      %swap3A_535 = tpu.vector_load %arg23[%swap3A_534] {strides = array<i32>} : memref<1296xf32, #tpu.memory_space<vmem>>, vector<16xf32>,
      tpu.vector_store %arg23[%swap3A_534], %min3A_489 {strides = array<i32>} : memref<1296xf32, #tpu.memory_space<vmem>>, vector<16xf32>,
      %swap3A_536 = arith.index_cast %mul3A_436 : i32 to index
      %swap3A_537 = tpu.vector_load %arg24[%swap3A_536] {strides = array<i32>} : memref<1296xf32, #tpu.memory_space<vmem>>, vector<16xf32>,
      tpu.vector_store %arg24[%swap3A_536], %min3A_499 {strides = array<i32>} : memref<1296xf32, #tpu.memory_space<vmem>>, vector<16xf32>,
      %swap3A_538 = arith.index_cast %mul3A_436 : i32 to index
      %swap3A_539 = tpu.vector_load %arg25[%swap3A_538] {strides = array<i32>} : memref<1296xf32, #tpu.memory_space<vmem>>, vector<16xf32>,
      tpu.vector_store %arg25[%swap3A_538], %min3A_509 {strides = array<i32>} : memref<1296xf32, #tpu.memory_space<vmem>>, vector<16xf32>,
      %swap3A_540 = arith.index_cast %mul3A_436 : i32 to index
      %swap3A_541 = tpu.vector_load %arg26[%swap3A_540] {strides = array<i32>} : memref<1296xf32, #tpu.memory_space<vmem>>, vector<16xf32>,
      tpu.vector_store %arg26[%swap3A_540], %min3A_519 {strides = array<i32>} : memref<1296xf32, #tpu.memory_space<vmem>>, vector<16xf32>,
      %swap3A_542 = arith.index_cast %mul3A_436 : i32 to index
      %swap3A_543 = tpu.vector_load %arg27[%swap3A_542] {strides = array<i32>} : memref<1296xf32, #tpu.memory_space<vmem>>, vector<16xf32>,
      tpu.vector_store %arg27[%swap3A_542], %mul3A_528 {strides = array<i32>} : memref<1296xf32, #tpu.memory_space<vmem>>, vector<16xf32>,
      %swap3A_544 = arith.index_cast %mul3A_436 : i32 to index
      %swap3A_545 = tpu.vector_load %arg28[%swap3A_544] {strides = array<i32>} : memref<1296xf32, #tpu.memory_space<vmem>>, vector<16xf32>,
      tpu.vector_store %arg28[%swap3A_544], %select_n3A_533 {strides = array<i32>} : memref<1296xf32, #tpu.memory_space<vmem>>, vector<16xf32>,
      %gt3A_546 = arith.cmpf ogt, %select_n3A_533, %scan3A_430 : vector<16xf32>
      %gt3A_547 = arith.cmpf ogt, %select_n3A_533, %scan3A_432 : vector<16xf32>
      %select_n3A_548 = arith.select %gt3A_547, %select_n3A_533, %scan3A_432 : vector<16xi1>, vector<16xf32>
      %select_n3A_549 = arith.select %gt3A_546, %scan3A_430, %select_n3A_548 : vector<16xi1>, vector<16xf32>
      %select_n3A_550 = arith.select %gt3A_547, %scan3A_434, %scan3A_433 : vector<16xi1>, vector<16xi32>
      %select_n3A_551 = arith.select %gt3A_546, %scan3A_431, %select_n3A_550 : vector<16xi1>, vector<16xi32>
      %select_n3A_552 = arith.select %gt3A_546, %select_n3A_533, %scan3A_430 : vector<16xi1>, vector<16xf32>
      %select_n3A_553 = arith.select %gt3A_546, %scan3A_434, %scan3A_431 : vector<16xi1>, vector<16xi32>
      %add3A_554 = arith.constant 16 : i32
      %add3A_555 = vector.broadcast %add3A_554 : i32 to vector<16xi32>
      %add3A_556 = arith.addi %scan3A_434, %add3A_555 : vector<16xi32>
      scf.yield %select_n3A_552, %select_n3A_553, %select_n3A_549, %select_n3A_551, %add3A_556 : vector<16xf32>, vector<16xi32>, vector<16xf32>, vector<16xi32>, vector<16xi32>
    }
    %scan3A_25 = arith.constant 81 : i32
    %broadcast_in_dim3A_26 = vector.shape_cast %xor3A_2 : vector<16xi32> to vector<16x1xi32>
    %gather3A = vector.shape_cast %broadcast_in_dim3A_26 : vector<16x1xi32> to vector<16xi32>
    %gather3A_27 = tpu.dynamic_gather %scan3A_24#0[%gather3A] in [0] : vector<16xf32>, vector<16xi32> -> vector<16xf32>
    %max3A = arith.maximumf %scan3A_24#0, %gather3A_27 : vector<16xf32>
    %broadcast_in_dim3A_28 = vector.shape_cast %xor3A_5 : vector<16xi32> to vector<16x1xi32>
    %gather3A_29 = vector.shape_cast %broadcast_in_dim3A_28 : vector<16x1xi32> to vector<16xi32>
    %gather3A_30 = tpu.dynamic_gather %max3A[%gather3A_29] in [0] : vector<16xf32>, vector<16xi32> -> vector<16xf32>
    %max3A_31 = arith.maximumf %max3A, %gather3A_30 : vector<16xf32>
    %broadcast_in_dim3A_32 = vector.shape_cast %xor3A_8 : vector<16xi32> to vector<16x1xi32>
    %gather3A_33 = vector.shape_cast %broadcast_in_dim3A_32 : vector<16x1xi32> to vector<16xi32>
    %gather3A_34 = tpu.dynamic_gather %max3A_31[%gather3A_33] in [0] : vector<16xf32>, vector<16xi32> -> vector<16xf32>
    %max3A_35 = arith.maximumf %max3A_31, %gather3A_34 : vector<16xf32>
    %broadcast_in_dim3A_36 = vector.shape_cast %xor3A_11 : vector<16xi32> to vector<16x1xi32>
    %gather3A_37 = vector.shape_cast %broadcast_in_dim3A_36 : vector<16x1xi32> to vector<16xi32>
    %gather3A_38 = tpu.dynamic_gather %max3A_35[%gather3A_37] in [0] : vector<16xf32>, vector<16xi32> -> vector<16xf32>
    %max3A_39 = arith.maximumf %max3A_35, %gather3A_38 : vector<16xf32>
    %eq3A = arith.cmpf oeq, %scan3A_24#0, %max3A_39 : vector<16xf32>
    %jit3A = arith.constant 1073741824 : i32
    %broadcast_in_dim3A_40 = vector.broadcast %jit3A : i32 to vector<16xi32>
    %select_n3A = arith.select %eq3A, %scan3A_24#1, %broadcast_in_dim3A_40 : vector<16xi1>, vector<16xi32>
    %broadcast_in_dim3A_41 = vector.shape_cast %xor3A_2 : vector<16xi32> to vector<16x1xi32>
    %gather3A_42 = vector.shape_cast %broadcast_in_dim3A_41 : vector<16x1xi32> to vector<16xi32>
    %gather3A_43 = tpu.dynamic_gather %select_n3A[%gather3A_42] in [0] : vector<16xi32>, vector<16xi32> -> vector<16xi32>
    %min3A = arith.minsi %select_n3A, %gather3A_43 : vector<16xi32>
    %broadcast_in_dim3A_44 = vector.shape_cast %xor3A_5 : vector<16xi32> to vector<16x1xi32>
    %gather3A_45 = vector.shape_cast %broadcast_in_dim3A_44 : vector<16x1xi32> to vector<16xi32>
    %gather3A_46 = tpu.dynamic_gather %min3A[%gather3A_45] in [0] : vector<16xi32>, vector<16xi32> -> vector<16xi32>
    %min3A_47 = arith.minsi %min3A, %gather3A_46 : vector<16xi32>
    %broadcast_in_dim3A_48 = vector.shape_cast %xor3A_8 : vector<16xi32> to vector<16x1xi32>
    %gather3A_49 = vector.shape_cast %broadcast_in_dim3A_48 : vector<16x1xi32> to vector<16xi32>
    %gather3A_50 = tpu.dynamic_gather %min3A_47[%gather3A_49] in [0] : vector<16xi32>, vector<16xi32> -> vector<16xi32>
    %min3A_51 = arith.minsi %min3A_47, %gather3A_50 : vector<16xi32>
    %broadcast_in_dim3A_52 = vector.shape_cast %xor3A_11 : vector<16xi32> to vector<16x1xi32>
    %gather3A_53 = vector.shape_cast %broadcast_in_dim3A_52 : vector<16x1xi32> to vector<16xi32>
    %gather3A_54 = tpu.dynamic_gather %min3A_51[%gather3A_53] in [0] : vector<16xi32>, vector<16xi32> -> vector<16xi32>
    %min3A_55 = arith.minsi %min3A_51, %gather3A_54 : vector<16xi32>
    %eq3A_56 = arith.cmpi eq, %scan3A_24#1, %min3A_55 : vector<16xi32>
    %select_n3A_57 = arith.select %eq3A_56, %scan3A_24#2, %scan3A_24#0 : vector<16xi1>, vector<16xf32>
    %select_n3A_58 = arith.select %eq3A_56, %scan3A_24#3, %scan3A_24#1 : vector<16xi1>, vector<16xi32>
    %broadcast_in_dim3A_59 = vector.shape_cast %xor3A_2 : vector<16xi32> to vector<16x1xi32>
    %gather3A_60 = vector.shape_cast %broadcast_in_dim3A_59 : vector<16x1xi32> to vector<16xi32>
    %gather3A_61 = tpu.dynamic_gather %select_n3A_57[%gather3A_60] in [0] : vector<16xf32>, vector<16xi32> -> vector<16xf32>
    %max3A_62 = arith.maximumf %select_n3A_57, %gather3A_61 : vector<16xf32>
    %broadcast_in_dim3A_63 = vector.shape_cast %xor3A_5 : vector<16xi32> to vector<16x1xi32>
    %gather3A_64 = vector.shape_cast %broadcast_in_dim3A_63 : vector<16x1xi32> to vector<16xi32>
    %gather3A_65 = tpu.dynamic_gather %max3A_62[%gather3A_64] in [0] : vector<16xf32>, vector<16xi32> -> vector<16xf32>
    %max3A_66 = arith.maximumf %max3A_62, %gather3A_65 : vector<16xf32>
    %broadcast_in_dim3A_67 = vector.shape_cast %xor3A_8 : vector<16xi32> to vector<16x1xi32>
    %gather3A_68 = vector.shape_cast %broadcast_in_dim3A_67 : vector<16x1xi32> to vector<16xi32>
    %gather3A_69 = tpu.dynamic_gather %max3A_66[%gather3A_68] in [0] : vector<16xf32>, vector<16xi32> -> vector<16xf32>
    %max3A_70 = arith.maximumf %max3A_66, %gather3A_69 : vector<16xf32>
    %broadcast_in_dim3A_71 = vector.shape_cast %xor3A_11 : vector<16xi32> to vector<16x1xi32>
    %gather3A_72 = vector.shape_cast %broadcast_in_dim3A_71 : vector<16x1xi32> to vector<16xi32>
    %gather3A_73 = tpu.dynamic_gather %max3A_70[%gather3A_72] in [0] : vector<16xf32>, vector<16xi32> -> vector<16xf32>
    %max3A_74 = arith.maximumf %max3A_70, %gather3A_73 : vector<16xf32>
    %eq3A_75 = arith.cmpf oeq, %select_n3A_57, %max3A_74 : vector<16xf32>
    %jit3A_76 = arith.constant 1073741824 : i32
    %broadcast_in_dim3A_77 = vector.broadcast %jit3A_76 : i32 to vector<16xi32>
    %select_n3A_78 = arith.select %eq3A_75, %select_n3A_58, %broadcast_in_dim3A_77 : vector<16xi1>, vector<16xi32>
    %broadcast_in_dim3A_79 = vector.shape_cast %xor3A_2 : vector<16xi32> to vector<16x1xi32>
    %gather3A_80 = vector.shape_cast %broadcast_in_dim3A_79 : vector<16x1xi32> to vector<16xi32>
    %gather3A_81 = tpu.dynamic_gather %select_n3A_78[%gather3A_80] in [0] : vector<16xi32>, vector<16xi32> -> vector<16xi32>
    %min3A_82 = arith.minsi %select_n3A_78, %gather3A_81 : vector<16xi32>
    %broadcast_in_dim3A_83 = vector.shape_cast %xor3A_5 : vector<16xi32> to vector<16x1xi32>
    %gather3A_84 = vector.shape_cast %broadcast_in_dim3A_83 : vector<16x1xi32> to vector<16xi32>
    %gather3A_85 = tpu.dynamic_gather %min3A_82[%gather3A_84] in [0] : vector<16xi32>, vector<16xi32> -> vector<16xi32>
    %min3A_86 = arith.minsi %min3A_82, %gather3A_85 : vector<16xi32>
    %broadcast_in_dim3A_87 = vector.shape_cast %xor3A_8 : vector<16xi32> to vector<16x1xi32>
    %gather3A_88 = vector.shape_cast %broadcast_in_dim3A_87 : vector<16x1xi32> to vector<16xi32>
    %gather3A_89 = tpu.dynamic_gather %min3A_86[%gather3A_88] in [0] : vector<16xi32>, vector<16xi32> -> vector<16xi32>
    %min3A_90 = arith.minsi %min3A_86, %gather3A_89 : vector<16xi32>
    %broadcast_in_dim3A_91 = vector.shape_cast %xor3A_11 : vector<16xi32> to vector<16x1xi32>
    %gather3A_92 = vector.shape_cast %broadcast_in_dim3A_91 : vector<16x1xi32> to vector<16xi32>
    %gather3A_93 = tpu.dynamic_gather %min3A_90[%gather3A_92] in [0] : vector<16xi32>, vector<16xi32> -> vector<16xi32>
    %min3A_94 = arith.minsi %min3A_90, %gather3A_93 : vector<16xi32>
    %min3A_95 = arith.constant 1295 : i32
    %min3A_96 = vector.broadcast %min3A_95 : i32 to vector<16xi32>
    %min3A_97 = arith.minsi %min3A_55, %min3A_96 : vector<16xi32>
    %min3A_98 = arith.constant 1295 : i32
    %min3A_99 = vector.broadcast %min3A_98 : i32 to vector<16xi32>
    %min3A_100 = arith.minsi %min3A_94, %min3A_99 : vector<16xi32>
    %gather3A_101 = tpu.vector_load_idx %arg23[%min3A_97] : memref<1296xf32, #tpu.memory_space<vmem>>[vector<16xi32>], vector<16xf32>,
    %gather3A_102 = tpu.vector_load_idx %arg24[%min3A_97] : memref<1296xf32, #tpu.memory_space<vmem>>[vector<16xi32>], vector<16xf32>,
    %gather3A_103 = tpu.vector_load_idx %arg25[%min3A_97] : memref<1296xf32, #tpu.memory_space<vmem>>[vector<16xi32>], vector<16xf32>,
    %gather3A_104 = tpu.vector_load_idx %arg26[%min3A_97] : memref<1296xf32, #tpu.memory_space<vmem>>[vector<16xi32>], vector<16xf32>,
    %gather3A_105 = tpu.vector_load_idx %arg27[%min3A_97] : memref<1296xf32, #tpu.memory_space<vmem>>[vector<16xi32>], vector<16xf32>,
    %gather3A_106 = tpu.vector_load_idx %arg23[%min3A_100] : memref<1296xf32, #tpu.memory_space<vmem>>[vector<16xi32>], vector<16xf32>,
    %gather3A_107 = tpu.vector_load_idx %arg24[%min3A_100] : memref<1296xf32, #tpu.memory_space<vmem>>[vector<16xi32>], vector<16xf32>,
    %gather3A_108 = tpu.vector_load_idx %arg25[%min3A_100] : memref<1296xf32, #tpu.memory_space<vmem>>[vector<16xi32>], vector<16xf32>,
    %gather3A_109 = tpu.vector_load_idx %arg26[%min3A_100] : memref<1296xf32, #tpu.memory_space<vmem>>[vector<16xi32>], vector<16xf32>,
    %gather3A_110 = tpu.vector_load_idx %arg27[%min3A_100] : memref<1296xf32, #tpu.memory_space<vmem>>[vector<16xi32>], vector<16xf32>,
    %add3A = vector.broadcast %mul3A_0 : i32 to vector<16xi32>
    %add3A_111 = arith.addi %min3A_97, %add3A : vector<16xi32>
    %convert_element_type3A = arith.sitofp %add3A_111 : vector<16xi32> to vector<16xf32>
    %add3A_112 = vector.broadcast %mul3A_0 : i32 to vector<16xi32>
    %add3A_113 = arith.addi %min3A_100, %add3A_112 : vector<16xi32>
    %convert_element_type3A_114 = arith.sitofp %add3A_113 : vector<16xi32> to vector<16xf32>
    %eq3A_115 = arith.constant 0 : i32
    %eq3A_116 = vector.broadcast %eq3A_115 : i32 to vector<16xi32>
    %eq3A_117 = arith.cmpi eq, %iota3A, %eq3A_116 : vector<16xi32>
    %eq3A_118 = arith.constant 1 : i32
    %eq3A_119 = vector.broadcast %eq3A_118 : i32 to vector<16xi32>
    %eq3A_120 = arith.cmpi eq, %iota3A, %eq3A_119 : vector<16xi32>
    %eq3A_121 = arith.constant 2 : i32
    %eq3A_122 = vector.broadcast %eq3A_121 : i32 to vector<16xi32>
    %eq3A_123 = arith.cmpi eq, %iota3A, %eq3A_122 : vector<16xi32>
    %eq3A_124 = arith.constant 3 : i32
    %eq3A_125 = vector.broadcast %eq3A_124 : i32 to vector<16xi32>
    %eq3A_126 = arith.cmpi eq, %iota3A, %eq3A_125 : vector<16xi32>
    %eq3A_127 = arith.constant 4 : i32
    %eq3A_128 = vector.broadcast %eq3A_127 : i32 to vector<16xi32>
    %eq3A_129 = arith.cmpi eq, %iota3A, %eq3A_128 : vector<16xi32>
    %eq3A_130 = arith.constant 5 : i32
    %eq3A_131 = vector.broadcast %eq3A_130 : i32 to vector<16xi32>
    %eq3A_132 = arith.cmpi eq, %iota3A, %eq3A_131 : vector<16xi32>
    %eq3A_133 = arith.constant 6 : i32
    %eq3A_134 = vector.broadcast %eq3A_133 : i32 to vector<16xi32>
    %eq3A_135 = arith.cmpi eq, %iota3A, %eq3A_134 : vector<16xi32>
    %eq3A_136 = arith.constant 7 : i32
    %eq3A_137 = vector.broadcast %eq3A_136 : i32 to vector<16xi32>
    %eq3A_138 = arith.cmpi eq, %iota3A, %eq3A_137 : vector<16xi32>
    %eq3A_139 = arith.constant 8 : i32
    %eq3A_140 = vector.broadcast %eq3A_139 : i32 to vector<16xi32>
    %eq3A_141 = arith.cmpi eq, %iota3A, %eq3A_140 : vector<16xi32>
    %eq3A_142 = arith.constant 9 : i32
    %eq3A_143 = vector.broadcast %eq3A_142 : i32 to vector<16xi32>
    %eq3A_144 = arith.cmpi eq, %iota3A, %eq3A_143 : vector<16xi32>
    %eq3A_145 = arith.constant 10 : i32
    %eq3A_146 = vector.broadcast %eq3A_145 : i32 to vector<16xi32>
    %eq3A_147 = arith.cmpi eq, %iota3A, %eq3A_146 : vector<16xi32>
    %eq3A_148 = arith.constant 11 : i32
    %eq3A_149 = vector.broadcast %eq3A_148 : i32 to vector<16xi32>
    %eq3A_150 = arith.cmpi eq, %iota3A, %eq3A_149 : vector<16xi32>
    %eq3A_151 = arith.constant 12 : i32
    %eq3A_152 = vector.broadcast %eq3A_151 : i32 to vector<16xi32>
    %eq3A_153 = arith.cmpi eq, %iota3A, %eq3A_152 : vector<16xi32>
    %eq3A_154 = arith.constant 13 : i32
    %eq3A_155 = vector.broadcast %eq3A_154 : i32 to vector<16xi32>
    %eq3A_156 = arith.cmpi eq, %iota3A, %eq3A_155 : vector<16xi32>
    %jit3A_157 = arith.constant 0.000000e+00 : f32
    %broadcast_in_dim3A_158 = vector.broadcast %jit3A_157 : f32 to vector<16xf32>
    %select_n3A_159 = arith.select %eq3A_156, %gather3A_110, %broadcast_in_dim3A_158 : vector<16xi1>, vector<16xf32>
    %select_n3A_160 = arith.select %eq3A_153, %gather3A_109, %select_n3A_159 : vector<16xi1>, vector<16xf32>
    %select_n3A_161 = arith.select %eq3A_150, %gather3A_108, %select_n3A_160 : vector<16xi1>, vector<16xf32>
    %select_n3A_162 = arith.select %eq3A_147, %gather3A_107, %select_n3A_161 : vector<16xi1>, vector<16xf32>
    %select_n3A_163 = arith.select %eq3A_144, %gather3A_106, %select_n3A_162 : vector<16xi1>, vector<16xf32>
    %select_n3A_164 = arith.select %eq3A_141, %convert_element_type3A_114, %select_n3A_163 : vector<16xi1>, vector<16xf32>
    %select_n3A_165 = arith.select %eq3A_138, %max3A_74, %select_n3A_164 : vector<16xi1>, vector<16xf32>
    %select_n3A_166 = arith.select %eq3A_135, %gather3A_105, %select_n3A_165 : vector<16xi1>, vector<16xf32>
    %select_n3A_167 = arith.select %eq3A_132, %gather3A_104, %select_n3A_166 : vector<16xi1>, vector<16xf32>
    %select_n3A_168 = arith.select %eq3A_129, %gather3A_103, %select_n3A_167 : vector<16xi1>, vector<16xf32>
    %select_n3A_169 = arith.select %eq3A_126, %gather3A_102, %select_n3A_168 : vector<16xi1>, vector<16xf32>
    %select_n3A_170 = arith.select %eq3A_123, %gather3A_101, %select_n3A_169 : vector<16xi1>, vector<16xf32>
    %select_n3A_171 = arith.select %eq3A_120, %convert_element_type3A, %select_n3A_170 : vector<16xi1>, vector<16xf32>
    %select_n3A_172 = arith.select %eq3A_117, %max3A_39, %select_n3A_171 : vector<16xi1>, vector<16xf32>
    %swap3A = arith.constant 0 : index
    %swap3A_173 = tpu.vector_load %arg29[%swap3A] {strides = array<i32>} : memref<16xf32, #tpu.memory_space<vmem>>, vector<16xf32>,
    tpu.vector_store %arg29[%swap3A], %select_n3A_172 {strides = array<i32>} : memref<16xf32, #tpu.memory_space<vmem>>, vector<16xf32>,
    %mul3A_174 = arith.constant 16 : i32
    %mul3A_175 = arith.muli %arg1, %mul3A_174 : i32
    "tpu.region"() ({
      %run_scoped3A = tpu.sem_alloc : memref<!tpu.dma_semaphore, #tpu.memory_space<semaphore_mem>>
      %dma_start3A = tpu.memref_slice %arg33[%mul3A_175] : memref<256xf32, #tpu.memory_space<vmem_shared>> -> memref<16xf32, #tpu.memory_space<vmem_shared>>
      %dma_start3A_429 = tpu.memref_slice %arg33[%mul3A_175] : memref<256xf32, #tpu.memory_space<vmem_shared>> -> memref<16xf32, #tpu.memory_space<vmem_shared>>
      tpu.enqueue_dma source(%arg29 : memref<16xf32, #tpu.memory_space<vmem>>) target(%dma_start3A_429 : memref<16xf32, #tpu.memory_space<vmem_shared>>) target_semaphore(%run_scoped3A : memref<!tpu.dma_semaphore, #tpu.memory_space<semaphore_mem>>)
      %dma_wait3A = tpu.memref_slice %arg33[%mul3A_175] : memref<256xf32, #tpu.memory_space<vmem_shared>> -> memref<16xf32, #tpu.memory_space<vmem_shared>>
      %dma_wait3A_430 = tpu.memref_slice %arg33[%mul3A_175] : memref<256xf32, #tpu.memory_space<vmem_shared>> -> memref<16xf32, #tpu.memory_space<vmem_shared>>
      tpu.wait_dma2 semaphore(%run_scoped3A : memref<!tpu.dma_semaphore, #tpu.memory_space<semaphore_mem>>) src(%arg29 : memref<16xf32, #tpu.memory_space<vmem>>) dst(%dma_wait3A_430 : memref<16xf32, #tpu.memory_space<vmem_shared>>)
      tpu.yield
    }) : () -> ()
    %barrier3A = arith.constant 0 : index
    tpu.barrier barrier_id(%barrier3A)
    "tpu.region"() ({
      %run_scoped3A = tpu.sem_alloc : memref<!tpu.dma_semaphore, #tpu.memory_space<semaphore_mem>>
      tpu.enqueue_dma source(%arg33 : memref<256xf32, #tpu.memory_space<vmem_shared>>) target(%arg30 : memref<256xf32, #tpu.memory_space<vmem>>) target_semaphore(%run_scoped3A : memref<!tpu.dma_semaphore, #tpu.memory_space<semaphore_mem>>)
      tpu.wait_dma2 semaphore(%run_scoped3A : memref<!tpu.dma_semaphore, #tpu.memory_space<semaphore_mem>>) src(%arg33 : memref<256xf32, #tpu.memory_space<vmem_shared>>) dst(%arg30 : memref<256xf32, #tpu.memory_space<vmem>>)
      tpu.yield
    }) : () -> ()
    %mul3A_176 = arith.constant 16 : i32
    %mul3A_177 = vector.broadcast %mul3A_176 : i32 to vector<16xi32>
    %mul3A_178 = arith.muli %iota3A, %mul3A_177 : vector<16xi32>
    %gather3A_179 = tpu.vector_load_idx %arg30[%mul3A_178] : memref<256xf32, #tpu.memory_space<vmem>>[vector<16xi32>], vector<16xf32>,
    %add3A_180 = arith.constant 1 : i32
    %add3A_181 = vector.broadcast %add3A_180 : i32 to vector<16xi32>
    %add3A_182 = arith.addi %mul3A_178, %add3A_181 : vector<16xi32>
    %gather3A_183 = tpu.vector_load_idx %arg30[%add3A_182] : memref<256xf32, #tpu.memory_space<vmem>>[vector<16xi32>], vector<16xf32>,
    %convert_element_type3A_184 = arith.fptosi %gather3A_183 : vector<16xf32> to vector<16xi32>
    %broadcast_in_dim3A_185 = vector.shape_cast %xor3A_2 : vector<16xi32> to vector<16x1xi32>
    %gather3A_186 = vector.shape_cast %broadcast_in_dim3A_185 : vector<16x1xi32> to vector<16xi32>
    %gather3A_187 = tpu.dynamic_gather %gather3A_179[%gather3A_186] in [0] : vector<16xf32>, vector<16xi32> -> vector<16xf32>
    %max3A_188 = arith.maximumf %gather3A_179, %gather3A_187 : vector<16xf32>
    %broadcast_in_dim3A_189 = vector.shape_cast %xor3A_5 : vector<16xi32> to vector<16x1xi32>
    %gather3A_190 = vector.shape_cast %broadcast_in_dim3A_189 : vector<16x1xi32> to vector<16xi32>
    %gather3A_191 = tpu.dynamic_gather %max3A_188[%gather3A_190] in [0] : vector<16xf32>, vector<16xi32> -> vector<16xf32>
    %max3A_192 = arith.maximumf %max3A_188, %gather3A_191 : vector<16xf32>
    %broadcast_in_dim3A_193 = vector.shape_cast %xor3A_8 : vector<16xi32> to vector<16x1xi32>
    %gather3A_194 = vector.shape_cast %broadcast_in_dim3A_193 : vector<16x1xi32> to vector<16xi32>
    %gather3A_195 = tpu.dynamic_gather %max3A_192[%gather3A_194] in [0] : vector<16xf32>, vector<16xi32> -> vector<16xf32>
    %max3A_196 = arith.maximumf %max3A_192, %gather3A_195 : vector<16xf32>
    %broadcast_in_dim3A_197 = vector.shape_cast %xor3A_11 : vector<16xi32> to vector<16x1xi32>
    %gather3A_198 = vector.shape_cast %broadcast_in_dim3A_197 : vector<16x1xi32> to vector<16xi32>
    %gather3A_199 = tpu.dynamic_gather %max3A_196[%gather3A_198] in [0] : vector<16xf32>, vector<16xi32> -> vector<16xf32>
    %max3A_200 = arith.maximumf %max3A_196, %gather3A_199 : vector<16xf32>
    %eq3A_201 = arith.cmpf oeq, %gather3A_179, %max3A_200 : vector<16xf32>
    %jit3A_202 = arith.constant 1073741824 : i32
    %broadcast_in_dim3A_203 = vector.broadcast %jit3A_202 : i32 to vector<16xi32>
    %select_n3A_204 = arith.select %eq3A_201, %convert_element_type3A_184, %broadcast_in_dim3A_203 : vector<16xi1>, vector<16xi32>
    %broadcast_in_dim3A_205 = vector.shape_cast %xor3A_2 : vector<16xi32> to vector<16x1xi32>
    %gather3A_206 = vector.shape_cast %broadcast_in_dim3A_205 : vector<16x1xi32> to vector<16xi32>
    %gather3A_207 = tpu.dynamic_gather %select_n3A_204[%gather3A_206] in [0] : vector<16xi32>, vector<16xi32> -> vector<16xi32>
    %min3A_208 = arith.minsi %select_n3A_204, %gather3A_207 : vector<16xi32>
    %broadcast_in_dim3A_209 = vector.shape_cast %xor3A_5 : vector<16xi32> to vector<16x1xi32>
    %gather3A_210 = vector.shape_cast %broadcast_in_dim3A_209 : vector<16x1xi32> to vector<16xi32>
    %gather3A_211 = tpu.dynamic_gather %min3A_208[%gather3A_210] in [0] : vector<16xi32>, vector<16xi32> -> vector<16xi32>
    %min3A_212 = arith.minsi %min3A_208, %gather3A_211 : vector<16xi32>
    %broadcast_in_dim3A_213 = vector.shape_cast %xor3A_8 : vector<16xi32> to vector<16x1xi32>
    %gather3A_214 = vector.shape_cast %broadcast_in_dim3A_213 : vector<16x1xi32> to vector<16xi32>
    %gather3A_215 = tpu.dynamic_gather %min3A_212[%gather3A_214] in [0] : vector<16xi32>, vector<16xi32> -> vector<16xi32>
    %min3A_216 = arith.minsi %min3A_212, %gather3A_215 : vector<16xi32>
    %broadcast_in_dim3A_217 = vector.shape_cast %xor3A_11 : vector<16xi32> to vector<16x1xi32>
    %gather3A_218 = vector.shape_cast %broadcast_in_dim3A_217 : vector<16x1xi32> to vector<16xi32>
    %gather3A_219 = tpu.dynamic_gather %min3A_216[%gather3A_218] in [0] : vector<16xi32>, vector<16xi32> -> vector<16xi32>
    %min3A_220 = arith.minsi %min3A_216, %gather3A_219 : vector<16xi32>
    %jit3A_221 = arith.constant 1296 : i32
    %div3A = vector.broadcast %jit3A_221 : i32 to vector<16xi32>
    %div3A_222 = arith.divsi %min3A_220, %div3A : vector<16xi32>
    %sign3A = arith.constant 0 : i32
    %sign3A_223 = vector.broadcast %sign3A : i32 to vector<16xi32>
    %sign3A_224 = arith.cmpi sgt, %min3A_220, %sign3A_223 : vector<16xi32>
    %sign3A_225 = arith.extui %sign3A_224 : vector<16xi1> to vector<16xi32>
    %sign3A_226 = arith.constant 0 : i32
    %sign3A_227 = vector.broadcast %sign3A_226 : i32 to vector<16xi32>
    %sign3A_228 = arith.cmpi slt, %min3A_220, %sign3A_227 : vector<16xi32>
    %sign3A_229 = arith.extui %sign3A_228 : vector<16xi1> to vector<16xi32>
    %sign3A_230 = arith.subi %sign3A_225, %sign3A_229 : vector<16xi32>
    %sign3A_231 = arith.constant 0 : i32
    %sign3A_232 = arith.cmpi sgt, %jit3A_221, %sign3A_231 : i32
    %sign3A_233 = arith.extui %sign3A_232 : i1 to i32
    %sign3A_234 = arith.constant 0 : i32
    %sign3A_235 = arith.cmpi slt, %jit3A_221, %sign3A_234 : i32
    %sign3A_236 = arith.extui %sign3A_235 : i1 to i32
    %sign3A_237 = arith.subi %sign3A_233, %sign3A_236 : i32
    %ne3A = vector.broadcast %sign3A_237 : i32 to vector<16xi32>
    %ne3A_238 = arith.cmpi ne, %sign3A_230, %ne3A : vector<16xi32>
    %rem3A = vector.broadcast %jit3A_221 : i32 to vector<16xi32>
    %rem3A_239 = arith.remsi %min3A_220, %rem3A : vector<16xi32>
    %ne3A_240 = arith.constant 0 : i32
    %ne3A_241 = vector.broadcast %ne3A_240 : i32 to vector<16xi32>
    %ne3A_242 = arith.cmpi ne, %rem3A_239, %ne3A_241 : vector<16xi32>
    %and3A = arith.andi %ne3A_238, %ne3A_242 : vector<16xi1>
    %sub3A = arith.constant 1 : i32
    %sub3A_243 = vector.broadcast %sub3A : i32 to vector<16xi32>
    %sub3A_244 = arith.subi %div3A_222, %sub3A_243 : vector<16xi32>
    %select_n3A_245 = arith.select %and3A, %sub3A_244, %div3A_222 : vector<16xi1>, vector<16xi32>
    %mul3A_246 = arith.constant 16 : i32
    %mul3A_247 = vector.broadcast %mul3A_246 : i32 to vector<16xi32>
    %mul3A_248 = arith.muli %select_n3A_245, %mul3A_247 : vector<16xi32>
    %add3A_249 = arith.constant 2 : i32
    %add3A_250 = vector.broadcast %add3A_249 : i32 to vector<16xi32>
    %add3A_251 = arith.addi %mul3A_248, %add3A_250 : vector<16xi32>
    %gather3A_252 = tpu.vector_load_idx %arg30[%add3A_251] : memref<256xf32, #tpu.memory_space<vmem>>[vector<16xi32>], vector<16xf32>,
    %add3A_253 = arith.constant 3 : i32
    %add3A_254 = vector.broadcast %add3A_253 : i32 to vector<16xi32>
    %add3A_255 = arith.addi %mul3A_248, %add3A_254 : vector<16xi32>
    %gather3A_256 = tpu.vector_load_idx %arg30[%add3A_255] : memref<256xf32, #tpu.memory_space<vmem>>[vector<16xi32>], vector<16xf32>,
    %add3A_257 = arith.constant 4 : i32
    %add3A_258 = vector.broadcast %add3A_257 : i32 to vector<16xi32>
    %add3A_259 = arith.addi %mul3A_248, %add3A_258 : vector<16xi32>
    %gather3A_260 = tpu.vector_load_idx %arg30[%add3A_259] : memref<256xf32, #tpu.memory_space<vmem>>[vector<16xi32>], vector<16xf32>,
    %add3A_261 = arith.constant 5 : i32
    %add3A_262 = vector.broadcast %add3A_261 : i32 to vector<16xi32>
    %add3A_263 = arith.addi %mul3A_248, %add3A_262 : vector<16xi32>
    %gather3A_264 = tpu.vector_load_idx %arg30[%add3A_263] : memref<256xf32, #tpu.memory_space<vmem>>[vector<16xi32>], vector<16xf32>,
    %add3A_265 = arith.constant 6 : i32
    %add3A_266 = vector.broadcast %add3A_265 : i32 to vector<16xi32>
    %add3A_267 = arith.addi %mul3A_248, %add3A_266 : vector<16xi32>
    %gather3A_268 = tpu.vector_load_idx %arg30[%add3A_267] : memref<256xf32, #tpu.memory_space<vmem>>[vector<16xi32>], vector<16xf32>,
    %eq3A_269 = arith.cmpi eq, %convert_element_type3A_184, %min3A_220 : vector<16xi32>
    %add3A_270 = arith.constant 7 : i32
    %add3A_271 = vector.broadcast %add3A_270 : i32 to vector<16xi32>
    %add3A_272 = arith.addi %mul3A_178, %add3A_271 : vector<16xi32>
    %gather3A_273 = tpu.vector_load_idx %arg30[%add3A_272] : memref<256xf32, #tpu.memory_space<vmem>>[vector<16xi32>], vector<16xf32>,
    %select_n3A_274 = arith.select %eq3A_269, %gather3A_273, %gather3A_179 : vector<16xi1>, vector<16xf32>
    %add3A_275 = arith.constant 8 : i32
    %add3A_276 = vector.broadcast %add3A_275 : i32 to vector<16xi32>
    %add3A_277 = arith.addi %mul3A_178, %add3A_276 : vector<16xi32>
    %gather3A_278 = tpu.vector_load_idx %arg30[%add3A_277] : memref<256xf32, #tpu.memory_space<vmem>>[vector<16xi32>], vector<16xf32>,
    %convert_element_type3A_279 = arith.fptosi %gather3A_278 : vector<16xf32> to vector<16xi32>
    %select_n3A_280 = arith.select %eq3A_269, %convert_element_type3A_279, %convert_element_type3A_184 : vector<16xi1>, vector<16xi32>
    %broadcast_in_dim3A_281 = vector.shape_cast %xor3A_2 : vector<16xi32> to vector<16x1xi32>
    %gather3A_282 = vector.shape_cast %broadcast_in_dim3A_281 : vector<16x1xi32> to vector<16xi32>
    %gather3A_283 = tpu.dynamic_gather %select_n3A_274[%gather3A_282] in [0] : vector<16xf32>, vector<16xi32> -> vector<16xf32>
    %max3A_284 = arith.maximumf %select_n3A_274, %gather3A_283 : vector<16xf32>
    %broadcast_in_dim3A_285 = vector.shape_cast %xor3A_5 : vector<16xi32> to vector<16x1xi32>
    %gather3A_286 = vector.shape_cast %broadcast_in_dim3A_285 : vector<16x1xi32> to vector<16xi32>
    %gather3A_287 = tpu.dynamic_gather %max3A_284[%gather3A_286] in [0] : vector<16xf32>, vector<16xi32> -> vector<16xf32>
    %max3A_288 = arith.maximumf %max3A_284, %gather3A_287 : vector<16xf32>
    %broadcast_in_dim3A_289 = vector.shape_cast %xor3A_8 : vector<16xi32> to vector<16x1xi32>
    %gather3A_290 = vector.shape_cast %broadcast_in_dim3A_289 : vector<16x1xi32> to vector<16xi32>
    %gather3A_291 = tpu.dynamic_gather %max3A_288[%gather3A_290] in [0] : vector<16xf32>, vector<16xi32> -> vector<16xf32>
    %max3A_292 = arith.maximumf %max3A_288, %gather3A_291 : vector<16xf32>
    %broadcast_in_dim3A_293 = vector.shape_cast %xor3A_11 : vector<16xi32> to vector<16x1xi32>
    %gather3A_294 = vector.shape_cast %broadcast_in_dim3A_293 : vector<16x1xi32> to vector<16xi32>
    %gather3A_295 = tpu.dynamic_gather %max3A_292[%gather3A_294] in [0] : vector<16xf32>, vector<16xi32> -> vector<16xf32>
    %max3A_296 = arith.maximumf %max3A_292, %gather3A_295 : vector<16xf32>
    %eq3A_297 = arith.cmpf oeq, %select_n3A_274, %max3A_296 : vector<16xf32>
    %jit3A_298 = arith.constant 1073741824 : i32
    %broadcast_in_dim3A_299 = vector.broadcast %jit3A_298 : i32 to vector<16xi32>
    %select_n3A_300 = arith.select %eq3A_297, %select_n3A_280, %broadcast_in_dim3A_299 : vector<16xi1>, vector<16xi32>
    %broadcast_in_dim3A_301 = vector.shape_cast %xor3A_2 : vector<16xi32> to vector<16x1xi32>
    %gather3A_302 = vector.shape_cast %broadcast_in_dim3A_301 : vector<16x1xi32> to vector<16xi32>
    %gather3A_303 = tpu.dynamic_gather %select_n3A_300[%gather3A_302] in [0] : vector<16xi32>, vector<16xi32> -> vector<16xi32>
    %min3A_304 = arith.minsi %select_n3A_300, %gather3A_303 : vector<16xi32>
    %broadcast_in_dim3A_305 = vector.shape_cast %xor3A_5 : vector<16xi32> to vector<16x1xi32>
    %gather3A_306 = vector.shape_cast %broadcast_in_dim3A_305 : vector<16x1xi32> to vector<16xi32>
    %gather3A_307 = tpu.dynamic_gather %min3A_304[%gather3A_306] in [0] : vector<16xi32>, vector<16xi32> -> vector<16xi32>
    %min3A_308 = arith.minsi %min3A_304, %gather3A_307 : vector<16xi32>
    %broadcast_in_dim3A_309 = vector.shape_cast %xor3A_8 : vector<16xi32> to vector<16x1xi32>
    %gather3A_310 = vector.shape_cast %broadcast_in_dim3A_309 : vector<16x1xi32> to vector<16xi32>
    %gather3A_311 = tpu.dynamic_gather %min3A_308[%gather3A_310] in [0] : vector<16xi32>, vector<16xi32> -> vector<16xi32>
    %min3A_312 = arith.minsi %min3A_308, %gather3A_311 : vector<16xi32>
    %broadcast_in_dim3A_313 = vector.shape_cast %xor3A_11 : vector<16xi32> to vector<16x1xi32>
    %gather3A_314 = vector.shape_cast %broadcast_in_dim3A_313 : vector<16x1xi32> to vector<16xi32>
    %gather3A_315 = tpu.dynamic_gather %min3A_312[%gather3A_314] in [0] : vector<16xi32>, vector<16xi32> -> vector<16xi32>
    %min3A_316 = arith.minsi %min3A_312, %gather3A_315 : vector<16xi32>
    %min3A_317 = arith.constant 20735 : i32
    %min3A_318 = vector.broadcast %min3A_317 : i32 to vector<16xi32>
    %min3A_319 = arith.minsi %min3A_316, %min3A_318 : vector<16xi32>
    %jit3A_320 = arith.constant 1296 : i32
    %div3A_321 = vector.broadcast %jit3A_320 : i32 to vector<16xi32>
    %div3A_322 = arith.divsi %min3A_319, %div3A_321 : vector<16xi32>
    %sign3A_323 = arith.constant 0 : i32
    %sign3A_324 = vector.broadcast %sign3A_323 : i32 to vector<16xi32>
    %sign3A_325 = arith.cmpi sgt, %min3A_319, %sign3A_324 : vector<16xi32>
    %sign3A_326 = arith.extui %sign3A_325 : vector<16xi1> to vector<16xi32>
    %sign3A_327 = arith.constant 0 : i32
    %sign3A_328 = vector.broadcast %sign3A_327 : i32 to vector<16xi32>
    %sign3A_329 = arith.cmpi slt, %min3A_319, %sign3A_328 : vector<16xi32>
    %sign3A_330 = arith.extui %sign3A_329 : vector<16xi1> to vector<16xi32>
    %sign3A_331 = arith.subi %sign3A_326, %sign3A_330 : vector<16xi32>
    %sign3A_332 = arith.constant 0 : i32
    %sign3A_333 = arith.cmpi sgt, %jit3A_320, %sign3A_332 : i32
    %sign3A_334 = arith.extui %sign3A_333 : i1 to i32
    %sign3A_335 = arith.constant 0 : i32
    %sign3A_336 = arith.cmpi slt, %jit3A_320, %sign3A_335 : i32
    %sign3A_337 = arith.extui %sign3A_336 : i1 to i32
    %sign3A_338 = arith.subi %sign3A_334, %sign3A_337 : i32
    %ne3A_339 = vector.broadcast %sign3A_338 : i32 to vector<16xi32>
    %ne3A_340 = arith.cmpi ne, %sign3A_331, %ne3A_339 : vector<16xi32>
    %rem3A_341 = vector.broadcast %jit3A_320 : i32 to vector<16xi32>
    %rem3A_342 = arith.remsi %min3A_319, %rem3A_341 : vector<16xi32>
    %ne3A_343 = arith.constant 0 : i32
    %ne3A_344 = vector.broadcast %ne3A_343 : i32 to vector<16xi32>
    %ne3A_345 = arith.cmpi ne, %rem3A_342, %ne3A_344 : vector<16xi32>
    %and3A_346 = arith.andi %ne3A_340, %ne3A_345 : vector<16xi1>
    %sub3A_347 = arith.constant 1 : i32
    %sub3A_348 = vector.broadcast %sub3A_347 : i32 to vector<16xi32>
    %sub3A_349 = arith.subi %div3A_322, %sub3A_348 : vector<16xi32>
    %select_n3A_350 = arith.select %and3A_346, %sub3A_349, %div3A_322 : vector<16xi1>, vector<16xi32>
    %mul3A_351 = arith.constant 16 : i32
    %mul3A_352 = vector.broadcast %mul3A_351 : i32 to vector<16xi32>
    %mul3A_353 = arith.muli %select_n3A_350, %mul3A_352 : vector<16xi32>
    %add3A_354 = arith.constant 1 : i32
    %add3A_355 = vector.broadcast %add3A_354 : i32 to vector<16xi32>
    %add3A_356 = arith.addi %mul3A_353, %add3A_355 : vector<16xi32>
    %gather3A_357 = tpu.vector_load_idx %arg30[%add3A_356] : memref<256xf32, #tpu.memory_space<vmem>>[vector<16xi32>], vector<16xf32>,
    %convert_element_type3A_358 = arith.fptosi %gather3A_357 : vector<16xf32> to vector<16xi32>
    %eq3A_359 = arith.cmpi eq, %convert_element_type3A_358, %min3A_319 : vector<16xi32>
    %add3A_360 = arith.constant 2 : i32
    %add3A_361 = vector.broadcast %add3A_360 : i32 to vector<16xi32>
    %add3A_362 = arith.addi %mul3A_353, %add3A_361 : vector<16xi32>
    %add3A_363 = arith.constant 9 : i32
    %add3A_364 = vector.broadcast %add3A_363 : i32 to vector<16xi32>
    %add3A_365 = arith.addi %mul3A_353, %add3A_364 : vector<16xi32>
    %select_n3A_366 = arith.select %eq3A_359, %add3A_362, %add3A_365 : vector<16xi1>, vector<16xi32>
    %gather3A_367 = tpu.vector_load_idx %arg30[%select_n3A_366] : memref<256xf32, #tpu.memory_space<vmem>>[vector<16xi32>], vector<16xf32>,
    %add3A_368 = arith.constant 1 : i32
    %add3A_369 = vector.broadcast %add3A_368 : i32 to vector<16xi32>
    %add3A_370 = arith.addi %select_n3A_366, %add3A_369 : vector<16xi32>
    %gather3A_371 = tpu.vector_load_idx %arg30[%add3A_370] : memref<256xf32, #tpu.memory_space<vmem>>[vector<16xi32>], vector<16xf32>,
    %add3A_372 = arith.constant 2 : i32
    %add3A_373 = vector.broadcast %add3A_372 : i32 to vector<16xi32>
    %add3A_374 = arith.addi %select_n3A_366, %add3A_373 : vector<16xi32>
    %gather3A_375 = tpu.vector_load_idx %arg30[%add3A_374] : memref<256xf32, #tpu.memory_space<vmem>>[vector<16xi32>], vector<16xf32>,
    %add3A_376 = arith.constant 3 : i32
    %add3A_377 = vector.broadcast %add3A_376 : i32 to vector<16xi32>
    %add3A_378 = arith.addi %select_n3A_366, %add3A_377 : vector<16xi32>
    %gather3A_379 = tpu.vector_load_idx %arg30[%add3A_378] : memref<256xf32, #tpu.memory_space<vmem>>[vector<16xi32>], vector<16xf32>,
    %add3A_380 = arith.constant 4 : i32
    %add3A_381 = vector.broadcast %add3A_380 : i32 to vector<16xi32>
    %add3A_382 = arith.addi %select_n3A_366, %add3A_381 : vector<16xi32>
    %gather3A_383 = tpu.vector_load_idx %arg30[%add3A_382] : memref<256xf32, #tpu.memory_space<vmem>>[vector<16xi32>], vector<16xf32>,
    %max3A_384 = arith.maximumf %gather3A_252, %gather3A_367 : vector<16xf32>
    %max3A_385 = arith.maximumf %gather3A_256, %gather3A_371 : vector<16xf32>
    %min3A_386 = arith.minimumf %gather3A_260, %gather3A_375 : vector<16xf32>
    %min3A_387 = arith.minimumf %gather3A_264, %gather3A_379 : vector<16xf32>
    %sub3A_388 = arith.subf %min3A_386, %max3A_384 : vector<16xf32>
    %max3A_389 = arith.constant 0.000000e+00 : f32
    %max3A_390 = vector.broadcast %max3A_389 : f32 to vector<16xf32>
    %max3A_391 = arith.maximumf %sub3A_388, %max3A_390 : vector<16xf32>
    %sub3A_392 = arith.subf %min3A_387, %max3A_385 : vector<16xf32>
    %max3A_393 = arith.constant 0.000000e+00 : f32
    %max3A_394 = vector.broadcast %max3A_393 : f32 to vector<16xf32>
    %max3A_395 = arith.maximumf %sub3A_392, %max3A_394 : vector<16xf32>
    %mul3A_396 = arith.mulf %max3A_391, %max3A_395 : vector<16xf32>
    %add3A_397 = arith.addf %gather3A_268, %gather3A_383 : vector<16xf32>
    %sub3A_398 = arith.subf %add3A_397, %mul3A_396 : vector<16xf32>
    %add3A_399 = arith.constant 9.99999993E-9 : f32
    %add3A_400 = vector.broadcast %add3A_399 : f32 to vector<16xf32>
    %add3A_401 = arith.addf %sub3A_398, %add3A_400 : vector<16xf32>
    %gt3A = arith.constant 0xFF800000 : f32
    %gt3A_402 = vector.broadcast %gt3A : f32 to vector<16xf32>
    %gt3A_403 = arith.cmpf ogt, %max3A_296, %gt3A_402 : vector<16xf32>
    %mul3A_404 = arith.constant 5.000000e-01 : f32
    %mul3A_405 = vector.broadcast %mul3A_404 : f32 to vector<16xf32>
    %mul3A_406 = arith.mulf %mul3A_405, %add3A_401 : vector<16xf32>
    %gt3A_407 = arith.cmpf ogt, %mul3A_396, %mul3A_406 : vector<16xf32>
    %not3A = arith.constant dense<true> : vector<16xi1>
    %not3A_408 = arith.xori %gt3A_407, %not3A : vector<16xi1>
    %and3A_409 = arith.andi %gt3A_403, %not3A_408 : vector<16xi1>
    %convert_element_type3A_410 = arith.extui %and3A_409 : vector<16xi1> to vector<16xi32>
    %slice3A = vector.extract_strided_slice %convert_element_type3A_410 {offsets = [0], sizes = [1], strides = [1]} : vector<16xi32> to vector<1xi32>
    %squeeze3A = vector.extract %slice3A[0] : i32 from vector<1xi32>
    %convert_element_type3A_411 = arith.extui %and3A_409 : vector<16xi1> to vector<16xi32>
    %convert_element_type3A_412 = arith.sitofp %convert_element_type3A_411 : vector<16xi32> to vector<16xf32>
    %mul3A_413 = arith.mulf %gather3A_367, %convert_element_type3A_412 : vector<16xf32>
    %mul3A_414 = arith.mulf %gather3A_371, %convert_element_type3A_412 : vector<16xf32>
    %mul3A_415 = arith.mulf %gather3A_375, %convert_element_type3A_412 : vector<16xf32>
    %mul3A_416 = arith.mulf %gather3A_379, %convert_element_type3A_412 : vector<16xf32>
    %mul3A_417 = arith.mulf %gather3A_383, %convert_element_type3A_412 : vector<16xf32>
    %jit3A_418 = arith.constant -1073741824 : i32
    %broadcast_in_dim3A_419 = vector.broadcast %jit3A_418 : i32 to vector<16xi32>
    %select_n3A_420 = arith.select %and3A_409, %min3A_316, %broadcast_in_dim3A_419 : vector<16xi1>, vector<16xi32>
    %while3A = arith.constant 0 : i32
    %while3A_421:15 = scf.while (%while3A_429 = %while3A, %while3A_430 = %squeeze3A, %while3A_431 = %max3A_200, %while3A_432 = %min3A_220, %while3A_433 = %gather3A_252, %while3A_434 = %gather3A_256, %while3A_435 = %gather3A_260, %while3A_436 = %gather3A_264, %while3A_437 = %gather3A_268, %while3A_438 = %select_n3A_420, %while3A_439 = %mul3A_413, %while3A_440 = %mul3A_414, %while3A_441 = %mul3A_415, %while3A_442 = %mul3A_416, %while3A_443 = %mul3A_417) : (i32, i32, vector<16xf32>, vector<16xi32>, vector<16xf32>, vector<16xf32>, vector<16xf32>, vector<16xf32>, vector<16xf32>, vector<16xi32>, vector<16xf32>, vector<16xf32>, vector<16xf32>, vector<16xf32>, vector<16xf32>) -> (i32, i32, vector<16xf32>, vector<16xi32>, vector<16xf32>, vector<16xf32>, vector<16xf32>, vector<16xf32>, vector<16xf32>, vector<16xi32>, vector<16xf32>, vector<16xf32>, vector<16xf32>, vector<16xf32>, vector<16xf32>) {
      %lt3A = arith.constant 300 : i32
      %lt3A_444 = arith.cmpi slt, %while3A_429, %lt3A : i32
      scf.condition(%lt3A_444) %while3A_429, %while3A_430, %while3A_431, %while3A_432, %while3A_433, %while3A_434, %while3A_435, %while3A_436, %while3A_437, %while3A_438, %while3A_439, %while3A_440, %while3A_441, %while3A_442, %while3A_443 : i32, i32, vector<16xf32>, vector<16xi32>, vector<16xf32>, vector<16xf32>, vector<16xf32>, vector<16xf32>, vector<16xf32>, vector<16xi32>, vector<16xf32>, vector<16xf32>, vector<16xf32>, vector<16xf32>, vector<16xf32>
    } do {
    ^bb0(%while3A_429: i32, %while3A_430: i32, %while3A_431: vector<16xf32>, %while3A_432: vector<16xi32>, %while3A_433: vector<16xf32>, %while3A_434: vector<16xf32>, %while3A_435: vector<16xf32>, %while3A_436: vector<16xf32>, %while3A_437: vector<16xf32>, %while3A_438: vector<16xi32>, %while3A_439: vector<16xf32>, %while3A_440: vector<16xf32>, %while3A_441: vector<16xf32>, %while3A_442: vector<16xf32>, %while3A_443: vector<16xf32>):
      %gt3A_444 = arith.constant 0xFF800000 : f32
      %gt3A_445 = vector.broadcast %gt3A_444 : f32 to vector<16xf32>
      %gt3A_446 = arith.cmpf ogt, %while3A_431, %gt3A_445 : vector<16xf32>
      %eq3A_447 = arith.constant 0 : i32
      %eq3A_448 = arith.cmpi eq, %arg0, %eq3A_447 : i32
      %eq3A_449 = arith.constant 0 : i32
      %eq3A_450 = arith.cmpi eq, %arg1, %eq3A_449 : i32
      %and3A_451 = arith.andi %eq3A_448, %eq3A_450 : i1
      %convert_element_type3A_452 = arith.extui %and3A_451 : i1 to i32
      %cond3A_453 = arith.constant 0 : i32
      %cond3A_454 = arith.cmpi ne, %convert_element_type3A_452, %cond3A_453 : i32
      scf.if %cond3A_454 {
        %eq3A_895 = arith.constant 0 : i32
        %eq3A_896 = vector.broadcast %eq3A_895 : i32 to vector<16xi32>
        %eq3A_897 = arith.cmpi eq, %iota3A, %eq3A_896 : vector<16xi32>
        %eq3A_898 = arith.constant 1 : i32
        %eq3A_899 = vector.broadcast %eq3A_898 : i32 to vector<16xi32>
        %eq3A_900 = arith.cmpi eq, %iota3A, %eq3A_899 : vector<16xi32>
        %eq3A_901 = arith.constant 2 : i32
        %eq3A_902 = vector.broadcast %eq3A_901 : i32 to vector<16xi32>
        %eq3A_903 = arith.cmpi eq, %iota3A, %eq3A_902 : vector<16xi32>
        %eq3A_904 = arith.constant 3 : i32
        %eq3A_905 = vector.broadcast %eq3A_904 : i32 to vector<16xi32>
        %eq3A_906 = arith.cmpi eq, %iota3A, %eq3A_905 : vector<16xi32>
        %jit3A_907 = arith.constant 0.000000e+00 : f32
        %broadcast_in_dim3A_908 = vector.broadcast %jit3A_907 : f32 to vector<16xf32>
        %select_n3A_909 = arith.select %eq3A_906, %while3A_436, %broadcast_in_dim3A_908 : vector<16xi1>, vector<16xf32>
        %select_n3A_910 = arith.select %eq3A_903, %while3A_435, %select_n3A_909 : vector<16xi1>, vector<16xf32>
        %select_n3A_911 = arith.select %eq3A_900, %while3A_434, %select_n3A_910 : vector<16xi1>, vector<16xf32>
        %select_n3A_912 = arith.select %eq3A_897, %while3A_433, %select_n3A_911 : vector<16xi1>, vector<16xf32>
        %jit3A_913 = arith.constant 0.000000e+00 : f32
        %broadcast_in_dim3A_914 = vector.broadcast %jit3A_913 : f32 to vector<16xf32>
        %select_n3A_915 = arith.select %gt3A_446, %select_n3A_912, %broadcast_in_dim3A_914 : vector<16xi1>, vector<16xf32>
        %mul3A_916 = arith.constant 4 : i32
        %mul3A_917 = arith.muli %while3A_429, %mul3A_916 : i32
        %swap3A_918 = arith.index_cast %mul3A_917 : i32 to index
        %swap3A_919 = tpu.vector_load %arg32[%swap3A_918] {strides = array<i32>} : memref<1232xf32, #tpu.memory_space<vmem>>, vector<16xf32>,
        tpu.vector_store %arg32[%swap3A_918], %select_n3A_915 {strides = array<i32>} : memref<1232xf32, #tpu.memory_space<vmem>>, vector<16xf32>,
      } else {
      }
      %eq3A_455 = arith.constant 0 : i32
      %eq3A_456 = arith.cmpi eq, %arg0, %eq3A_455 : i32
      %eq3A_457 = arith.constant 0 : i32
      %eq3A_458 = arith.cmpi eq, %arg1, %eq3A_457 : i32
      %and3A_459 = arith.andi %eq3A_456, %eq3A_458 : i1
      %eq3A_460 = arith.constant 1 : i32
      %eq3A_461 = arith.cmpi eq, %while3A_430, %eq3A_460 : i32
      %and3A_462 = arith.andi %and3A_459, %eq3A_461 : i1
      %convert_element_type3A_463 = arith.extui %and3A_462 : i1 to i32
      %cond3A_464 = arith.constant 0 : i32
      %cond3A_465 = arith.cmpi ne, %convert_element_type3A_463, %cond3A_464 : i32
      scf.if %cond3A_465 {
        %eq3A_895 = arith.constant 0 : i32
        %eq3A_896 = vector.broadcast %eq3A_895 : i32 to vector<16xi32>
        %eq3A_897 = arith.cmpi eq, %iota3A, %eq3A_896 : vector<16xi32>
        %eq3A_898 = arith.constant 1 : i32
        %eq3A_899 = vector.broadcast %eq3A_898 : i32 to vector<16xi32>
        %eq3A_900 = arith.cmpi eq, %iota3A, %eq3A_899 : vector<16xi32>
        %eq3A_901 = arith.constant 2 : i32
        %eq3A_902 = vector.broadcast %eq3A_901 : i32 to vector<16xi32>
        %eq3A_903 = arith.cmpi eq, %iota3A, %eq3A_902 : vector<16xi32>
        %eq3A_904 = arith.constant 3 : i32
        %eq3A_905 = vector.broadcast %eq3A_904 : i32 to vector<16xi32>
        %eq3A_906 = arith.cmpi eq, %iota3A, %eq3A_905 : vector<16xi32>
        %jit3A_907 = arith.constant 0.000000e+00 : f32
        %broadcast_in_dim3A_908 = vector.broadcast %jit3A_907 : f32 to vector<16xf32>
        %select_n3A_909 = arith.select %eq3A_906, %while3A_442, %broadcast_in_dim3A_908 : vector<16xi1>, vector<16xf32>
        %select_n3A_910 = arith.select %eq3A_903, %while3A_441, %select_n3A_909 : vector<16xi1>, vector<16xf32>
        %select_n3A_911 = arith.select %eq3A_900, %while3A_440, %select_n3A_910 : vector<16xi1>, vector<16xf32>
        %select_n3A_912 = arith.select %eq3A_897, %while3A_439, %select_n3A_911 : vector<16xi1>, vector<16xf32>
        %mul3A_913 = arith.constant 4 : i32
        %mul3A_914 = arith.muli %while3A_429, %mul3A_913 : i32
        %add3A_915 = arith.constant 4 : i32
        %add3A_916 = arith.addi %mul3A_914, %add3A_915 : i32
        %swap3A_917 = arith.index_cast %add3A_916 : i32 to index
        %swap3A_918 = tpu.vector_load %arg32[%swap3A_917] {strides = array<i32>} : memref<1232xf32, #tpu.memory_space<vmem>>, vector<16xf32>,
        tpu.vector_store %arg32[%swap3A_917], %select_n3A_912 {strides = array<i32>} : memref<1232xf32, #tpu.memory_space<vmem>>, vector<16xf32>,
      } else {
      }
      %barrier3A_466 = arith.constant 0 : index
      tpu.barrier barrier_id(%barrier3A_466)
      %sub3A_467 = vector.broadcast %mul3A_0 : i32 to vector<16xi32>
      %sub3A_468 = arith.subi %while3A_432, %sub3A_467 : vector<16xi32>
      %sub3A_469 = vector.broadcast %mul3A_0 : i32 to vector<16xi32>
      %sub3A_470 = arith.subi %while3A_438, %sub3A_469 : vector<16xi32>
      %scan3A_471 = arith.constant 0 : i32
      %scan3A_472 = arith.constant 81 : i32
      %scan3A_473 = arith.addi %scan3A_471, %scan3A_472 : i32
      %scan3A_474 = arith.constant 1 : i32
      %scan3A_475:5 = scf.for %scan3A_895 = %scan3A_471 to %scan3A_473 step %scan3A_474 iter_args(%scan3A_896 = %broadcast_in_dim3A_17, %scan3A_897 = %broadcast_in_dim3A_19, %scan3A_898 = %broadcast_in_dim3A_17, %scan3A_899 = %broadcast_in_dim3A_19, %scan3A_900 = %iota3A) -> (vector<16xf32>, vector<16xi32>, vector<16xf32>, vector<16xi32>, vector<16xi32>)  : i32 {
        %mul3A_901 = arith.constant 16 : i32
        %mul3A_902 = arith.muli %scan3A_895, %mul3A_901 : i32
        %get3A = arith.index_cast %mul3A_902 : i32 to index
        %get3A_903 = tpu.vector_load %arg28[%get3A] {strides = array<i32>} : memref<1296xf32, #tpu.memory_space<vmem>>, vector<16xf32>,
        %get3A_904 = arith.index_cast %mul3A_902 : i32 to index
        %get3A_905 = tpu.vector_load %arg23[%get3A_904] {strides = array<i32>} : memref<1296xf32, #tpu.memory_space<vmem>>, vector<16xf32>,
        %get3A_906 = arith.index_cast %mul3A_902 : i32 to index
        %get3A_907 = tpu.vector_load %arg24[%get3A_906] {strides = array<i32>} : memref<1296xf32, #tpu.memory_space<vmem>>, vector<16xf32>,
        %get3A_908 = arith.index_cast %mul3A_902 : i32 to index
        %get3A_909 = tpu.vector_load %arg25[%get3A_908] {strides = array<i32>} : memref<1296xf32, #tpu.memory_space<vmem>>, vector<16xf32>,
        %get3A_910 = arith.index_cast %mul3A_902 : i32 to index
        %get3A_911 = tpu.vector_load %arg26[%get3A_910] {strides = array<i32>} : memref<1296xf32, #tpu.memory_space<vmem>>, vector<16xf32>,
        %get3A_912 = arith.index_cast %mul3A_902 : i32 to index
        %get3A_913 = tpu.vector_load %arg27[%get3A_912] {strides = array<i32>} : memref<1296xf32, #tpu.memory_space<vmem>>, vector<16xf32>,
        %max3A_914 = arith.maximumf %while3A_433, %get3A_905 : vector<16xf32>
        %max3A_915 = arith.maximumf %while3A_434, %get3A_907 : vector<16xf32>
        %min3A_916 = arith.minimumf %while3A_435, %get3A_909 : vector<16xf32>
        %min3A_917 = arith.minimumf %while3A_436, %get3A_911 : vector<16xf32>
        %sub3A_918 = arith.subf %min3A_916, %max3A_914 : vector<16xf32>
        %max3A_919 = arith.constant 0.000000e+00 : f32
        %max3A_920 = vector.broadcast %max3A_919 : f32 to vector<16xf32>
        %max3A_921 = arith.maximumf %sub3A_918, %max3A_920 : vector<16xf32>
        %sub3A_922 = arith.subf %min3A_917, %max3A_915 : vector<16xf32>
        %max3A_923 = arith.constant 0.000000e+00 : f32
        %max3A_924 = vector.broadcast %max3A_923 : f32 to vector<16xf32>
        %max3A_925 = arith.maximumf %sub3A_922, %max3A_924 : vector<16xf32>
        %mul3A_926 = arith.mulf %max3A_921, %max3A_925 : vector<16xf32>
        %add3A_927 = arith.addf %while3A_437, %get3A_913 : vector<16xf32>
        %sub3A_928 = arith.subf %add3A_927, %mul3A_926 : vector<16xf32>
        %add3A_929 = arith.constant 9.99999993E-9 : f32
        %add3A_930 = vector.broadcast %add3A_929 : f32 to vector<16xf32>
        %add3A_931 = arith.addf %sub3A_928, %add3A_930 : vector<16xf32>
        %mul3A_932 = arith.constant 5.000000e-01 : f32
        %mul3A_933 = vector.broadcast %mul3A_932 : f32 to vector<16xf32>
        %mul3A_934 = arith.mulf %mul3A_933, %add3A_931 : vector<16xf32>
        %gt3A_935 = arith.cmpf ogt, %mul3A_926, %mul3A_934 : vector<16xf32>
        %eq3A_936 = arith.cmpi eq, %scan3A_900, %sub3A_468 : vector<16xi32>
        %or3A = arith.ori %gt3A_935, %eq3A_936 : vector<16xi1>
        %max3A_937 = arith.maximumf %while3A_439, %get3A_905 : vector<16xf32>
        %max3A_938 = arith.maximumf %while3A_440, %get3A_907 : vector<16xf32>
        %min3A_939 = arith.minimumf %while3A_441, %get3A_909 : vector<16xf32>
        %min3A_940 = arith.minimumf %while3A_442, %get3A_911 : vector<16xf32>
        %sub3A_941 = arith.subf %min3A_939, %max3A_937 : vector<16xf32>
        %max3A_942 = arith.constant 0.000000e+00 : f32
        %max3A_943 = vector.broadcast %max3A_942 : f32 to vector<16xf32>
        %max3A_944 = arith.maximumf %sub3A_941, %max3A_943 : vector<16xf32>
        %sub3A_945 = arith.subf %min3A_940, %max3A_938 : vector<16xf32>
        %max3A_946 = arith.constant 0.000000e+00 : f32
        %max3A_947 = vector.broadcast %max3A_946 : f32 to vector<16xf32>
        %max3A_948 = arith.maximumf %sub3A_945, %max3A_947 : vector<16xf32>
        %mul3A_949 = arith.mulf %max3A_944, %max3A_948 : vector<16xf32>
        %add3A_950 = arith.addf %while3A_443, %get3A_913 : vector<16xf32>
        %sub3A_951 = arith.subf %add3A_950, %mul3A_949 : vector<16xf32>
        %add3A_952 = arith.constant 9.99999993E-9 : f32
        %add3A_953 = vector.broadcast %add3A_952 : f32 to vector<16xf32>
        %add3A_954 = arith.addf %sub3A_951, %add3A_953 : vector<16xf32>
        %mul3A_955 = arith.constant 5.000000e-01 : f32
        %mul3A_956 = vector.broadcast %mul3A_955 : f32 to vector<16xf32>
        %mul3A_957 = arith.mulf %mul3A_956, %add3A_954 : vector<16xf32>
        %gt3A_958 = arith.cmpf ogt, %mul3A_949, %mul3A_957 : vector<16xf32>
        %or3A_959 = arith.ori %or3A, %gt3A_958 : vector<16xi1>
        %eq3A_960 = arith.cmpi eq, %scan3A_900, %sub3A_470 : vector<16xi32>
        %or3A_961 = arith.ori %or3A_959, %eq3A_960 : vector<16xi1>
        %jit3A_962 = arith.constant 0xFF800000 : f32
        %broadcast_in_dim3A_963 = vector.broadcast %jit3A_962 : f32 to vector<16xf32>
        %select_n3A_964 = arith.select %or3A_961, %broadcast_in_dim3A_963, %get3A_903 : vector<16xi1>, vector<16xf32>
        %swap3A_965 = arith.index_cast %mul3A_902 : i32 to index
        %swap3A_966 = tpu.vector_load %arg28[%swap3A_965] {strides = array<i32>} : memref<1296xf32, #tpu.memory_space<vmem>>, vector<16xf32>,
        tpu.vector_store %arg28[%swap3A_965], %select_n3A_964 {strides = array<i32>} : memref<1296xf32, #tpu.memory_space<vmem>>, vector<16xf32>,
        %gt3A_967 = arith.cmpf ogt, %select_n3A_964, %scan3A_896 : vector<16xf32>
        %gt3A_968 = arith.cmpf ogt, %select_n3A_964, %scan3A_898 : vector<16xf32>
        %select_n3A_969 = arith.select %gt3A_968, %select_n3A_964, %scan3A_898 : vector<16xi1>, vector<16xf32>
        %select_n3A_970 = arith.select %gt3A_967, %scan3A_896, %select_n3A_969 : vector<16xi1>, vector<16xf32>
        %select_n3A_971 = arith.select %gt3A_968, %scan3A_900, %scan3A_899 : vector<16xi1>, vector<16xi32>
        %select_n3A_972 = arith.select %gt3A_967, %scan3A_897, %select_n3A_971 : vector<16xi1>, vector<16xi32>
        %select_n3A_973 = arith.select %gt3A_967, %select_n3A_964, %scan3A_896 : vector<16xi1>, vector<16xf32>
        %select_n3A_974 = arith.select %gt3A_967, %scan3A_900, %scan3A_897 : vector<16xi1>, vector<16xi32>
        %add3A_975 = arith.constant 16 : i32
        %add3A_976 = vector.broadcast %add3A_975 : i32 to vector<16xi32>
        %add3A_977 = arith.addi %scan3A_900, %add3A_976 : vector<16xi32>
        scf.yield %select_n3A_973, %select_n3A_974, %select_n3A_970, %select_n3A_972, %add3A_977 : vector<16xf32>, vector<16xi32>, vector<16xf32>, vector<16xi32>, vector<16xi32>
      }
      %scan3A_476 = arith.constant 81 : i32
      %broadcast_in_dim3A_477 = vector.shape_cast %xor3A_2 : vector<16xi32> to vector<16x1xi32>
      %gather3A_478 = vector.shape_cast %broadcast_in_dim3A_477 : vector<16x1xi32> to vector<16xi32>
      %gather3A_479 = tpu.dynamic_gather %scan3A_475#0[%gather3A_478] in [0] : vector<16xf32>, vector<16xi32> -> vector<16xf32>
      %max3A_480 = arith.maximumf %scan3A_475#0, %gather3A_479 : vector<16xf32>
      %broadcast_in_dim3A_481 = vector.shape_cast %xor3A_5 : vector<16xi32> to vector<16x1xi32>
      %gather3A_482 = vector.shape_cast %broadcast_in_dim3A_481 : vector<16x1xi32> to vector<16xi32>
      %gather3A_483 = tpu.dynamic_gather %max3A_480[%gather3A_482] in [0] : vector<16xf32>, vector<16xi32> -> vector<16xf32>
      %max3A_484 = arith.maximumf %max3A_480, %gather3A_483 : vector<16xf32>
      %broadcast_in_dim3A_485 = vector.shape_cast %xor3A_8 : vector<16xi32> to vector<16x1xi32>
      %gather3A_486 = vector.shape_cast %broadcast_in_dim3A_485 : vector<16x1xi32> to vector<16xi32>
      %gather3A_487 = tpu.dynamic_gather %max3A_484[%gather3A_486] in [0] : vector<16xf32>, vector<16xi32> -> vector<16xf32>
      %max3A_488 = arith.maximumf %max3A_484, %gather3A_487 : vector<16xf32>
      %broadcast_in_dim3A_489 = vector.shape_cast %xor3A_11 : vector<16xi32> to vector<16x1xi32>
      %gather3A_490 = vector.shape_cast %broadcast_in_dim3A_489 : vector<16x1xi32> to vector<16xi32>
      %gather3A_491 = tpu.dynamic_gather %max3A_488[%gather3A_490] in [0] : vector<16xf32>, vector<16xi32> -> vector<16xf32>
      %max3A_492 = arith.maximumf %max3A_488, %gather3A_491 : vector<16xf32>
      %eq3A_493 = arith.cmpf oeq, %scan3A_475#0, %max3A_492 : vector<16xf32>
      %jit3A_494 = arith.constant 1073741824 : i32
      %broadcast_in_dim3A_495 = vector.broadcast %jit3A_494 : i32 to vector<16xi32>
      %select_n3A_496 = arith.select %eq3A_493, %scan3A_475#1, %broadcast_in_dim3A_495 : vector<16xi1>, vector<16xi32>
      %broadcast_in_dim3A_497 = vector.shape_cast %xor3A_2 : vector<16xi32> to vector<16x1xi32>
      %gather3A_498 = vector.shape_cast %broadcast_in_dim3A_497 : vector<16x1xi32> to vector<16xi32>
      %gather3A_499 = tpu.dynamic_gather %select_n3A_496[%gather3A_498] in [0] : vector<16xi32>, vector<16xi32> -> vector<16xi32>
      %min3A_500 = arith.minsi %select_n3A_496, %gather3A_499 : vector<16xi32>
      %broadcast_in_dim3A_501 = vector.shape_cast %xor3A_5 : vector<16xi32> to vector<16x1xi32>
      %gather3A_502 = vector.shape_cast %broadcast_in_dim3A_501 : vector<16x1xi32> to vector<16xi32>
      %gather3A_503 = tpu.dynamic_gather %min3A_500[%gather3A_502] in [0] : vector<16xi32>, vector<16xi32> -> vector<16xi32>
      %min3A_504 = arith.minsi %min3A_500, %gather3A_503 : vector<16xi32>
      %broadcast_in_dim3A_505 = vector.shape_cast %xor3A_8 : vector<16xi32> to vector<16x1xi32>
      %gather3A_506 = vector.shape_cast %broadcast_in_dim3A_505 : vector<16x1xi32> to vector<16xi32>
      %gather3A_507 = tpu.dynamic_gather %min3A_504[%gather3A_506] in [0] : vector<16xi32>, vector<16xi32> -> vector<16xi32>
      %min3A_508 = arith.minsi %min3A_504, %gather3A_507 : vector<16xi32>
      %broadcast_in_dim3A_509 = vector.shape_cast %xor3A_11 : vector<16xi32> to vector<16x1xi32>
      %gather3A_510 = vector.shape_cast %broadcast_in_dim3A_509 : vector<16x1xi32> to vector<16xi32>
      %gather3A_511 = tpu.dynamic_gather %min3A_508[%gather3A_510] in [0] : vector<16xi32>, vector<16xi32> -> vector<16xi32>
      %min3A_512 = arith.minsi %min3A_508, %gather3A_511 : vector<16xi32>
      %eq3A_513 = arith.cmpi eq, %scan3A_475#1, %min3A_512 : vector<16xi32>
      %select_n3A_514 = arith.select %eq3A_513, %scan3A_475#2, %scan3A_475#0 : vector<16xi1>, vector<16xf32>
      %select_n3A_515 = arith.select %eq3A_513, %scan3A_475#3, %scan3A_475#1 : vector<16xi1>, vector<16xi32>
      %broadcast_in_dim3A_516 = vector.shape_cast %xor3A_2 : vector<16xi32> to vector<16x1xi32>
      %gather3A_517 = vector.shape_cast %broadcast_in_dim3A_516 : vector<16x1xi32> to vector<16xi32>
      %gather3A_518 = tpu.dynamic_gather %select_n3A_514[%gather3A_517] in [0] : vector<16xf32>, vector<16xi32> -> vector<16xf32>
      %max3A_519 = arith.maximumf %select_n3A_514, %gather3A_518 : vector<16xf32>
      %broadcast_in_dim3A_520 = vector.shape_cast %xor3A_5 : vector<16xi32> to vector<16x1xi32>
      %gather3A_521 = vector.shape_cast %broadcast_in_dim3A_520 : vector<16x1xi32> to vector<16xi32>
      %gather3A_522 = tpu.dynamic_gather %max3A_519[%gather3A_521] in [0] : vector<16xf32>, vector<16xi32> -> vector<16xf32>
      %max3A_523 = arith.maximumf %max3A_519, %gather3A_522 : vector<16xf32>
      %broadcast_in_dim3A_524 = vector.shape_cast %xor3A_8 : vector<16xi32> to vector<16x1xi32>
      %gather3A_525 = vector.shape_cast %broadcast_in_dim3A_524 : vector<16x1xi32> to vector<16xi32>
      %gather3A_526 = tpu.dynamic_gather %max3A_523[%gather3A_525] in [0] : vector<16xf32>, vector<16xi32> -> vector<16xf32>
      %max3A_527 = arith.maximumf %max3A_523, %gather3A_526 : vector<16xf32>
      %broadcast_in_dim3A_528 = vector.shape_cast %xor3A_11 : vector<16xi32> to vector<16x1xi32>
      %gather3A_529 = vector.shape_cast %broadcast_in_dim3A_528 : vector<16x1xi32> to vector<16xi32>
      %gather3A_530 = tpu.dynamic_gather %max3A_527[%gather3A_529] in [0] : vector<16xf32>, vector<16xi32> -> vector<16xf32>
      %max3A_531 = arith.maximumf %max3A_527, %gather3A_530 : vector<16xf32>
      %eq3A_532 = arith.cmpf oeq, %select_n3A_514, %max3A_531 : vector<16xf32>
      %jit3A_533 = arith.constant 1073741824 : i32
      %broadcast_in_dim3A_534 = vector.broadcast %jit3A_533 : i32 to vector<16xi32>
      %select_n3A_535 = arith.select %eq3A_532, %select_n3A_515, %broadcast_in_dim3A_534 : vector<16xi1>, vector<16xi32>
      %broadcast_in_dim3A_536 = vector.shape_cast %xor3A_2 : vector<16xi32> to vector<16x1xi32>
      %gather3A_537 = vector.shape_cast %broadcast_in_dim3A_536 : vector<16x1xi32> to vector<16xi32>
      %gather3A_538 = tpu.dynamic_gather %select_n3A_535[%gather3A_537] in [0] : vector<16xi32>, vector<16xi32> -> vector<16xi32>
      %min3A_539 = arith.minsi %select_n3A_535, %gather3A_538 : vector<16xi32>
      %broadcast_in_dim3A_540 = vector.shape_cast %xor3A_5 : vector<16xi32> to vector<16x1xi32>
      %gather3A_541 = vector.shape_cast %broadcast_in_dim3A_540 : vector<16x1xi32> to vector<16xi32>
      %gather3A_542 = tpu.dynamic_gather %min3A_539[%gather3A_541] in [0] : vector<16xi32>, vector<16xi32> -> vector<16xi32>
      %min3A_543 = arith.minsi %min3A_539, %gather3A_542 : vector<16xi32>
      %broadcast_in_dim3A_544 = vector.shape_cast %xor3A_8 : vector<16xi32> to vector<16x1xi32>
      %gather3A_545 = vector.shape_cast %broadcast_in_dim3A_544 : vector<16x1xi32> to vector<16xi32>
      %gather3A_546 = tpu.dynamic_gather %min3A_543[%gather3A_545] in [0] : vector<16xi32>, vector<16xi32> -> vector<16xi32>
      %min3A_547 = arith.minsi %min3A_543, %gather3A_546 : vector<16xi32>
      %broadcast_in_dim3A_548 = vector.shape_cast %xor3A_11 : vector<16xi32> to vector<16x1xi32>
      %gather3A_549 = vector.shape_cast %broadcast_in_dim3A_548 : vector<16x1xi32> to vector<16xi32>
      %gather3A_550 = tpu.dynamic_gather %min3A_547[%gather3A_549] in [0] : vector<16xi32>, vector<16xi32> -> vector<16xi32>
      %min3A_551 = arith.minsi %min3A_547, %gather3A_550 : vector<16xi32>
      %min3A_552 = arith.constant 1295 : i32
      %min3A_553 = vector.broadcast %min3A_552 : i32 to vector<16xi32>
      %min3A_554 = arith.minsi %min3A_512, %min3A_553 : vector<16xi32>
      %min3A_555 = arith.constant 1295 : i32
      %min3A_556 = vector.broadcast %min3A_555 : i32 to vector<16xi32>
      %min3A_557 = arith.minsi %min3A_551, %min3A_556 : vector<16xi32>
      %gather3A_558 = tpu.vector_load_idx %arg23[%min3A_554] : memref<1296xf32, #tpu.memory_space<vmem>>[vector<16xi32>], vector<16xf32>,
      %gather3A_559 = tpu.vector_load_idx %arg24[%min3A_554] : memref<1296xf32, #tpu.memory_space<vmem>>[vector<16xi32>], vector<16xf32>,
      %gather3A_560 = tpu.vector_load_idx %arg25[%min3A_554] : memref<1296xf32, #tpu.memory_space<vmem>>[vector<16xi32>], vector<16xf32>,
      %gather3A_561 = tpu.vector_load_idx %arg26[%min3A_554] : memref<1296xf32, #tpu.memory_space<vmem>>[vector<16xi32>], vector<16xf32>,
      %gather3A_562 = tpu.vector_load_idx %arg27[%min3A_554] : memref<1296xf32, #tpu.memory_space<vmem>>[vector<16xi32>], vector<16xf32>,
      %gather3A_563 = tpu.vector_load_idx %arg23[%min3A_557] : memref<1296xf32, #tpu.memory_space<vmem>>[vector<16xi32>], vector<16xf32>,
      %gather3A_564 = tpu.vector_load_idx %arg24[%min3A_557] : memref<1296xf32, #tpu.memory_space<vmem>>[vector<16xi32>], vector<16xf32>,
      %gather3A_565 = tpu.vector_load_idx %arg25[%min3A_557] : memref<1296xf32, #tpu.memory_space<vmem>>[vector<16xi32>], vector<16xf32>,
      %gather3A_566 = tpu.vector_load_idx %arg26[%min3A_557] : memref<1296xf32, #tpu.memory_space<vmem>>[vector<16xi32>], vector<16xf32>,
      %gather3A_567 = tpu.vector_load_idx %arg27[%min3A_557] : memref<1296xf32, #tpu.memory_space<vmem>>[vector<16xi32>], vector<16xf32>,
      %add3A_568 = vector.broadcast %mul3A_0 : i32 to vector<16xi32>
      %add3A_569 = arith.addi %min3A_554, %add3A_568 : vector<16xi32>
      %convert_element_type3A_570 = arith.sitofp %add3A_569 : vector<16xi32> to vector<16xf32>
      %add3A_571 = vector.broadcast %mul3A_0 : i32 to vector<16xi32>
      %add3A_572 = arith.addi %min3A_557, %add3A_571 : vector<16xi32>
      %convert_element_type3A_573 = arith.sitofp %add3A_572 : vector<16xi32> to vector<16xf32>
      %eq3A_574 = arith.constant 0 : i32
      %eq3A_575 = vector.broadcast %eq3A_574 : i32 to vector<16xi32>
      %eq3A_576 = arith.cmpi eq, %iota3A, %eq3A_575 : vector<16xi32>
      %eq3A_577 = arith.constant 1 : i32
      %eq3A_578 = vector.broadcast %eq3A_577 : i32 to vector<16xi32>
      %eq3A_579 = arith.cmpi eq, %iota3A, %eq3A_578 : vector<16xi32>
      %eq3A_580 = arith.constant 2 : i32
      %eq3A_581 = vector.broadcast %eq3A_580 : i32 to vector<16xi32>
      %eq3A_582 = arith.cmpi eq, %iota3A, %eq3A_581 : vector<16xi32>
      %eq3A_583 = arith.constant 3 : i32
      %eq3A_584 = vector.broadcast %eq3A_583 : i32 to vector<16xi32>
      %eq3A_585 = arith.cmpi eq, %iota3A, %eq3A_584 : vector<16xi32>
      %eq3A_586 = arith.constant 4 : i32
      %eq3A_587 = vector.broadcast %eq3A_586 : i32 to vector<16xi32>
      %eq3A_588 = arith.cmpi eq, %iota3A, %eq3A_587 : vector<16xi32>
      %eq3A_589 = arith.constant 5 : i32
      %eq3A_590 = vector.broadcast %eq3A_589 : i32 to vector<16xi32>
      %eq3A_591 = arith.cmpi eq, %iota3A, %eq3A_590 : vector<16xi32>
      %eq3A_592 = arith.constant 6 : i32
      %eq3A_593 = vector.broadcast %eq3A_592 : i32 to vector<16xi32>
      %eq3A_594 = arith.cmpi eq, %iota3A, %eq3A_593 : vector<16xi32>
      %eq3A_595 = arith.constant 7 : i32
      %eq3A_596 = vector.broadcast %eq3A_595 : i32 to vector<16xi32>
      %eq3A_597 = arith.cmpi eq, %iota3A, %eq3A_596 : vector<16xi32>
      %eq3A_598 = arith.constant 8 : i32
      %eq3A_599 = vector.broadcast %eq3A_598 : i32 to vector<16xi32>
      %eq3A_600 = arith.cmpi eq, %iota3A, %eq3A_599 : vector<16xi32>
      %eq3A_601 = arith.constant 9 : i32
      %eq3A_602 = vector.broadcast %eq3A_601 : i32 to vector<16xi32>
      %eq3A_603 = arith.cmpi eq, %iota3A, %eq3A_602 : vector<16xi32>
      %eq3A_604 = arith.constant 10 : i32
      %eq3A_605 = vector.broadcast %eq3A_604 : i32 to vector<16xi32>
      %eq3A_606 = arith.cmpi eq, %iota3A, %eq3A_605 : vector<16xi32>
      %eq3A_607 = arith.constant 11 : i32
      %eq3A_608 = vector.broadcast %eq3A_607 : i32 to vector<16xi32>
      %eq3A_609 = arith.cmpi eq, %iota3A, %eq3A_608 : vector<16xi32>
      %eq3A_610 = arith.constant 12 : i32
      %eq3A_611 = vector.broadcast %eq3A_610 : i32 to vector<16xi32>
      %eq3A_612 = arith.cmpi eq, %iota3A, %eq3A_611 : vector<16xi32>
      %eq3A_613 = arith.constant 13 : i32
      %eq3A_614 = vector.broadcast %eq3A_613 : i32 to vector<16xi32>
      %eq3A_615 = arith.cmpi eq, %iota3A, %eq3A_614 : vector<16xi32>
      %jit3A_616 = arith.constant 0.000000e+00 : f32
      %broadcast_in_dim3A_617 = vector.broadcast %jit3A_616 : f32 to vector<16xf32>
      %select_n3A_618 = arith.select %eq3A_615, %gather3A_567, %broadcast_in_dim3A_617 : vector<16xi1>, vector<16xf32>
      %select_n3A_619 = arith.select %eq3A_612, %gather3A_566, %select_n3A_618 : vector<16xi1>, vector<16xf32>
      %select_n3A_620 = arith.select %eq3A_609, %gather3A_565, %select_n3A_619 : vector<16xi1>, vector<16xf32>
      %select_n3A_621 = arith.select %eq3A_606, %gather3A_564, %select_n3A_620 : vector<16xi1>, vector<16xf32>
      %select_n3A_622 = arith.select %eq3A_603, %gather3A_563, %select_n3A_621 : vector<16xi1>, vector<16xf32>
      %select_n3A_623 = arith.select %eq3A_600, %convert_element_type3A_573, %select_n3A_622 : vector<16xi1>, vector<16xf32>
      %select_n3A_624 = arith.select %eq3A_597, %max3A_531, %select_n3A_623 : vector<16xi1>, vector<16xf32>
      %select_n3A_625 = arith.select %eq3A_594, %gather3A_562, %select_n3A_624 : vector<16xi1>, vector<16xf32>
      %select_n3A_626 = arith.select %eq3A_591, %gather3A_561, %select_n3A_625 : vector<16xi1>, vector<16xf32>
      %select_n3A_627 = arith.select %eq3A_588, %gather3A_560, %select_n3A_626 : vector<16xi1>, vector<16xf32>
      %select_n3A_628 = arith.select %eq3A_585, %gather3A_559, %select_n3A_627 : vector<16xi1>, vector<16xf32>
      %select_n3A_629 = arith.select %eq3A_582, %gather3A_558, %select_n3A_628 : vector<16xi1>, vector<16xf32>
      %select_n3A_630 = arith.select %eq3A_579, %convert_element_type3A_570, %select_n3A_629 : vector<16xi1>, vector<16xf32>
      %select_n3A_631 = arith.select %eq3A_576, %max3A_492, %select_n3A_630 : vector<16xi1>, vector<16xf32>
      %swap3A_632 = arith.constant 0 : index
      %swap3A_633 = tpu.vector_load %arg29[%swap3A_632] {strides = array<i32>} : memref<16xf32, #tpu.memory_space<vmem>>, vector<16xf32>,
      tpu.vector_store %arg29[%swap3A_632], %select_n3A_631 {strides = array<i32>} : memref<16xf32, #tpu.memory_space<vmem>>, vector<16xf32>,
      %mul3A_634 = arith.constant 16 : i32
      %mul3A_635 = arith.muli %arg1, %mul3A_634 : i32
      "tpu.region"() ({
        %run_scoped3A = tpu.sem_alloc : memref<!tpu.dma_semaphore, #tpu.memory_space<semaphore_mem>>
        %dma_start3A = tpu.memref_slice %arg33[%mul3A_635] : memref<256xf32, #tpu.memory_space<vmem_shared>> -> memref<16xf32, #tpu.memory_space<vmem_shared>>
        %dma_start3A_895 = tpu.memref_slice %arg33[%mul3A_635] : memref<256xf32, #tpu.memory_space<vmem_shared>> -> memref<16xf32, #tpu.memory_space<vmem_shared>>
        tpu.enqueue_dma source(%arg29 : memref<16xf32, #tpu.memory_space<vmem>>) target(%dma_start3A_895 : memref<16xf32, #tpu.memory_space<vmem_shared>>) target_semaphore(%run_scoped3A : memref<!tpu.dma_semaphore, #tpu.memory_space<semaphore_mem>>)
        %dma_wait3A = tpu.memref_slice %arg33[%mul3A_635] : memref<256xf32, #tpu.memory_space<vmem_shared>> -> memref<16xf32, #tpu.memory_space<vmem_shared>>
        %dma_wait3A_896 = tpu.memref_slice %arg33[%mul3A_635] : memref<256xf32, #tpu.memory_space<vmem_shared>> -> memref<16xf32, #tpu.memory_space<vmem_shared>>
        tpu.wait_dma2 semaphore(%run_scoped3A : memref<!tpu.dma_semaphore, #tpu.memory_space<semaphore_mem>>) src(%arg29 : memref<16xf32, #tpu.memory_space<vmem>>) dst(%dma_wait3A_896 : memref<16xf32, #tpu.memory_space<vmem_shared>>)
        tpu.yield
      }) : () -> ()
      %barrier3A_636 = arith.constant 0 : index
      tpu.barrier barrier_id(%barrier3A_636)
      "tpu.region"() ({
        %run_scoped3A = tpu.sem_alloc : memref<!tpu.dma_semaphore, #tpu.memory_space<semaphore_mem>>
        tpu.enqueue_dma source(%arg33 : memref<256xf32, #tpu.memory_space<vmem_shared>>) target(%arg30 : memref<256xf32, #tpu.memory_space<vmem>>) target_semaphore(%run_scoped3A : memref<!tpu.dma_semaphore, #tpu.memory_space<semaphore_mem>>)
        tpu.wait_dma2 semaphore(%run_scoped3A : memref<!tpu.dma_semaphore, #tpu.memory_space<semaphore_mem>>) src(%arg33 : memref<256xf32, #tpu.memory_space<vmem_shared>>) dst(%arg30 : memref<256xf32, #tpu.memory_space<vmem>>)
        tpu.yield
      }) : () -> ()
      %mul3A_637 = arith.constant 16 : i32
      %mul3A_638 = vector.broadcast %mul3A_637 : i32 to vector<16xi32>
      %mul3A_639 = arith.muli %iota3A, %mul3A_638 : vector<16xi32>
      %gather3A_640 = tpu.vector_load_idx %arg30[%mul3A_639] : memref<256xf32, #tpu.memory_space<vmem>>[vector<16xi32>], vector<16xf32>,
      %add3A_641 = arith.constant 1 : i32
      %add3A_642 = vector.broadcast %add3A_641 : i32 to vector<16xi32>
      %add3A_643 = arith.addi %mul3A_639, %add3A_642 : vector<16xi32>
      %gather3A_644 = tpu.vector_load_idx %arg30[%add3A_643] : memref<256xf32, #tpu.memory_space<vmem>>[vector<16xi32>], vector<16xf32>,
      %convert_element_type3A_645 = arith.fptosi %gather3A_644 : vector<16xf32> to vector<16xi32>
      %broadcast_in_dim3A_646 = vector.shape_cast %xor3A_2 : vector<16xi32> to vector<16x1xi32>
      %gather3A_647 = vector.shape_cast %broadcast_in_dim3A_646 : vector<16x1xi32> to vector<16xi32>
      %gather3A_648 = tpu.dynamic_gather %gather3A_640[%gather3A_647] in [0] : vector<16xf32>, vector<16xi32> -> vector<16xf32>
      %max3A_649 = arith.maximumf %gather3A_640, %gather3A_648 : vector<16xf32>
      %broadcast_in_dim3A_650 = vector.shape_cast %xor3A_5 : vector<16xi32> to vector<16x1xi32>
      %gather3A_651 = vector.shape_cast %broadcast_in_dim3A_650 : vector<16x1xi32> to vector<16xi32>
      %gather3A_652 = tpu.dynamic_gather %max3A_649[%gather3A_651] in [0] : vector<16xf32>, vector<16xi32> -> vector<16xf32>
      %max3A_653 = arith.maximumf %max3A_649, %gather3A_652 : vector<16xf32>
      %broadcast_in_dim3A_654 = vector.shape_cast %xor3A_8 : vector<16xi32> to vector<16x1xi32>
      %gather3A_655 = vector.shape_cast %broadcast_in_dim3A_654 : vector<16x1xi32> to vector<16xi32>
      %gather3A_656 = tpu.dynamic_gather %max3A_653[%gather3A_655] in [0] : vector<16xf32>, vector<16xi32> -> vector<16xf32>
      %max3A_657 = arith.maximumf %max3A_653, %gather3A_656 : vector<16xf32>
      %broadcast_in_dim3A_658 = vector.shape_cast %xor3A_11 : vector<16xi32> to vector<16x1xi32>
      %gather3A_659 = vector.shape_cast %broadcast_in_dim3A_658 : vector<16x1xi32> to vector<16xi32>
      %gather3A_660 = tpu.dynamic_gather %max3A_657[%gather3A_659] in [0] : vector<16xf32>, vector<16xi32> -> vector<16xf32>
      %max3A_661 = arith.maximumf %max3A_657, %gather3A_660 : vector<16xf32>
      %eq3A_662 = arith.cmpf oeq, %gather3A_640, %max3A_661 : vector<16xf32>
      %jit3A_663 = arith.constant 1073741824 : i32
      %broadcast_in_dim3A_664 = vector.broadcast %jit3A_663 : i32 to vector<16xi32>
      %select_n3A_665 = arith.select %eq3A_662, %convert_element_type3A_645, %broadcast_in_dim3A_664 : vector<16xi1>, vector<16xi32>
      %broadcast_in_dim3A_666 = vector.shape_cast %xor3A_2 : vector<16xi32> to vector<16x1xi32>
      %gather3A_667 = vector.shape_cast %broadcast_in_dim3A_666 : vector<16x1xi32> to vector<16xi32>
      %gather3A_668 = tpu.dynamic_gather %select_n3A_665[%gather3A_667] in [0] : vector<16xi32>, vector<16xi32> -> vector<16xi32>
      %min3A_669 = arith.minsi %select_n3A_665, %gather3A_668 : vector<16xi32>
      %broadcast_in_dim3A_670 = vector.shape_cast %xor3A_5 : vector<16xi32> to vector<16x1xi32>
      %gather3A_671 = vector.shape_cast %broadcast_in_dim3A_670 : vector<16x1xi32> to vector<16xi32>
      %gather3A_672 = tpu.dynamic_gather %min3A_669[%gather3A_671] in [0] : vector<16xi32>, vector<16xi32> -> vector<16xi32>
      %min3A_673 = arith.minsi %min3A_669, %gather3A_672 : vector<16xi32>
      %broadcast_in_dim3A_674 = vector.shape_cast %xor3A_8 : vector<16xi32> to vector<16x1xi32>
      %gather3A_675 = vector.shape_cast %broadcast_in_dim3A_674 : vector<16x1xi32> to vector<16xi32>
      %gather3A_676 = tpu.dynamic_gather %min3A_673[%gather3A_675] in [0] : vector<16xi32>, vector<16xi32> -> vector<16xi32>
      %min3A_677 = arith.minsi %min3A_673, %gather3A_676 : vector<16xi32>
      %broadcast_in_dim3A_678 = vector.shape_cast %xor3A_11 : vector<16xi32> to vector<16x1xi32>
      %gather3A_679 = vector.shape_cast %broadcast_in_dim3A_678 : vector<16x1xi32> to vector<16xi32>
      %gather3A_680 = tpu.dynamic_gather %min3A_677[%gather3A_679] in [0] : vector<16xi32>, vector<16xi32> -> vector<16xi32>
      %min3A_681 = arith.minsi %min3A_677, %gather3A_680 : vector<16xi32>
      %jit3A_682 = arith.constant 1296 : i32
      %div3A_683 = vector.broadcast %jit3A_682 : i32 to vector<16xi32>
      %div3A_684 = arith.divsi %min3A_681, %div3A_683 : vector<16xi32>
      %sign3A_685 = arith.constant 0 : i32
      %sign3A_686 = vector.broadcast %sign3A_685 : i32 to vector<16xi32>
      %sign3A_687 = arith.cmpi sgt, %min3A_681, %sign3A_686 : vector<16xi32>
      %sign3A_688 = arith.extui %sign3A_687 : vector<16xi1> to vector<16xi32>
      %sign3A_689 = arith.constant 0 : i32
      %sign3A_690 = vector.broadcast %sign3A_689 : i32 to vector<16xi32>
      %sign3A_691 = arith.cmpi slt, %min3A_681, %sign3A_690 : vector<16xi32>
      %sign3A_692 = arith.extui %sign3A_691 : vector<16xi1> to vector<16xi32>
      %sign3A_693 = arith.subi %sign3A_688, %sign3A_692 : vector<16xi32>
      %sign3A_694 = arith.constant 0 : i32
      %sign3A_695 = arith.cmpi sgt, %jit3A_682, %sign3A_694 : i32
      %sign3A_696 = arith.extui %sign3A_695 : i1 to i32
      %sign3A_697 = arith.constant 0 : i32
      %sign3A_698 = arith.cmpi slt, %jit3A_682, %sign3A_697 : i32
      %sign3A_699 = arith.extui %sign3A_698 : i1 to i32
      %sign3A_700 = arith.subi %sign3A_696, %sign3A_699 : i32
      %ne3A_701 = vector.broadcast %sign3A_700 : i32 to vector<16xi32>
      %ne3A_702 = arith.cmpi ne, %sign3A_693, %ne3A_701 : vector<16xi32>
      %rem3A_703 = vector.broadcast %jit3A_682 : i32 to vector<16xi32>
      %rem3A_704 = arith.remsi %min3A_681, %rem3A_703 : vector<16xi32>
      %ne3A_705 = arith.constant 0 : i32
      %ne3A_706 = vector.broadcast %ne3A_705 : i32 to vector<16xi32>
      %ne3A_707 = arith.cmpi ne, %rem3A_704, %ne3A_706 : vector<16xi32>
      %and3A_708 = arith.andi %ne3A_702, %ne3A_707 : vector<16xi1>
      %sub3A_709 = arith.constant 1 : i32
      %sub3A_710 = vector.broadcast %sub3A_709 : i32 to vector<16xi32>
      %sub3A_711 = arith.subi %div3A_684, %sub3A_710 : vector<16xi32>
      %select_n3A_712 = arith.select %and3A_708, %sub3A_711, %div3A_684 : vector<16xi1>, vector<16xi32>
      %mul3A_713 = arith.constant 16 : i32
      %mul3A_714 = vector.broadcast %mul3A_713 : i32 to vector<16xi32>
      %mul3A_715 = arith.muli %select_n3A_712, %mul3A_714 : vector<16xi32>
      %add3A_716 = arith.constant 2 : i32
      %add3A_717 = vector.broadcast %add3A_716 : i32 to vector<16xi32>
      %add3A_718 = arith.addi %mul3A_715, %add3A_717 : vector<16xi32>
      %gather3A_719 = tpu.vector_load_idx %arg30[%add3A_718] : memref<256xf32, #tpu.memory_space<vmem>>[vector<16xi32>], vector<16xf32>,
      %add3A_720 = arith.constant 3 : i32
      %add3A_721 = vector.broadcast %add3A_720 : i32 to vector<16xi32>
      %add3A_722 = arith.addi %mul3A_715, %add3A_721 : vector<16xi32>
      %gather3A_723 = tpu.vector_load_idx %arg30[%add3A_722] : memref<256xf32, #tpu.memory_space<vmem>>[vector<16xi32>], vector<16xf32>,
      %add3A_724 = arith.constant 4 : i32
      %add3A_725 = vector.broadcast %add3A_724 : i32 to vector<16xi32>
      %add3A_726 = arith.addi %mul3A_715, %add3A_725 : vector<16xi32>
      %gather3A_727 = tpu.vector_load_idx %arg30[%add3A_726] : memref<256xf32, #tpu.memory_space<vmem>>[vector<16xi32>], vector<16xf32>,
      %add3A_728 = arith.constant 5 : i32
      %add3A_729 = vector.broadcast %add3A_728 : i32 to vector<16xi32>
      %add3A_730 = arith.addi %mul3A_715, %add3A_729 : vector<16xi32>
      %gather3A_731 = tpu.vector_load_idx %arg30[%add3A_730] : memref<256xf32, #tpu.memory_space<vmem>>[vector<16xi32>], vector<16xf32>,
      %add3A_732 = arith.constant 6 : i32
      %add3A_733 = vector.broadcast %add3A_732 : i32 to vector<16xi32>
      %add3A_734 = arith.addi %mul3A_715, %add3A_733 : vector<16xi32>
      %gather3A_735 = tpu.vector_load_idx %arg30[%add3A_734] : memref<256xf32, #tpu.memory_space<vmem>>[vector<16xi32>], vector<16xf32>,
      %eq3A_736 = arith.cmpi eq, %convert_element_type3A_645, %min3A_681 : vector<16xi32>
      %add3A_737 = arith.constant 7 : i32
      %add3A_738 = vector.broadcast %add3A_737 : i32 to vector<16xi32>
      %add3A_739 = arith.addi %mul3A_639, %add3A_738 : vector<16xi32>
      %gather3A_740 = tpu.vector_load_idx %arg30[%add3A_739] : memref<256xf32, #tpu.memory_space<vmem>>[vector<16xi32>], vector<16xf32>,
      %select_n3A_741 = arith.select %eq3A_736, %gather3A_740, %gather3A_640 : vector<16xi1>, vector<16xf32>
      %add3A_742 = arith.constant 8 : i32
      %add3A_743 = vector.broadcast %add3A_742 : i32 to vector<16xi32>
      %add3A_744 = arith.addi %mul3A_639, %add3A_743 : vector<16xi32>
      %gather3A_745 = tpu.vector_load_idx %arg30[%add3A_744] : memref<256xf32, #tpu.memory_space<vmem>>[vector<16xi32>], vector<16xf32>,
      %convert_element_type3A_746 = arith.fptosi %gather3A_745 : vector<16xf32> to vector<16xi32>
      %select_n3A_747 = arith.select %eq3A_736, %convert_element_type3A_746, %convert_element_type3A_645 : vector<16xi1>, vector<16xi32>
      %broadcast_in_dim3A_748 = vector.shape_cast %xor3A_2 : vector<16xi32> to vector<16x1xi32>
      %gather3A_749 = vector.shape_cast %broadcast_in_dim3A_748 : vector<16x1xi32> to vector<16xi32>
      %gather3A_750 = tpu.dynamic_gather %select_n3A_741[%gather3A_749] in [0] : vector<16xf32>, vector<16xi32> -> vector<16xf32>
      %max3A_751 = arith.maximumf %select_n3A_741, %gather3A_750 : vector<16xf32>
      %broadcast_in_dim3A_752 = vector.shape_cast %xor3A_5 : vector<16xi32> to vector<16x1xi32>
      %gather3A_753 = vector.shape_cast %broadcast_in_dim3A_752 : vector<16x1xi32> to vector<16xi32>
      %gather3A_754 = tpu.dynamic_gather %max3A_751[%gather3A_753] in [0] : vector<16xf32>, vector<16xi32> -> vector<16xf32>
      %max3A_755 = arith.maximumf %max3A_751, %gather3A_754 : vector<16xf32>
      %broadcast_in_dim3A_756 = vector.shape_cast %xor3A_8 : vector<16xi32> to vector<16x1xi32>
      %gather3A_757 = vector.shape_cast %broadcast_in_dim3A_756 : vector<16x1xi32> to vector<16xi32>
      %gather3A_758 = tpu.dynamic_gather %max3A_755[%gather3A_757] in [0] : vector<16xf32>, vector<16xi32> -> vector<16xf32>
      %max3A_759 = arith.maximumf %max3A_755, %gather3A_758 : vector<16xf32>
      %broadcast_in_dim3A_760 = vector.shape_cast %xor3A_11 : vector<16xi32> to vector<16x1xi32>
      %gather3A_761 = vector.shape_cast %broadcast_in_dim3A_760 : vector<16x1xi32> to vector<16xi32>
      %gather3A_762 = tpu.dynamic_gather %max3A_759[%gather3A_761] in [0] : vector<16xf32>, vector<16xi32> -> vector<16xf32>
      %max3A_763 = arith.maximumf %max3A_759, %gather3A_762 : vector<16xf32>
      %eq3A_764 = arith.cmpf oeq, %select_n3A_741, %max3A_763 : vector<16xf32>
      %jit3A_765 = arith.constant 1073741824 : i32
      %broadcast_in_dim3A_766 = vector.broadcast %jit3A_765 : i32 to vector<16xi32>
      %select_n3A_767 = arith.select %eq3A_764, %select_n3A_747, %broadcast_in_dim3A_766 : vector<16xi1>, vector<16xi32>
      %broadcast_in_dim3A_768 = vector.shape_cast %xor3A_2 : vector<16xi32> to vector<16x1xi32>
      %gather3A_769 = vector.shape_cast %broadcast_in_dim3A_768 : vector<16x1xi32> to vector<16xi32>
      %gather3A_770 = tpu.dynamic_gather %select_n3A_767[%gather3A_769] in [0] : vector<16xi32>, vector<16xi32> -> vector<16xi32>
      %min3A_771 = arith.minsi %select_n3A_767, %gather3A_770 : vector<16xi32>
      %broadcast_in_dim3A_772 = vector.shape_cast %xor3A_5 : vector<16xi32> to vector<16x1xi32>
      %gather3A_773 = vector.shape_cast %broadcast_in_dim3A_772 : vector<16x1xi32> to vector<16xi32>
      %gather3A_774 = tpu.dynamic_gather %min3A_771[%gather3A_773] in [0] : vector<16xi32>, vector<16xi32> -> vector<16xi32>
      %min3A_775 = arith.minsi %min3A_771, %gather3A_774 : vector<16xi32>
      %broadcast_in_dim3A_776 = vector.shape_cast %xor3A_8 : vector<16xi32> to vector<16x1xi32>
      %gather3A_777 = vector.shape_cast %broadcast_in_dim3A_776 : vector<16x1xi32> to vector<16xi32>
      %gather3A_778 = tpu.dynamic_gather %min3A_775[%gather3A_777] in [0] : vector<16xi32>, vector<16xi32> -> vector<16xi32>
      %min3A_779 = arith.minsi %min3A_775, %gather3A_778 : vector<16xi32>
      %broadcast_in_dim3A_780 = vector.shape_cast %xor3A_11 : vector<16xi32> to vector<16x1xi32>
      %gather3A_781 = vector.shape_cast %broadcast_in_dim3A_780 : vector<16x1xi32> to vector<16xi32>
      %gather3A_782 = tpu.dynamic_gather %min3A_779[%gather3A_781] in [0] : vector<16xi32>, vector<16xi32> -> vector<16xi32>
      %min3A_783 = arith.minsi %min3A_779, %gather3A_782 : vector<16xi32>
      %min3A_784 = arith.constant 20735 : i32
      %min3A_785 = vector.broadcast %min3A_784 : i32 to vector<16xi32>
      %min3A_786 = arith.minsi %min3A_783, %min3A_785 : vector<16xi32>
      %jit3A_787 = arith.constant 1296 : i32
      %div3A_788 = vector.broadcast %jit3A_787 : i32 to vector<16xi32>
      %div3A_789 = arith.divsi %min3A_786, %div3A_788 : vector<16xi32>
      %sign3A_790 = arith.constant 0 : i32
      %sign3A_791 = vector.broadcast %sign3A_790 : i32 to vector<16xi32>
      %sign3A_792 = arith.cmpi sgt, %min3A_786, %sign3A_791 : vector<16xi32>
      %sign3A_793 = arith.extui %sign3A_792 : vector<16xi1> to vector<16xi32>
      %sign3A_794 = arith.constant 0 : i32
      %sign3A_795 = vector.broadcast %sign3A_794 : i32 to vector<16xi32>
      %sign3A_796 = arith.cmpi slt, %min3A_786, %sign3A_795 : vector<16xi32>
      %sign3A_797 = arith.extui %sign3A_796 : vector<16xi1> to vector<16xi32>
      %sign3A_798 = arith.subi %sign3A_793, %sign3A_797 : vector<16xi32>
      %sign3A_799 = arith.constant 0 : i32
      %sign3A_800 = arith.cmpi sgt, %jit3A_787, %sign3A_799 : i32
      %sign3A_801 = arith.extui %sign3A_800 : i1 to i32
      %sign3A_802 = arith.constant 0 : i32
      %sign3A_803 = arith.cmpi slt, %jit3A_787, %sign3A_802 : i32
      %sign3A_804 = arith.extui %sign3A_803 : i1 to i32
      %sign3A_805 = arith.subi %sign3A_801, %sign3A_804 : i32
      %ne3A_806 = vector.broadcast %sign3A_805 : i32 to vector<16xi32>
      %ne3A_807 = arith.cmpi ne, %sign3A_798, %ne3A_806 : vector<16xi32>
      %rem3A_808 = vector.broadcast %jit3A_787 : i32 to vector<16xi32>
      %rem3A_809 = arith.remsi %min3A_786, %rem3A_808 : vector<16xi32>
      %ne3A_810 = arith.constant 0 : i32
      %ne3A_811 = vector.broadcast %ne3A_810 : i32 to vector<16xi32>
      %ne3A_812 = arith.cmpi ne, %rem3A_809, %ne3A_811 : vector<16xi32>
      %and3A_813 = arith.andi %ne3A_807, %ne3A_812 : vector<16xi1>
      %sub3A_814 = arith.constant 1 : i32
      %sub3A_815 = vector.broadcast %sub3A_814 : i32 to vector<16xi32>
      %sub3A_816 = arith.subi %div3A_789, %sub3A_815 : vector<16xi32>
      %select_n3A_817 = arith.select %and3A_813, %sub3A_816, %div3A_789 : vector<16xi1>, vector<16xi32>
      %mul3A_818 = arith.constant 16 : i32
      %mul3A_819 = vector.broadcast %mul3A_818 : i32 to vector<16xi32>
      %mul3A_820 = arith.muli %select_n3A_817, %mul3A_819 : vector<16xi32>
      %add3A_821 = arith.constant 1 : i32
      %add3A_822 = vector.broadcast %add3A_821 : i32 to vector<16xi32>
      %add3A_823 = arith.addi %mul3A_820, %add3A_822 : vector<16xi32>
      %gather3A_824 = tpu.vector_load_idx %arg30[%add3A_823] : memref<256xf32, #tpu.memory_space<vmem>>[vector<16xi32>], vector<16xf32>,
      %convert_element_type3A_825 = arith.fptosi %gather3A_824 : vector<16xf32> to vector<16xi32>
      %eq3A_826 = arith.cmpi eq, %convert_element_type3A_825, %min3A_786 : vector<16xi32>
      %add3A_827 = arith.constant 2 : i32
      %add3A_828 = vector.broadcast %add3A_827 : i32 to vector<16xi32>
      %add3A_829 = arith.addi %mul3A_820, %add3A_828 : vector<16xi32>
      %add3A_830 = arith.constant 9 : i32
      %add3A_831 = vector.broadcast %add3A_830 : i32 to vector<16xi32>
      %add3A_832 = arith.addi %mul3A_820, %add3A_831 : vector<16xi32>
      %select_n3A_833 = arith.select %eq3A_826, %add3A_829, %add3A_832 : vector<16xi1>, vector<16xi32>
      %gather3A_834 = tpu.vector_load_idx %arg30[%select_n3A_833] : memref<256xf32, #tpu.memory_space<vmem>>[vector<16xi32>], vector<16xf32>,
      %add3A_835 = arith.constant 1 : i32
      %add3A_836 = vector.broadcast %add3A_835 : i32 to vector<16xi32>
      %add3A_837 = arith.addi %select_n3A_833, %add3A_836 : vector<16xi32>
      %gather3A_838 = tpu.vector_load_idx %arg30[%add3A_837] : memref<256xf32, #tpu.memory_space<vmem>>[vector<16xi32>], vector<16xf32>,
      %add3A_839 = arith.constant 2 : i32
      %add3A_840 = vector.broadcast %add3A_839 : i32 to vector<16xi32>
      %add3A_841 = arith.addi %select_n3A_833, %add3A_840 : vector<16xi32>
      %gather3A_842 = tpu.vector_load_idx %arg30[%add3A_841] : memref<256xf32, #tpu.memory_space<vmem>>[vector<16xi32>], vector<16xf32>,
      %add3A_843 = arith.constant 3 : i32
      %add3A_844 = vector.broadcast %add3A_843 : i32 to vector<16xi32>
      %add3A_845 = arith.addi %select_n3A_833, %add3A_844 : vector<16xi32>
      %gather3A_846 = tpu.vector_load_idx %arg30[%add3A_845] : memref<256xf32, #tpu.memory_space<vmem>>[vector<16xi32>], vector<16xf32>,
      %add3A_847 = arith.constant 4 : i32
      %add3A_848 = vector.broadcast %add3A_847 : i32 to vector<16xi32>
      %add3A_849 = arith.addi %select_n3A_833, %add3A_848 : vector<16xi32>
      %gather3A_850 = tpu.vector_load_idx %arg30[%add3A_849] : memref<256xf32, #tpu.memory_space<vmem>>[vector<16xi32>], vector<16xf32>,
      %max3A_851 = arith.maximumf %gather3A_719, %gather3A_834 : vector<16xf32>
      %max3A_852 = arith.maximumf %gather3A_723, %gather3A_838 : vector<16xf32>
      %min3A_853 = arith.minimumf %gather3A_727, %gather3A_842 : vector<16xf32>
      %min3A_854 = arith.minimumf %gather3A_731, %gather3A_846 : vector<16xf32>
      %sub3A_855 = arith.subf %min3A_853, %max3A_851 : vector<16xf32>
      %max3A_856 = arith.constant 0.000000e+00 : f32
      %max3A_857 = vector.broadcast %max3A_856 : f32 to vector<16xf32>
      %max3A_858 = arith.maximumf %sub3A_855, %max3A_857 : vector<16xf32>
      %sub3A_859 = arith.subf %min3A_854, %max3A_852 : vector<16xf32>
      %max3A_860 = arith.constant 0.000000e+00 : f32
      %max3A_861 = vector.broadcast %max3A_860 : f32 to vector<16xf32>
      %max3A_862 = arith.maximumf %sub3A_859, %max3A_861 : vector<16xf32>
      %mul3A_863 = arith.mulf %max3A_858, %max3A_862 : vector<16xf32>
      %add3A_864 = arith.addf %gather3A_735, %gather3A_850 : vector<16xf32>
      %sub3A_865 = arith.subf %add3A_864, %mul3A_863 : vector<16xf32>
      %add3A_866 = arith.constant 9.99999993E-9 : f32
      %add3A_867 = vector.broadcast %add3A_866 : f32 to vector<16xf32>
      %add3A_868 = arith.addf %sub3A_865, %add3A_867 : vector<16xf32>
      %gt3A_869 = arith.constant 0xFF800000 : f32
      %gt3A_870 = vector.broadcast %gt3A_869 : f32 to vector<16xf32>
      %gt3A_871 = arith.cmpf ogt, %max3A_763, %gt3A_870 : vector<16xf32>
      %mul3A_872 = arith.constant 5.000000e-01 : f32
      %mul3A_873 = vector.broadcast %mul3A_872 : f32 to vector<16xf32>
      %mul3A_874 = arith.mulf %mul3A_873, %add3A_868 : vector<16xf32>
      %gt3A_875 = arith.cmpf ogt, %mul3A_863, %mul3A_874 : vector<16xf32>
      %not3A_876 = arith.constant dense<true> : vector<16xi1>
      %not3A_877 = arith.xori %gt3A_875, %not3A_876 : vector<16xi1>
      %and3A_878 = arith.andi %gt3A_871, %not3A_877 : vector<16xi1>
      %convert_element_type3A_879 = arith.extui %and3A_878 : vector<16xi1> to vector<16xi32>
      %slice3A_880 = vector.extract_strided_slice %convert_element_type3A_879 {offsets = [0], sizes = [1], strides = [1]} : vector<16xi32> to vector<1xi32>
      %squeeze3A_881 = vector.extract %slice3A_880[0] : i32 from vector<1xi32>
      %convert_element_type3A_882 = arith.extui %and3A_878 : vector<16xi1> to vector<16xi32>
      %convert_element_type3A_883 = arith.sitofp %convert_element_type3A_882 : vector<16xi32> to vector<16xf32>
      %mul3A_884 = arith.mulf %gather3A_834, %convert_element_type3A_883 : vector<16xf32>
      %mul3A_885 = arith.mulf %gather3A_838, %convert_element_type3A_883 : vector<16xf32>
      %mul3A_886 = arith.mulf %gather3A_842, %convert_element_type3A_883 : vector<16xf32>
      %mul3A_887 = arith.mulf %gather3A_846, %convert_element_type3A_883 : vector<16xf32>
      %mul3A_888 = arith.mulf %gather3A_850, %convert_element_type3A_883 : vector<16xf32>
      %jit3A_889 = arith.constant -1073741824 : i32
      %broadcast_in_dim3A_890 = vector.broadcast %jit3A_889 : i32 to vector<16xi32>
      %select_n3A_891 = arith.select %and3A_878, %min3A_783, %broadcast_in_dim3A_890 : vector<16xi1>, vector<16xi32>
      %add3A_892 = arith.constant 1 : i32
      %add3A_893 = arith.addi %while3A_429, %add3A_892 : i32
      %add3A_894 = arith.addi %add3A_893, %while3A_430 : i32
      scf.yield %add3A_894, %squeeze3A_881, %max3A_661, %min3A_681, %gather3A_719, %gather3A_723, %gather3A_727, %gather3A_731, %gather3A_735, %select_n3A_891, %mul3A_884, %mul3A_885, %mul3A_886, %mul3A_887, %mul3A_888 : i32, i32, vector<16xf32>, vector<16xi32>, vector<16xf32>, vector<16xf32>, vector<16xf32>, vector<16xf32>, vector<16xf32>, vector<16xi32>, vector<16xf32>, vector<16xf32>, vector<16xf32>, vector<16xf32>, vector<16xf32>
    }
    %eq3A_422 = arith.constant 0 : i32
    %eq3A_423 = arith.cmpi eq, %arg0, %eq3A_422 : i32
    %eq3A_424 = arith.constant 0 : i32
    %eq3A_425 = arith.cmpi eq, %arg1, %eq3A_424 : i32
    %and3A_426 = arith.andi %eq3A_423, %eq3A_425 : i1
    %convert_element_type3A_427 = arith.extui %and3A_426 : i1 to i32
    %cond3A = arith.constant 0 : i32
    %cond3A_428 = arith.cmpi ne, %convert_element_type3A_427, %cond3A : i32
    scf.if %cond3A_428 {
      "tpu.region"() ({
        %run_scoped3A = tpu.sem_alloc : memref<!tpu.dma_semaphore, #tpu.memory_space<semaphore_mem>>
        %dma_start3A = arith.constant 0 : i32
        %dma_start3A_429 = tpu.memref_slice %arg32[%dma_start3A] : memref<1232xf32, #tpu.memory_space<vmem>> -> memref<1200xf32, #tpu.memory_space<vmem>>
        %dma_start3A_430 = arith.constant 0 : i32
        %dma_start3A_431 = tpu.memref_slice %arg32[%dma_start3A_430] : memref<1232xf32, #tpu.memory_space<vmem>> -> memref<1200xf32, #tpu.memory_space<vmem>>
        tpu.enqueue_dma source(%dma_start3A_431 : memref<1200xf32, #tpu.memory_space<vmem>>) target(%arg12 : memref<1200xf32, #tpu.memory_space<hbm>>) target_semaphore(%run_scoped3A : memref<!tpu.dma_semaphore, #tpu.memory_space<semaphore_mem>>)
        %dma_wait3A = arith.constant 0 : i32
        %dma_wait3A_432 = tpu.memref_slice %arg32[%dma_wait3A] : memref<1232xf32, #tpu.memory_space<vmem>> -> memref<1200xf32, #tpu.memory_space<vmem>>
        %dma_wait3A_433 = arith.constant 0 : i32
        %dma_wait3A_434 = tpu.memref_slice %arg32[%dma_wait3A_433] : memref<1232xf32, #tpu.memory_space<vmem>> -> memref<1200xf32, #tpu.memory_space<vmem>>
        tpu.wait_dma2 semaphore(%run_scoped3A : memref<!tpu.dma_semaphore, #tpu.memory_space<semaphore_mem>>) src(%dma_wait3A_434 : memref<1200xf32, #tpu.memory_space<vmem>>) dst(%arg12 : memref<1200xf32, #tpu.memory_space<hbm>>)
        tpu.yield
      }) : () -> ()
    } else {
    }
    return
  }
}

</mosaic_0001>

<sc_bundles>
// kernel: kernel.3.cloned.1.call-start
scs
__scs_entry_jumppad:
0x0: {  	(pc) =	sbr.rel $0x88, $3  }
0x1: {  	(tag) =	ssettag $0x0;
	lr =	simm.s32 $0x1  }
0x2: {  	[smem:$0x3F9F] =	sst lr;
	_ =	strace $0xD0000000  }
0x3: {  	_ = 	snop  }
0x4: {  	_ = 	snop  }
0x5: {  	_ = 	snop  }
0x6: {  	_ = 	snop  }
0x7: {  	_ = 	snop  }
__scs_overlays_trampoline_lowered:
0x8: {  	[smem:$0x3FAE] =	sst s0  }
0x9: {  	[smem:$0x3FAF] =	sst s1  }
0xa: {  	[smem:$0x3FB0] =	sst s2  }
0xb: {  	[smem:$0x3FB1] =	sst s3  }
0xc: {  	[smem:$0x3FB2] =	sst s4  }
0xd: {  	[smem:$0x3FB3] =	sst s5  }
0xe: {  	[smem:$0x3FB4] =	sst s6  }
0xf: {  	[smem:$0x3FB5] =	sst s7  }
0x10: {  	[smem:$0x3FB6] =	sst s8  }
0x11: {  	[smem:$0x3FB7] =	sst s9;
	s0 =	simm.s32 @!p0 $0x0  }
0x12: {  	s1 =	sld [smem:$0x3F9D];
	s0 =	simm.s32 @p0 $0x1  }
0x13: {  	[smem:$0x3FB8] =	sst s0;
	s0 =	simm.s32 @!p1 $0x0  }
0x14: {  	s2 =	sld [smem:$0x3F9C];
	s0 =	simm.s32 @p1 $0x1  }
0x15: {  	[smem:$0x3FB9] =	sst s0;
	s0 =	simm.s32 @!p2 $0x0  }
0x16: {  	s3 =	sld [smem:$0x3FDB];
	s0 =	simm.s32 @p2 $0x1  }
0x17: {  	s4 =	simm.s32 $0x1BF5;
	[smem:$0x3FBB] =	sst s0  }
0x18: {  	s0 =	sld [smem:$0x3F9E];
	_ =	swait.ge [sflag:s4], $0x0  }
0x19: {  	s7 =	sld [smem:$0x3F9F]  }
0x1a: {  	s8 =	sadd.s32 $0xFFFFE003, lr  }
0x1b: {  	s9 =	sadd.s32 $0xFFFFFEF7, lr;
	s5 =	simm.s32 $0xFFFFFFFF;
	p2 =	slt.u32 s8, $0xFFFFF086  }
0x1c: {  	p1 =	slt.u32 s9, $0xF7A;
	s5 =	simm.s32 @!p2 $0x0  }
0x1d: {  	s5 =	simm.s32 @p1 $0x1;
	p0 =	seq.s32 s7, s2  }
0x1e: {  	s7 =	smul.u32 @!p0 $0xF7A, s2;
	p2 =	seq.s32 @!p0 s5, $0x0  }
0x1f: {  	s9 =	smul.u32 $0xF7A, s1;
	s8 =	simm.s32 @!p0 $0x1BF5;
	p2 =	por !p2, p0  }
0x20: {  	[sflag:s8] =	ssyncset.s32 @!p0 $0xFFFFF086;
	s6 =	sadd.s32 @!p0 s3, s7;
	s7 =	simm.s32 @!p0 $0x108  }
0x21: {  	s3 =	sadd.s32 s3, s9;
	s6 =	sadd.s32 @!p0 $0x88, s6;
	s7 =	simm.s32 @p2 $0x1082  }
0x22: {  	[simem:s7], [sflag:s8] =	dma.local @!p0 [hbm:s6], $0xF7A  }
0x23: {  	s9 =	sor.u32 $0xD0000000, s2;
	s6 =	simm.s32 $0x108;
	_ =	swait.ge @!p0 [sflag:s8], $0x0  }
0x24: {  	s3 =	sadd.s32 $0x88, s3;
	s6 =	simm.s32 @!p1 $0x1082;
	[sflag:s4] =	ssyncset.s32 $0xFFFFF086  }
0x25: {  	[simem:s6], [sflag:s4] =	dma.local [hbm:s3], $0xF7A  }
0x26: {  	[smem:$0x3F9F] =	sst s1;
	(tag) =	ssettag s2;
	_ =	strace s9  }
0x27: {  	s1 =	sld [smem:$0x3FAF]  }
0x28: {  	s2 =	sld [smem:$0x3FB0]  }
0x29: {  	s4 =	sld [smem:$0x3FB2]  }
0x2a: {  	p0 =	seq.s32 s5, $0x0;
	s5 =	sld [smem:$0x3FB3]  }
0x2b: {  	s6 =	sld [smem:$0x3FB4]  }
0x2c: {  	s7 =	sld [smem:$0x3FB5]  }
0x2d: {  	s3 =	simm.s32 $0x108;
	s8 =	sld [smem:$0x3FB6]  }
0x2e: {  	s3 =	simm.s32 @!p0 $0x1082;
	s9 =	sld [smem:$0x3FB7]  }
0x2f: {  	lr =	sadd.s32 s0, s3;
	s0 =	sld [smem:$0x3FAE]  }
0x30: {  	s3 =	sld [smem:$0x3FB1]  }
0x31: {  	[smem:$0x3FBA] =	sst s10  }
0x32: {  	s10 =	sld [smem:$0x3FB8];
	_ =	sdelay $0x3  }
0x33: {  	p0 =	seq.s32 s10, $0x1;
	s10 =	sld [smem:$0x3FBA];
	_ =	sdelay $0x3  }
0x34: {  	[smem:$0x3FBA] =	sst s10  }
0x35: {  	s10 =	sld [smem:$0x3FB9];
	_ =	sdelay $0x3  }
0x36: {  	p1 =	seq.s32 s10, $0x1;
	s10 =	sld [smem:$0x3FBA];
	_ =	sdelay $0x3  }
0x37: {  	[smem:$0x3FBA] =	sst s10  }
0x38: {  	s10 =	sld [smem:$0x3FBB]  }
0x39: {  	_ = 	snop;
	(pc) =	sbr.ind lr, $3  }
0x3a: {  	_ = 	snop  }
0x3b: {  	_ = 	snop  }
0x3c: {  	p2 =	seq.s32 s10, $0x1;
	s10 =	sld [smem:$0x3FBA]  }
0x3d: {  	_ =	shalt  }
0x3e: {  	_ =	shalt  }
0x3f: {  	_ =	shalt  }
0x40: {  	_ =	shalt  }
0x41: {  	_ =	shalt  }
0x42: {  	_ =	shalt  }
0x43: {  	_ =	shalt  }
0x44: {  	_ =	shalt  }
0x45: {  	_ =	shalt  }
0x46: {  	_ =	shalt  }
0x47: {  	_ =	shalt  }
0x48: {  	_ =	shalt  }
0x49: {  	_ =	shalt  }
0x4a: {  	_ =	shalt  }
0x4b: {  	_ =	shalt  }
0x4c: {  	_ =	shalt  }
0x4d: {  	_ =	shalt  }
0x4e: {  	_ =	shalt  }
0x4f: {  	_ =	shalt  }
0x50: {  	_ =	shalt  }
0x51: {  	_ =	shalt  }
0x52: {  	_ =	shalt  }
0x53: {  	_ =	shalt  }
0x54: {  	_ =	shalt  }
0x55: {  	_ =	shalt  }
0x56: {  	_ =	shalt  }
0x57: {  	_ =	shalt  }
0x58: {  	_ =	shalt  }
0x59: {  	_ =	shalt  }
0x5a: {  	_ =	shalt  }
0x5b: {  	_ =	shalt  }
0x5c: {  	_ =	shalt  }
0x5d: {  	_ =	shalt  }
0x5e: {  	_ =	shalt  }
0x5f: {  	_ =	shalt  }
0x60: {  	_ =	shalt  }
0x61: {  	_ =	shalt  }
0x62: {  	_ =	shalt  }
0x63: {  	_ =	shalt  }
0x64: {  	_ =	shalt  }
0x65: {  	_ =	shalt  }
0x66: {  	_ =	shalt  }
0x67: {  	_ =	shalt  }
0x68: {  	_ =	shalt  }
0x69: {  	_ =	shalt  }
0x6a: {  	_ =	shalt  }
0x6b: {  	_ =	shalt  }
0x6c: {  	_ =	shalt  }
0x6d: {  	_ =	shalt  }
0x6e: {  	_ =	shalt  }
0x6f: {  	_ =	shalt  }
0x70: {  	_ =	shalt  }
0x71: {  	_ =	shalt  }
0x72: {  	_ =	shalt  }
0x73: {  	_ =	shalt  }
0x74: {  	_ =	shalt  }
0x75: {  	_ =	shalt  }
0x76: {  	_ =	shalt  }
0x77: {  	_ =	shalt  }
0x78: {  	_ =	shalt  }
0x79: {  	_ =	shalt  }
0x7a: {  	_ =	shalt  }
0x7b: {  	_ =	shalt  }
0x7c: {  	_ =	shalt  }
0x7d: {  	_ =	shalt  }
0x7e: {  	_ =	shalt  }
0x7f: {  	_ =	shalt  }
0x80: {  	_ =	shalt  }
0x81: {  	_ =	shalt  }
0x82: {  	_ =	shalt  }
0x83: {  	_ =	shalt  }
0x84: {  	_ =	shalt  }
0x85: {  	_ =	shalt  }
0x86: {  	_ =	shalt  }
0x87: {  	_ =	shalt  }
.Lfunc_end0:
.L_simem_size_0:
called_computation_lowered:
.L_overlay_start_0:
0x88: {  	s0 =	sld [smem:$0x3FD9]  }
0x89: {  	s1 =	sld [smem:$0x3FFE];
	_ =	sdelay $0x3  }
0x8a: {  	s0 =	sadd.s32 s1, s0  }
0x8b: {  	[smem:$0x3FC6] =	sst s0  }
0x8c: {  	_ = 	snop  }
0x8d: {  	(tm) =	ssettm $0x1  }
0x8e: {  	s15 =	sld [smem:$0x3FFB];
	_ =	sdelay $0x3  }
0x8f: {  	_ =	strace s15  }
0x90: {  	s0 =	sld [smem:$0x3FFC];
	_ =	sdelay $0x3  }
0x91: {  	_ =	strace s0  }
0x92: {  	s0 =	sld [smem:$0x3FFD];
	_ =	sdelay $0x3  }
0x93: {  	_ =	strace s0  }
0x94: {  	_ =	strace $0x8FFFFFFF  }
0x95: {  	s16 =	sld [smem:$0x3FDB];
	_ =	sdelay $0x1  }
0x96: {  	s17 =	simm.s32 $_scs_section_size  }
0x97: {  	s2 =	simm.s32 $_size__tile_overlayer_lowered;
	s3 =	simm.s32 $_tile_overlayer_lowered  }
0x98: {  	s20 =	simm.s32 $0x1BFF;
	s19 =	sshll.u32 s3, $0x1;
	s0 =	sadd.s32 s17, s16  }
0x99: {  	s4 =	simm.s32 $0x0;
	s18 =	sshll.u32 s2, $0x1;
	s2 =	sadd.s32 s19, s0  }
0x9a: {  	[timem:s4], [sflag:s20] =	dma.local [hbm:s2], s18  }
0x9b: {  	_ =	swait.ge [sflag:s20], s18  }
0x9c: {  	s1 =	ssub.s32 $0x0, s18;
	[sflag:s20] =	ssyncset.done $0x0  }
0x9d: {  	[sflag:s20] =	ssyncadd.s32 s1;
	_ =	sdelay $0x1  }
0x9e: {  	s21 =	simm.s32 $0x1B8B  }
0x9f: {  	_ =	swait.ge [sflag:s21], $0x1  }
0xa0: {  	[sflag:s21] =	ssyncset.done $0x0  }
0xa1: {  	s23 =	simm.s32 $0x1B8E;
	s22 =	sld [smem:$0x3FFE];
	[sflag:s21] =	ssyncadd.s32 $0xFFFFFFFF  }
0xa2: {  	s24 =	simm.s32 $execute0_lowered;
	[smem:$0x3FD2] =	sst s23  }
0xa3: {  	s2 =	sshll.u32 s24, $0x1;
	_ =	strace $0x80000046;
	[dreg:$0x1] =	wrdreg $0xFFFFFFFF  }
0xa4: {  	s25 =	simm.s32 $_size_execute0_lowered;
	s0 =	sadd.s32 s0, s2;
	[dreg:$0x0] =	wrdreg $0x0  }
0xa5: {  	s2 =	sshll.u32 s25, $0x1;
	[dreg:$0x2] =	wrdreg s0  }
0xa6: {  	[dreg:$0x3] =	wrdreg s2  }
0xa7: {  	[dreg:$0x4] =	wrdreg $0xC0  }
0xa8: {  	_ =	task [dreg:s4], $0x5FFFF  }
0xa9: {  	[dreg:$0x1] =	wrdreg $0xFFFFFFFF  }
0xaa: {  	[dreg:$0x0] =	wrdreg $0x60  }
0xab: {  	[dreg:$0x2] =	wrdreg s22  }
0xac: {  	[dreg:$0x3] =	wrdreg $0x5E800  }
0xad: {  	[dreg:$0x4] =	wrdreg $0x9  }
0xae: {  	_ =	task.clear_ibuf [dreg:s4], $0x5FFFF;
	_ =	strace $0x90000046  }
0xaf: {  	s26 =	simm.s32 $0x9;
	_ =	strace $0x80000048  }
0xb0: {  	_ =	swait.ge [sflag:s26], $0x1  }
0xb1: {  	[sflag:s26] =	ssyncadd.s32 $0xFFFFFFFF  }
0xb2: {  	_ =	strace $0x90000048  }
0xb3: {  	_ =	sfence  }
0xb4: {  	s28 =	sld [smem:$0x0];
	_ =	sdelay $0x1  }
0xb5: {  	s29 =	srdreg.scid  }
0xb6: {  	s30 =	sshll.u32 s29, $0xD;
	s31 =	sshrl.u32 s29, $0x2  }
0xb7: {  	s1 =	sand.u32 $0x1, s29;
	s2 =	sand.u32 $0x4000, s30;
	s0 =	sadd.s32 s31, s28  }
0xb8: {  	s1 =	sor.u32 s2, s1;
	s0 =	sshll.u32 s0, $0x11  }
0xb9: {  	s0 =	sor.u32 s0, s1  }
0xba: {  	s0 =	sadd.s32 $0x8F2B, s0  }
0xbb: {  	[sflag:s0] =	ssyncadd.remote.s32 $0x1  }
0xbc: {  	_ =	sfence.sel $0xFFFF  }
0xbd: {  	[dreg:$0x0] =	wrdreg $0xFFFFFFFF;
	(pc) =	sbr.abs _section_cstart, $3  }
0xbe: {  	[dreg:$0x1] =	wrdreg $0xFFFFFFFF  }
0xbf: {  	_ =	task.clear_ibuf [dreg:s4], $0x2FFFF;
	_ =	strace $0x9FFFFFFF  }
0xc0: {  	(tm) =	ssettm $0x7FFFFFFF  }
0xc1: {  	_ =	shalt  }
tec
execute0_lowered:
.L_overlay_start_1:
0x0: {  	(tag) =	ssettag $0x1  }
0x1: {  	s7 =	stileid.u32  }
0x2: {  	s8 =	smul.u32 $0x510, s7;
	_ =	sdelay $0x1  }
0x3: {  	s1 =	rddreg [dreg:$0x0];
	s0 =	simm.s32 $0x0;
	s2 =	sshrl.u32 s8, $0x3  }
0x4: {  	[smem:$0x7FF] =	sst s0;
	s2 =	sadd.s32 s1, s2  }
0x5: {  	s16 =	simm.s32 $0x1;
	_ =	strace $0x80000047;
	s3 =	sadd.s32 $0x3C00, s2  }
0x6: {  	[tilespmem:s0], [sflag:$0x1] =	stream.linear.gather [hbm4b:s3+s0], $0x510, $0x38;
	[tilespmem:$0x5E90] =	vst v63  }
0x7: {  	_ =	swait.ge [sflag:s16], $0x510  }
0x8: {  	[sflag:s16] =	ssyncset.done $0x0  }
0x9: {  	s5 =	simm.s32 $0x580;
	s4 =	sadd.s32 $0x3000, s2;
	[sflag:s16] =	ssyncadd.s32 $0xFFFFFAF0  }
0xa: {  	[tilespmem:s5], [sflag:$0x1] =	stream.linear.gather [hbm4b:s4+s0], $0x510, $0x38;
	[tilespmem:$0x5E90] =	vst v63  }
0xb: {  	_ =	swait.ge [sflag:s16], $0x510  }
0xc: {  	[sflag:s16] =	ssyncset.done $0x0  }
0xd: {  	s18 =	simm.s32 $0xB00;
	s17 =	sadd.s32 $0x2400, s2;
	[sflag:s16] =	ssyncadd.s32 $0xFFFFFAF0  }
0xe: {  	[tilespmem:s18], [sflag:$0x1] =	stream.linear.gather [hbm4b:s17+s0], $0x510, $0x38;
	[tilespmem:$0x5E90] =	vst v63  }
0xf: {  	_ =	swait.ge [sflag:s16], $0x510  }
0x10: {  	[sflag:s16] =	ssyncset.done $0x0  }
0x11: {  	s20 =	simm.s32 $0x1080;
	s19 =	sadd.s32 $0x1800, s2;
	[sflag:s16] =	ssyncadd.s32 $0xFFFFFAF0  }
0x12: {  	[tilespmem:s20], [sflag:$0x1] =	stream.linear.gather [hbm4b:s19+s0], $0x510, $0x38;
	[tilespmem:$0x5E90] =	vst v63  }
0x13: {  	_ =	swait.ge [sflag:s16], $0x510  }
0x14: {  	[sflag:s16] =	ssyncset.done $0x0  }
0x15: {  	s22 =	simm.s32 $0x1600;
	s21 =	sadd.s32 $0xC00, s2;
	[sflag:s16] =	ssyncadd.s32 $0xFFFFFAF0  }
0x16: {  	[tilespmem:s22], [sflag:$0x1] =	stream.linear.gather [hbm4b:s21+s0], $0x510, $0x38;
	[tilespmem:$0x5E90] =	vst v63  }
0x17: {  	_ =	swait.ge [sflag:s16], $0x510  }
0x18: {  	[sflag:s16] =	ssyncset.done $0x0  }
0x19: {  	s23 =	simm.s32 $0x1B80;
	[sflag:s16] =	ssyncadd.s32 $0xFFFFFAF0  }
0x1a: {  	[tilespmem:s23], [sflag:$0x1] =	stream.linear.gather [hbm4b:s2+s0], $0x510, $0x38;
	[tilespmem:$0x5E90] =	vst v63  }
0x1b: {  	_ =	swait.ge [sflag:s16], $0x510  }
0x1c: {  	[sflag:s16] =	ssyncset.done $0x0  }
0x1d: {  	s25 =	simm.s32 $0x2100;
	s24 =	sadd.s32 $0x6C00, s2;
	[sflag:s16] =	ssyncadd.s32 $0xFFFFFAF0  }
0x1e: {  	[tilespmem:s25], [sflag:$0x1] =	stream.linear.gather [hbm4b:s24+s0], $0x510, $0x38;
	[tilespmem:$0x5E90] =	vst v63  }
0x1f: {  	_ =	swait.ge [sflag:s16], $0x510  }
0x20: {  	[sflag:s16] =	ssyncset.done $0x0  }
0x21: {  	s28 =	simm.s32 $0x2680;
	s26 =	sadd.s32 $0x6000, s2;
	[sflag:s16] =	ssyncadd.s32 $0xFFFFFAF0  }
0x22: {  	[tilespmem:s28], [sflag:$0x1] =	stream.linear.gather [hbm4b:s26+s0], $0x510, $0x38;
	[tilespmem:$0x5E90] =	vst v63  }
0x23: {  	_ =	swait.ge [sflag:s16], $0x510  }
0x24: {  	[sflag:s16] =	ssyncset.done $0x0  }
0x25: {  	s30 =	simm.s32 $0x2C00;
	s29 =	sadd.s32 $0x5400, s2;
	[sflag:s16] =	ssyncadd.s32 $0xFFFFFAF0  }
0x26: {  	[tilespmem:s30], [sflag:$0x1] =	stream.linear.gather [hbm4b:s29+s0], $0x510, $0x38;
	[tilespmem:$0x5E90] =	vst v63  }
0x27: {  	_ =	swait.ge [sflag:s16], $0x510  }
0x28: {  	[sflag:s16] =	ssyncset.done $0x0  }
0x29: {  	s31 =	simm.s32 $0x3180;
	s2 =	sadd.s32 $0x4800, s2;
	[sflag:s16] =	ssyncadd.s32 $0xFFFFFAF0  }
0x2a: {  	[tilespmem:s31], [sflag:$0x1] =	stream.linear.gather [hbm4b:s2+s0], $0x510, $0x38;
	[tilespmem:$0x5E90] =	vst v63  }
0x2b: {  	_ =	swait.ge [sflag:s16], $0x510  }
0x2c: {  	s1 =	sadd.s32 $0x7800, s1;
	[sflag:s16] =	ssyncset.done $0x0  }
0x2d: {  	v0 =	vimm.f32 $0.0e+00;
	[dreg:$0x3] =	wrdreg s1;
	[sflag:s16] =	ssyncadd.s32 $0xFFFFFAF0  }
.LBB2_1:
0x2e: {  	p0 =	sne.s32 s0, $0x1300  }
.Ltmp0:
0x2f: {  	_ = 	snop;
	(pc) =	sbr.rel @p0 .LBB2_1-.Ltmp0, $3  }
0x30: {  	_ =	sdelay $0x1  }
0x31: {  	s1 =	sshra.s32 s0, $0x2  }
0x32: {  	s0 =	sadd.s32 $0x40, s0;
	[tilespmem:s1+$0x5980] =	vst v0  }
0x33: {  	s4 =	simm.s32 $0x0  }
0x34: {  	v0 =	vld [tilespmem:s4+$0x0]  }
0x35: {  	v1 =	vld [tilespmem:s4+$0x580]  }
0x36: {  	v2 =	vld [tilespmem:s4+$0x1600]  }
0x37: {  	v3 =	vld [tilespmem:s4+$0x1B80];
	_ =	sdelay $0x2  }
0x38: {  	v4 =	vmax.f32 v0, v1  }
0x39: {  	v2 =	vmul.f32 $1.442695020e+00, v2;
	v0 =	vsub.f32 v0, v4  }
0x3a: {  	v3 =	vmul.f32 $1.442695020e+00, v3;
	v1 =	vsub.f32 v1, v4  }
0x3b: {  	(erf) = vpow2.f32 v2;
	v0 =	vmul.f32 $1.442695020e+00, v0  }
0x3c: {  	v1 =	vmul.f32 $1.442695020e+00, v1;
	(erf) = vpow2.f32 v3  }
0x3d: {  	(erf) = vpow2.f32 v0  }
0x3e: {  	v2 =	vld [tilespmem:s4+$0x2100];
	(erf) = vpow2.f32 v1  }
0x3f: {  	v3 =	vld [tilespmem:s4+$0x3180]  }
0x40: {  	v0 =	vld [tilespmem:s4+$0x2680]  }
0x41: {  	v1 =	vld [tilespmem:s4+$0x2C00];
	_ =	sdelay $0x1  }
0x42: {  	v5 =	vld [tilespmem:s4+$0x1080]  }
0x43: {  	s3 =	simm.s32 $0x10;
	v4 =	vld [tilespmem:s4+$0xB00];
	v6 =	vpop (erf)  }
0x44: {  	v7 =	vld [tilespmem:s3+$0x0];
	v3 =	vsub.f32 v3, v0;
	v8 =	vpop (erf)  }
0x45: {  	v10 =	vld [tilespmem:s3+$0x580];
	v1 =	vsub.f32 v1, v2;
	v11 =	vpop (erf)  }
0x46: {  	v12 =	vmul.f32 $5.000000000e-01, v3;
	v14 =	vpop (erf)  }
0x47: {  	v13 =	vld [tilespmem:s3+$0x1600];
	v9 =	vmul.f32 $5.000000000e-01, v1;
	v11 =	vadd.f32 v14, v11  }
0x48: {  	v5 =	vmul.f32 v5, v3;
	v4 =	vmul.f32 v4, v1;
	v0 =	vadd.f32 v12, v0  }
0x49: {  	v1 =	vmul.f32 v6, v1;
	v2 =	vadd.f32 v9, v2;
	v9 =	vld [tilespmem:s3+$0x1B80];
	(erf) = vrcp.f32 v11  }
0x4a: {  	v3 =	vmul.f32 v8, v3;
	v6 =	vld [tilespmem:s3+$0x2680];
	v0 =	vadd.f32 v5, v0;
	v5 =	vmax.f32 v7, v10  }
0x4b: {  	v12 =	vld [tilespmem:s3+$0x3180];
	v1 =	vmul.f32 $5.000000000e-01, v1;
	v2 =	vadd.f32 v4, v2;
	v7 =	vsub.f32 v7, v5  }
0x4c: {  	v8 =	vmul.f32 $1.442695020e+00, v13;
	v3 =	vmul.f32 $5.000000000e-01, v3;
	v4 =	vld [tilespmem:s3+$0x2100]  }
0x4d: {  	v5 =	vsub.f32 v10, v5;
	v11 =	vld [tilespmem:s3+$0x2C00];
	v10 =	vsub.f32 v2, v1;
	v7 =	vmul.f32 $1.442695020e+00, v7  }
0x4e: {  	(erf) = vpow2.f32 v8;
	v1 =	vadd.f32 v1, v2;
	v9 =	vmul.f32 $1.442695020e+00, v9  }
0x4f: {  	v8 =	vsub.f32 v0, v3;
	v5 =	vmul.f32 $1.442695020e+00, v5;
	v0 =	vadd.f32 v3, v0  }
0x50: {  	v2 =	vld [tilespmem:s3+$0xB00];
	v3 =	vmax.f32 v10, $0.0e+00;
	v1 =	vmax.f32 v1, $0.0e+00;
	(erf) = vpow2.f32 v9  }
0x51: {  	v3 =	vmin.f32 v3, $7.680000000e+02;
	v9 =	vsub.f32 v12, v6;
	(erf) = vpow2.f32 v7  }
0x52: {  	v7 =	vmax.f32 v8, $0.0e+00;
	v8 =	vsub.f32 v11, v4;
	(erf) = vpow2.f32 v5;
	v10 =	vpop (erf)  }
0x53: {  	v0 =	vmax.f32 v0, $0.0e+00;
	v1 =	vmin.f32 v1, $7.680000000e+02;
	v5 =	vld [tilespmem:s3+$0x1080];
	[tilespmem:s4+$0x3700] =	vst v3;
	v10 =	vmul.f32 v10, v14  }
0x54: {  	v0 =	vmin.f32 v0, $7.680000000e+02;
	v13 =	vmul.f32 $5.000000000e-01, v9;
	[tilespmem:s4+$0x4200] =	vst v1;
	v11 =	vmul.f32 $5.000000000e-01, v8  }
0x55: {  	v7 =	vmin.f32 v7, $7.680000000e+02;
	[tilespmem:s4+$0x4780] =	vst v0;
	v2 =	vmul.f32 v2, v8;
	vm0 =	vge.f32 v10, $5.000000000e-01  }
0x56: {  	s5 =	simm.s32 $0x20;
	[tilespmem:s4+$0x3C80] =	vst v7;
	v6 =	vadd.f32 v13, v6;
	v4 =	vadd.f32 v11, v4;
	v10 =	vnsel vm0, $0xFF800000, v10  }
0x57: {  	v15 =	vimm.f32 $-Inf;
	v12 =	vimm.s32 $0x0;
	v1 =	vsub.f32 v1, v3;
	v13 =	vld [tilespmem:s5+$0x0];
	[tilespmem:s4+$0x5280] =	vst v10  }
0x58: {  	v14 =	vlaneseq.u32;
	v5 =	vmul.f32 v5, v9;
	v11 =	vpop (erf);
	v2 =	vadd.f32 v2, v4;
	v17 =	vld [tilespmem:s5+$0x580]  }
0x59: {  	v4 =	vmax.f32 v1, $0.0e+00;
	v1 =	vmul.f32 v11, v8;
	v3 =	vpop (erf);
	vm0 =	vgt.f32 v10, v15;
	v8 =	vld [tilespmem:s5+$0x1600]  }
0x5a: {  	v16 =	vadd.f32 v5, v6;
	v6 =	vpop (erf);
	v3 =	vmul.f32 v3, v9;
	v5 =	vsel vm0, v14, v12;
	v11 =	vld [tilespmem:s5+$0x1B80]  }
0x5b: {  	v0 =	vsub.f32 v0, v7;
	v7 =	vsel vm0, v10, v15;
	v10 =	vpop (erf);
	v20 =	vsel vm0, v12, v5;
	v12 =	vld [tilespmem:s5+$0x2100]  }
0x5c: {  	v19 =	vsel vm0, v15, v7;
	v3 =	vmul.f32 $5.000000000e-01, v3;
	v15 =	vld [tilespmem:s5+$0x2C00];
	v18 =	vadd.f32 v10, v6  }
0x5d: {  	v1 =	vmul.f32 $5.000000000e-01, v1  }
0x5e: {  	v6 =	vmax.f32 v0, $0.0e+00;
	v21 =	vsub.f32 v16, v3;
	(erf) = vrcp.f32 v18  }
0x5f: {  	v0 =	vld [tilespmem:s5+$0x2680];
	v3 =	vadd.f32 v3, v16;
	v18 =	vsub.f32 v2, v1;
	v9 =	vmax.f32 v13, v17  }
0x60: {  	v1 =	vadd.f32 v1, v2;
	v8 =	vmul.f32 $1.442695020e+00, v8;
	v2 =	vsub.f32 v13, v9;
	v13 =	vld [tilespmem:s5+$0x3180]  }
0x61: {  	v11 =	vmul.f32 $1.442695020e+00, v11;
	v9 =	vsub.f32 v17, v9;
	v15 =	vsub.f32 v15, v12  }
0x62: {  	v17 =	vld [tilespmem:s5+$0xB00];
	v1 =	vmax.f32 v1, $0.0e+00;
	(erf) = vpow2.f32 v8;
	v2 =	vmul.f32 $1.442695020e+00, v2  }
0x63: {  	v8 =	vmax.f32 v18, $0.0e+00;
	v18 =	vmul.f32 $1.442695020e+00, v9;
	(erf) = vpow2.f32 v11  }
0x64: {  	v16 =	vld [tilespmem:s5+$0x1080];
	v1 =	vmin.f32 v1, $7.680000000e+02;
	v11 =	vmax.f32 v21, $0.0e+00;
	(erf) = vpow2.f32 v2  }
0x65: {  	v8 =	vmin.f32 v8, $7.680000000e+02;
	v9 =	vsub.f32 v13, v0;
	(erf) = vpow2.f32 v18  }
0x66: {  	[tilespmem:s3+$0x3700] =	vst v8;
	v8 =	vsub.f32 v1, v8;
	v2 =	vmax.f32 v3, $0.0e+00;
	v3 =	vmul.f32 $5.000000000e-01, v15  }
0x67: {  	v13 =	vmul.f32 v17, v15;
	v18 =	vmin.f32 v11, $7.680000000e+02;
	v17 =	vmul.f32 $5.000000000e-01, v9;
	v11 =	vpop (erf)  }
0x68: {  	v2 =	vmin.f32 v2, $7.680000000e+02;
	v3 =	vadd.f32 v3, v12;
	v12 =	vmul.f32 v11, v10  }
0x69: {  	[tilespmem:s3+$0x4200] =	vst v1;
	v16 =	vmul.f32 v16, v9;
	v0 =	vadd.f32 v17, v0  }
0x6a: {  	v8 =	vmax.f32 v8, $0.0e+00;
	[tilespmem:s3+$0x3C80] =	vst v18;
	v11 =	vadd.f32 v13, v3;
	vm0 =	vge.f32 v12, $5.000000000e-01  }
0x6b: {  	s6 =	simm.s32 $0x30;
	[tilespmem:s3+$0x4780] =	vst v2;
	v13 =	vsub.f32 v2, v18;
	v2 =	vpop (erf);
	v10 =	vadd.f32 v16, v0;
	v0 =	vnsel vm0, $0xFF800000, v12  }
0x6c: {  	v1 =	vld [tilespmem:s6+$0x0];
	v15 =	vmul.f32 v2, v15;
	v17 =	vpop (erf);
	v12 =	vadd.s32 $0x10, v14;
	[tilespmem:s3+$0x5280] =	vst v0;
	vm1 =	vgt.f32 v0, v19  }
0x6d: {  	s0 =	simm.s32 $0x100;
	vm0 =	vgt.f32 v0, v7;
	v2 =	vld [tilespmem:s6+$0x580];
	v3 =	vpop (erf);
	v21 =	vsel vm1, v0, v19;
	v20 =	vsel vm1, v12, v20  }
.LBB2_3:
0x6e: {  	p0 =	sne.s32 s0, $0x1400;
	v14 =	vld [tilespmem:s6+$0x1600];
	v16 =	vpop (erf);
	v18 =	vsel vm0, v7, v21;
	v19 =	vsel vm0, v5, v20;
	v7 =	vsel vm0, v0, v7  }
0x6f: {  	v9 =	vmul.f32 v17, v9;
	v5 =	vsel vm0, v12, v5;
	v0 =	vld [tilespmem:s6+$0x1B80];
	v3 =	vadd.f32 v16, v3  }
0x70: {  	v15 =	vmul.f32 $5.000000000e-01, v15;
	v20 =	vmul.f32 v6, v4;
	v6 =	vmax.f32 v13, $0.0e+00;
	v4 =	vmovc v8;
	v17 =	vld [tilespmem:s6+$0x2100]  }
0x71: {  	v9 =	vmul.f32 $5.000000000e-01, v9;
	v8 =	vld [tilespmem:s6+$0x2680];
	(erf) = vrcp.f32 v3  }
0x72: {  	v21 =	vsub.f32 v11, v15;
	v11 =	vadd.f32 v15, v11;
	v3 =	vmax.f32 v1, v2;
	v13 =	vld [tilespmem:s6+$0x2C00];
	[tilespmem:s4+$0x4D00] =	vst v20;
	s4 =	smov.u32 s3;
	s3 =	smov.u32 s5;
	s5 =	smov.u32 s6  }
0x73: {  	v20 =	vsub.f32 v10, v9;
	v1 =	vsub.f32 v1, v3;
	v15 =	vld [tilespmem:s5+$0x3180];
	v14 =	vmul.f32 $1.442695020e+00, v14  }
0x74: {  	v10 =	vadd.f32 v9, v10;
	v2 =	vsub.f32 v2, v3;
	v3 =	vld [tilespmem:s5+$0xB00];
	v0 =	vmul.f32 $1.442695020e+00, v0  }
0x75: {  	v1 =	vmul.f32 $1.442695020e+00, v1;
	v22 =	vld [tilespmem:s5+$0x1080];
	(erf) = vpow2.f32 v14;
	v14 =	vmax.f32 v21, $0.0e+00  }
0x76: {  	v2 =	vmul.f32 $1.442695020e+00, v2;
	(erf) = vpow2.f32 v0;
	v0 =	vmax.f32 v20, $0.0e+00  }
0x77: {  	v20 =	vsub.f32 v13, v17;
	(erf) = vpow2.f32 v1;
	v1 =	vmax.f32 v11, $0.0e+00  }
0x78: {  	v9 =	vsub.f32 v15, v8;
	(erf) = vpow2.f32 v2;
	v2 =	vmax.f32 v10, $0.0e+00  }
0x79: {  	v11 =	vmin.f32 v14, $7.680000000e+02;
	v10 =	vmul.f32 $5.000000000e-01, v20;
	v3 =	vmul.f32 v3, v20  }
0x7a: {  	v0 =	vmin.f32 v0, $7.680000000e+02;
	v13 =	vmul.f32 $5.000000000e-01, v9;
	v14 =	vmul.f32 v22, v9;
	[tilespmem:s3+$0x3700] =	vst v11;
	v15 =	vpop (erf)  }
0x7b: {  	v1 =	vmin.f32 v1, $7.680000000e+02;
	v10 =	vadd.f32 v10, v17;
	v15 =	vmul.f32 v15, v16;
	[tilespmem:s3+$0x3C80] =	vst v0  }
.Ltmp1:
0x7c: {  	v17 =	vmin.f32 v2, $7.680000000e+02;
	v16 =	vsub.f32 v1, v11;
	v8 =	vadd.f32 v13, v8;
	[tilespmem:s3+$0x4200] =	vst v1;
	(pc) =	sbr.rel @p0 .LBB2_3-.Ltmp1, $4  }
0x7d: {  	v13 =	vsub.f32 v17, v0;
	v11 =	vadd.f32 v3, v10;
	vm0 =	vge.f32 v15, $5.000000000e-01;
	[tilespmem:s3+$0x4780] =	vst v17  }
0x7e: {  	s6 =	sshra.s32 s0, $0x2;
	v10 =	vadd.f32 v14, v8;
	v2 =	vpop (erf);
	v8 =	vmax.f32 v16, $0.0e+00;
	v0 =	vnsel vm0, $0xFF800000, v15  }
0x7f: {  	v12 =	vadd.s32 $0x10, v12;
	v1 =	vld [tilespmem:s6+$0x0];
	v15 =	vmul.f32 v2, v20;
	v17 =	vpop (erf);
	[tilespmem:s3+$0x5280] =	vst v0;
	vm1 =	vgt.f32 v0, v18  }
0x80: {  	s0 =	sadd.s32 $0x40, s0;
	vm0 =	vgt.f32 v0, v7;
	v2 =	vld [tilespmem:s6+$0x580];
	v3 =	vpop (erf);
	v21 =	vsel vm1, v0, v18;
	v20 =	vsel vm1, v12, v19  }
0x81: {  	v14 =	vld [tilespmem:s6+$0x1600]  }
0x82: {  	v16 =	vld [tilespmem:s6+$0x1B80];
	_ =	sdelay $0x1  }
0x83: {  	v22 =	vpop (erf)  }
0x84: {  	v3 =	vadd.f32 v22, v3;
	v18 =	vmax.f32 v1, v2  }
0x85: {  	v1 =	vsub.f32 v1, v18;
	v14 =	vmul.f32 $1.442695020e+00, v14  }
0x86: {  	(erf) = vrcp.f32 v3;
	v2 =	vsub.f32 v2, v18;
	v3 =	vmul.f32 $1.442695020e+00, v16  }
0x87: {  	v1 =	vmul.f32 $1.442695020e+00, v1;
	(erf) = vpow2.f32 v14  }
0x88: {  	v2 =	vmul.f32 $1.442695020e+00, v2;
	(erf) = vpow2.f32 v3  }
0x89: {  	(erf) = vpow2.f32 v1  }
0x8a: {  	(erf) = vpow2.f32 v2;
	_ =	sdelay $0x4  }
0x8b: {  	v1 =	vpop (erf)  }
0x8c: {  	v19 =	vpop (erf)  }
0x8d: {  	v18 =	vpop (erf)  }
0x8e: {  	v2 =	vpop (erf)  }
0x8f: {  	v3 =	vpop (erf)  }
0x90: {  	v2 =	vadd.f32 v3, v2;
	_ =	sdelay $0x1  }
0x91: {  	(erf) = vrcp.f32 v2;
	_ =	sdelay $0x8  }
0x92: {  	v14 =	vimm.s32 $0xFEDCBA98;
	v1 =	vmul.f32 v1, v22;
	v2 =	vpop (erf)  }
0x93: {  	v14 =	vunpack.c.l.s4.s8 v14;
	v2 =	vmul.f32 v2, v3;
	v3 =	vimm.s32 $0x76543210  }
0x94: {  	v22 =	vsel vm0, v0, v7;
	vm1 =	vge.f32 v1, $5.000000000e-01;
	v0 =	vunpack.c.l.s4.s8 v3  }
0x95: {  	v16 =	vnsel vm1, $0xFF800000, v1;
	v1 =	vunpack.c.0.s8.s32 v14  }
0x96: {  	vm1 =	vge.f32 v2, $5.000000000e-01;
	v0 =	vunpack.c.0.s8.s32 v0  }
0x97: {  	v1 =	vand.u32 $0xF, v1;
	v14 =	vnsel vm1, $0xFF800000, v2;
	v2 =	vimm.s32 $0xBA98FEDC  }
0x98: {  	v0 =	vcombine.low v1, v0;
	v1 =	vunpack.c.l.s4.s8 v2;
	v2 =	vimm.s32 $0x32107654  }
0x99: {  	v25 =	vimm.s32 $0xDCFE98BA;
	vm2 =	vgt.f32 v16, v22;
	v2 =	vunpack.c.l.s4.s8 v2  }
0x9a: {  	v26 =	vimm.s32 $0x54761032;
	v27 =	vimm.s32 $0x67452301;
	v23 =	vsel vm2, v16, v22  }
0x9b: {  	vm1 =	vgt.f32 v14, v23;
	v1 =	vunpack.c.0.s8.s32 v1;
	v2 =	vunpack.c.0.s8.s32 v2  }
0x9c: {  	v25 =	vunpack.c.l.s4.s8 v25;
	v26 =	vunpack.c.l.s4.s8 v26;
	v24 =	vsel vm1, v14, v23  }
0x9d: {  	v27 =	vunpack.c.l.s4.s8 v27;
	v3 =	vperm.xlane v24, v0;
	v1 =	vcombine.low v2, v1  }
0x9e: {  	v2 =	vunpack.c.0.s8.s32 v25;
	v25 =	vunpack.c.0.s8.s32 v26;
	v26 =	vimm.s32 $0xEFCDAB89  }
0x9f: {  	v3 =	vmax.f32 v24, v3;
	v26 =	vunpack.c.l.s4.s8 v26;
	v1 =	vand.u32 $0xF, v1  }
0xa0: {  	v2 =	vcombine.low v25, v2;
	v28 =	vperm.xlane v3, v1  }
0xa1: {  	v25 =	vunpack.c.0.s8.s32 v26;
	v26 =	vunpack.c.0.s8.s32 v27  }
0xa2: {  	v2 =	vand.u32 $0xF, v2;
	v3 =	vmax.f32 v3, v28  }
0xa3: {  	v25 =	vcombine.low v26, v25;
	v27 =	vperm.xlane v3, v2;
	_ =	sdelay $0x1  }
0xa4: {  	v26 =	vmax.f32 v3, v27;
	v3 =	vand.u32 $0xF, v25  }
0xa5: {  	v25 =	vperm.xlane v26, v3  }
0xa6: {  	v59 =	vadd.s32 $0x10, v12;
	v27 =	vsel vm0, v12, v5  }
0xa7: {  	v30 =	vadd.s32 $0x10, v59;
	v29 =	vsel vm2, v59, v27;
	v12 =	vmax.f32 v26, v25  }
0xa8: {  	v25 =	vsel vm1, v30, v29;
	vm3 =	veq.f32 v24, v12  }
0xa9: {  	v26 =	vnsel vm3, $0x40000000, v25  }
0xaa: {  	v31 =	vperm.xlane v26, v0;
	_ =	sdelay $0x1  }
0xab: {  	vm3 =	vlt.s32 v26, v31  }
0xac: {  	v26 =	vsel vm3, v26, v31  }
0xad: {  	v31 =	vperm.xlane v26, v1;
	_ =	sdelay $0x1  }
0xae: {  	vm3 =	vlt.s32 v26, v31  }
0xaf: {  	v26 =	vsel vm3, v26, v31  }
0xb0: {  	v31 =	vperm.xlane v26, v2;
	_ =	sdelay $0x1  }
0xb1: {  	v7 =	vsel vm0, v7, v21;
	vm3 =	vlt.s32 v26, v31  }
0xb2: {  	vm4 =	vgt.f32 v16, v7;
	v21 =	vsel vm3, v26, v31  }
0xb3: {  	v7 =	vsel vm4, v16, v7;
	v26 =	vperm.xlane v21, v3  }
0xb4: {  	v7 =	vsel vm2, v22, v7  }
0xb5: {  	vm3 =	vgt.f32 v14, v7;
	vm5 =	vlt.s32 v21, v26  }
0xb6: {  	v7 =	vsel vm3, v14, v7;
	v21 =	vsel vm5, v21, v26  }
0xb7: {  	v7 =	vsel vm1, v23, v7;
	vm5 =	veq.s32 v25, v21  }
0xb8: {  	v7 =	vsel vm5, v7, v24  }
0xb9: {  	v22 =	vperm.xlane v7, v0;
	_ =	sdelay $0x1  }
0xba: {  	v22 =	vmax.f32 v7, v22  }
0xbb: {  	v23 =	vperm.xlane v22, v1;
	_ =	sdelay $0x1  }
0xbc: {  	v9 =	vmul.f32 v17, v9;
	v22 =	vmax.f32 v22, v23  }
0xbd: {  	v4 =	vmul.f32 v6, v4;
	v17 =	vld [tilespmem:s6+$0x2C00];
	v5 =	vsel vm0, v5, v20;
	v24 =	vperm.xlane v22, v2  }
0xbe: {  	v5 =	vsel vm4, v59, v5;
	v23 =	vld [tilespmem:s6+$0x2100]  }
0xbf: {  	v6 =	vld [tilespmem:s6+$0x2680];
	[tilespmem:s4+$0x4D00] =	vst v4;
	v4 =	vsel vm2, v27, v5;
	v20 =	vmax.f32 v22, v24  }
0xc0: {  	v15 =	vmul.f32 $5.000000000e-01, v15;
	v4 =	vsel vm3, v30, v4;
	v5 =	vperm.xlane v20, v3  }
0xc1: {  	v13 =	vmax.f32 v13, $0.0e+00;
	v9 =	vmul.f32 $5.000000000e-01, v9;
	v4 =	vsel vm1, v29, v4;
	v24 =	vld [tilespmem:s6+$0x3180]  }
0xc2: {  	v22 =	vsub.f32 v11, v15;
	v11 =	vadd.f32 v15, v11;
	v15 =	vld [tilespmem:s6+$0xB00];
	v5 =	vmax.f32 v20, v5  }
0xc3: {  	v4 =	vsel vm5, v4, v25;
	v17 =	vsub.f32 v17, v23;
	vm0 =	veq.f32 v7, v5  }
0xc4: {  	v11 =	vmax.f32 v11, $0.0e+00;
	v20 =	vsub.f32 v10, v9;
	v4 =	vnsel vm0, $0x40000000, v4  }
0xc5: {  	v7 =	vadd.f32 v9, v10;
	v10 =	vmax.f32 v22, $0.0e+00;
	v22 =	vperm.xlane v4, v0  }
0xc6: {  	v11 =	vmin.f32 v11, $7.680000000e+02;
	v25 =	vmul.f32 $5.000000000e-01, v17;
	v20 =	vmax.f32 v20, $0.0e+00  }
0xc7: {  	v9 =	vld [tilespmem:s6+$0x1080];
	v24 =	vsub.f32 v24, v6;
	v15 =	vmul.f32 v15, v17;
	vm0 =	vlt.s32 v4, v22  }
0xc8: {  	v10 =	vmin.f32 v10, $7.680000000e+02;
	v17 =	vmul.f32 v19, v17;
	v4 =	vsel vm0, v4, v22  }
0xc9: {  	v7 =	vmax.f32 v7, $0.0e+00;
	v20 =	vmin.f32 v20, $7.680000000e+02;
	v22 =	vperm.xlane v4, v1  }
0xca: {  	v23 =	vadd.f32 v25, v23;
	v19 =	vsub.f32 v11, v10;
	v26 =	vmul.f32 $5.000000000e-01, v24  }
0xcb: {  	v7 =	vmin.f32 v7, $7.680000000e+02;
	v18 =	vmul.f32 v18, v24;
	vm0 =	vlt.s32 v4, v22  }
0xcc: {  	v9 =	vmul.f32 v9, v24;
	v6 =	vadd.f32 v26, v6;
	v4 =	vsel vm0, v4, v22  }
0xcd: {  	[tilespmem:s5+$0x4200] =	vst v11;
	v17 =	vmul.f32 $5.000000000e-01, v17;
	v15 =	vadd.f32 v15, v23;
	v22 =	vperm.xlane v4, v2  }
0xce: {  	[tilespmem:s5+$0x3700] =	vst v10;
	v10 =	vsub.f32 v7, v20;
	v6 =	vadd.f32 v9, v6;
	v9 =	vmul.f32 $5.000000000e-01, v18  }
0xcf: {  	[tilespmem:s5+$0x4780] =	vst v7;
	v7 =	vmul.f32 v13, v8;
	v18 =	vsub.f32 v15, v17;
	vm0 =	vlt.s32 v4, v22  }
0xd0: {  	[tilespmem:s5+$0x5280] =	vst v16;
	v15 =	vadd.f32 v17, v15;
	v11 =	vsub.f32 v6, v9;
	v4 =	vsel vm0, v4, v22  }
0xd1: {  	[tilespmem:s5+$0x3C80] =	vst v20;
	v6 =	vadd.f32 v9, v6;
	v8 =	vmax.f32 v18, $0.0e+00;
	v9 =	vperm.xlane v4, v3  }
0xd2: {  	[tilespmem:s3+$0x4D00] =	vst v7;
	v13 =	vmax.f32 v15, $0.0e+00;
	v7 =	vmin.f32 v8, $7.680000000e+02;
	v11 =	vmax.f32 v11, $0.0e+00  }
0xd3: {  	v6 =	vmax.f32 v6, $0.0e+00;
	v8 =	vmin.f32 v11, $7.680000000e+02;
	vm0 =	vlt.s32 v4, v9  }
0xd4: {  	[tilespmem:s6+$0x3700] =	vst v7;
	v11 =	vmin.f32 v13, $7.680000000e+02;
	v6 =	vmin.f32 v6, $7.680000000e+02;
	v4 =	vsel vm0, v4, v9  }
0xd5: {  	[tilespmem:s6+$0x3C80] =	vst v8;
	v7 =	vsub.f32 v11, v7;
	v8 =	vsub.f32 v6, v8;
	vm0 =	vlt.s32 v4, $0x50F  }
0xd6: {  	v10 =	vmax.f32 v10, $0.0e+00;
	[tilespmem:s6+$0x5280] =	vst v14;
	v9 =	vmax.f32 v19, $0.0e+00;
	v4 =	vnsel vm0, $0x50F, v4  }
0xd7: {  	[tilespmem:s6+$0x4780] =	vst v6;
	v6 =	vmax.f32 v7, $0.0e+00;
	v7 =	vmax.f32 v8, $0.0e+00;
	v8 =	vmul.f32 v10, v9  }
0xd8: {  	[tilespmem:s6+$0x4200] =	vst v11;
	v6 =	vmul.f32 v7, v6  }
0xd9: {  	[tilespmem:s5+$0x4D00] =	vst v8  }
0xda: {  	s0 =	simm.s32 $0x4D00;
	[tilespmem:s6+$0x4D00] =	vst v6  }
0xdb: {  	s1 =	simm.s32 $0x4780;
	v6 =	vld.idx.msk [tilespmem:v4+s0+$0x0], $0xffff  }
0xdc: {  	s2 =	simm.s32 $0x4200;
	vm0 =	vlt.s32 v21, $0x50F;
	v7 =	vld.idx.msk [tilespmem:v4+s1+$0x0], $0xffff  }
0xdd: {  	v8 =	vnsel vm0, $0x50F, v21;
	s5 =	simm.s32 $0x3C80;
	v9 =	vld.idx.msk [tilespmem:v4+s2+$0x0], $0xffff  }
0xde: {  	s6 =	simm.s32 $0x3700;
	v10 =	vld.idx.msk [tilespmem:v4+s5+$0x0], $0xffff  }
0xdf: {  	vm0 =	vcmask $0x3F38;
	v11 =	vld.idx.msk [tilespmem:v4+s6+$0x0], $0xffff  }
0xe0: {  	v6 =	vsel vm0, $0x0, v6;
	vm0 =	vcmask $0x3F34  }
0xe1: {  	v6 =	vsel vm0, v6, v7;
	vm0 =	vcmask $0x3F30  }
0xe2: {  	v4 =	vadd.s32 s8, v4;
	v7 =	vld.idx.msk [tilespmem:v8+s0+$0x0], $0xffff;
	v6 =	vsel vm0, v6, v9;
	vm0 =	vcmask $0x3F2C  }
0xe3: {  	v4 =	vcvt.s32.f32 v4;
	v9 =	vld.idx.msk [tilespmem:v8+s1+$0x0], $0xffff;
	v6 =	vsel vm0, v6, v10;
	vm0 =	vcmask $0x3F28  }
0xe4: {  	v10 =	vld.idx.msk [tilespmem:v8+s2+$0x0], $0xffff;
	v6 =	vsel vm0, v6, v11;
	vm0 =	vcmask $0x3F24  }
0xe5: {  	v11 =	vld.idx.msk [tilespmem:v8+s5+$0x0], $0xffff;
	v4 =	vsel vm0, v6, v4;
	vm0 =	vcmask $0x3F20  }
0xe6: {  	v6 =	vld.idx.msk [tilespmem:v8+s6+$0x0], $0xffff;
	v4 =	vsel vm0, v4, v5;
	vm0 =	vcmask $0x3F1C  }
0xe7: {  	v4 =	vsel vm0, v4, v7;
	vm0 =	vcmask $0x3F18  }
0xe8: {  	v4 =	vsel vm0, v4, v9;
	vm0 =	vcmask $0x3F14  }
0xe9: {  	v5 =	vadd.s32 s8, v8;
	v4 =	vsel vm0, v4, v10;
	vm0 =	vcmask $0x3F10  }
0xea: {  	v5 =	vcvt.s32.f32 v5;
	v4 =	vsel vm0, v4, v11;
	vm0 =	vcmask $0x3F0C  }
0xeb: {  	v4 =	vsel vm0, v4, v6;
	vm0 =	vcmask $0x3F08  }
0xec: {  	v4 =	vsel vm0, v4, v5;
	vm0 =	vmmov $0x1;
	v5 =	vimm.s32 $0x0  }
0xed: {  	s9 =	sshll.u32 s7, $0x4;
	s10 =	rddreg [dreg:$0x1];
	v5 =	vsel vm0, $0xFFFFFFFF, v5  }
0xee: {  	s0 =	sadd.s32 s9, s10;
	v4 =	vsel vm0, v12, v4;
	[tilespmem:$0x1FFF0] =	vst v5  }
0xef: {  	s11 =	simm.s32 $0x5800;
	s12 =	simm.s32 $0x1;
	[dreg:$0x4] =	wrdreg s0;
	[tilespmem:$0x5800] =	vst v4  }
0xf0: {  	[spmem:s0] =	stream.linear.scatter [tilespmem:s11], [sflag:$0x1], $0x10, $0x38;
	[tilespmem:$0x5E90] =	vst v63  }
0xf1: {  	_ =	swait.ge [sflag:s12], $0x10  }
0xf2: {  	v4 =	vlaneseq.u32;
	[sflag:s12] =	ssyncset.done $0x0  }
0xf3: {  	v5 =	vmul.u32 $0x10, v4;
	[sflag:s12] =	ssyncadd.s32 $0xFFFFFFF0  }
0xf4: {  	s26 =	simm.s32 $0x5880;
	[bflag:$0x0] =	sbarrier.arrive $0xFFFF  }
0xf5: {  	[tilespmem:s26], [sflag:$0x1] =	stream.linear.gather [spmem:s10], $0x100, $0x38;
	[tilespmem:$0x5E90] =	vst v63  }
0xf6: {  	_ =	swait.ge [sflag:s12], $0x100  }
0xf7: {  	[sflag:s12] =	ssyncset.done $0x0  }
0xf8: {  	[sflag:s12] =	ssyncadd.s32 $0xFFFFFF00  }
0xf9: {  	v8 =	vld.idx.msk [tilespmem:v5+s26+$0x0], $0xffff;
	_ =	sdelay $0x4  }
0xfa: {  	v6 =	vor.u32 $0x1, v5;
	v7 =	vperm.xlane v8, v0;
	_ =	sdelay $0x1  }
0xfb: {  	v7 =	vmax.f32 v8, v7  }
0xfc: {  	v9 =	vperm.xlane v7, v1;
	_ =	sdelay $0x1  }
0xfd: {  	v10 =	vld.idx.msk [tilespmem:v6+s26+$0x0], $0xffff;
	v7 =	vmax.f32 v7, v9  }
0xfe: {  	v9 =	vperm.xlane v7, v2;
	_ =	sdelay $0x1  }
0xff: {  	v7 =	vmax.f32 v7, v9  }
0x100: {  	v9 =	vperm.xlane v7, v3  }
0x101: {  	v10 =	vtrunc.f32 v10  }
0x102: {  	v11 =	vcvt.f32.s32 v10;
	v10 =	vmax.f32 v7, v9  }
0x103: {  	vm0 =	veq.f32 v8, v10  }
0x104: {  	v7 =	vnsel vm0, $0x40000000, v11  }
0x105: {  	v9 =	vperm.xlane v7, v0;
	_ =	sdelay $0x1  }
0x106: {  	vm0 =	vlt.s32 v7, v9  }
0x107: {  	v7 =	vsel vm0, v7, v9  }
0x108: {  	v9 =	vperm.xlane v7, v1;
	_ =	sdelay $0x1  }
0x109: {  	vm0 =	vlt.s32 v7, v9  }
0x10a: {  	v9 =	vsel vm0, v7, v9;
	v7 =	vor.u32 $0x7, v5  }
0x10b: {  	v12 =	vperm.xlane v9, v2;
	_ =	sdelay $0x1  }
0x10c: {  	vm0 =	vlt.s32 v9, v12  }
0x10d: {  	v9 =	vsel vm0, v9, v12  }
0x10e: {  	v12 =	vperm.xlane v9, v3;
	v13 =	vld.idx.msk [tilespmem:v7+s26+$0x0], $0xffff;
	_ =	sdelay $0x1  }
0x10f: {  	vm0 =	vlt.s32 v9, v12  }
0x110: {  	v9 =	vsel vm0, v9, v12  }
0x111: {  	vm0 =	veq.s32 v9, v11  }
0x112: {  	v12 =	vsel vm0, v13, v8;
	v8 =	vor.u32 $0x8, v5  }
0x113: {  	v13 =	vperm.xlane v12, v0;
	_ =	sdelay $0x1  }
0x114: {  	v13 =	vmax.f32 v12, v13  }
0x115: {  	v14 =	vperm.xlane v13, v1  }
0x116: {  	v15 =	vld.idx.msk [tilespmem:v8+s26+$0x0], $0xffff  }
0x117: {  	v13 =	vmax.f32 v13, v14  }
0x118: {  	v14 =	vperm.xlane v13, v2;
	_ =	sdelay $0x1  }
0x119: {  	v13 =	vmax.f32 v13, v14  }
0x11a: {  	v14 =	vtrunc.f32 v15;
	v15 =	vperm.xlane v13, v3  }
0x11b: {  	v14 =	vcvt.f32.s32 v14  }
0x11c: {  	v15 =	vmax.f32 v13, v15  }
0x11d: {  	v11 =	vsel vm0, v14, v11;
	vm0 =	veq.f32 v12, v15  }
0x11e: {  	v11 =	vnsel vm0, $0x40000000, v11  }
0x11f: {  	(v2sf) =	vpush v9, $0xD;
	v12 =	vperm.xlane v11, v0;
	_ =	sdelay $0x1  }
0x120: {  	(v2sf) =	vpush v9, $0xC;
	vm0 =	vlt.s32 v11, v12  }
0x121: {  	v11 =	vsel vm0, v11, v12  }
0x122: {  	(v2sf) =	vpush v9, $0xE;
	v12 =	vperm.xlane v11, v1  }
0x123: {  	(v2sf) =	vpush v9, $0xF  }
0x124: {  	(v2sf) =	vpush v9, $0x9;
	vm0 =	vlt.s32 v11, v12  }
0x125: {  	(v2sf) =	vpush v9, $0x8;
	v11 =	vsel vm0, v11, v12  }
0x126: {  	(v2sf) =	vpush v9, $0xA;
	v12 =	vperm.xlane v11, v2  }
0x127: {  	(v2sf) =	vpush v9, $0xB  }
0x128: {  	(v2sf) =	vpush v9, $0x0;
	vm0 =	vlt.s32 v11, v12  }
0x129: {  	(v2sf) =	vpush v9, $0x1;
	v11 =	vsel vm0, v11, v12  }
0x12a: {  	(v2sf) =	vpush v9, $0x2;
	v12 =	vperm.xlane v11, v3  }
0x12b: {  	(v2sf) =	vpush v9, $0x3  }
0x12c: {  	(v2sf) =	vpush v9, $0x4;
	vm0 =	vlt.s32 v11, v12  }
0x12d: {  	(v2sf) =	vpush v9, $0x5;
	s13 =	spop (v2sf);
	v16 =	vsel vm0, v11, v12  }
0x12e: {  	(v2sf) =	vpush v9, $0x6;
	s16 =	smulhi.u32 $0x1948B0FD, s13;
	s0 =	sshra.s32 s13, $0x1F;
	vm0 =	vlt.s32 v16, $0x50FF  }
0x12f: {  	(v2sf) =	vpush v9, $0x7;
	s14 =	spop (v2sf);
	s3 =	smul.u32 $0x1948B0FD, s0;
	v17 =	vnsel vm0, $0x50FF, v16  }
0x130: {  	[dreg:$0x7] =	wrdreg s8;
	s6 =	smulhi.u32 $0x1948B0FD, s14;
	s1 =	sshra.s32 s14, $0x1F;
	(v2sf) =	vpush v17, $0xD  }
0x131: {  	s15 =	spop (v2sf);
	s1 =	smul.u32 $0x1948B0FD, s1  }
0x132: {  	s17 =	spop (v2sf);
	s9 =	smulhi.u32 $0x1948B0FD, s15;
	s10 =	sshra.s32 s15, $0x1F;
	(v2sf) =	vpush v17, $0xC  }
0x133: {  	s18 =	spop (v2sf);
	s10 =	smul.u32 $0x1948B0FD, s10  }
0x134: {  	s11 =	smulhi.u32 $0x1948B0FD, s17;
	s4 =	sshra.s32 s17, $0x1F;
	s19 =	spop (v2sf);
	(v2sf) =	vpush v17, $0xE  }
0x135: {  	s4 =	smul.u32 $0x1948B0FD, s4;
	s21 =	spop (v2sf)  }
0x136: {  	s23 =	smulhi.u32 $0x1948B0FD, s18;
	s5 =	sshra.s32 s18, $0x1F;
	s20 =	spop (v2sf);
	(v2sf) =	vpush v17, $0xF  }
0x137: {  	s5 =	smul.u32 $0x1948B0FD, s5;
	s7 =	sshra.s32 s19, $0x1F;
	s25 =	spop (v2sf)  }
0x138: {  	s7 =	smul.u32 $0x1948B0FD, s7;
	s29 =	spop (v2sf);
	(v2sf) =	vpush v17, $0x9  }
0x139: {  	s10 =	sadd.s32 s10, s9;
	s22 =	smulhi.u32 $0x1948B0FD, s21;
	s24 =	spop (v2sf)  }
0x13a: {  	s8 =	sshra.s32 s21, $0x1F;
	[dreg:$0xd] =	wrdreg s10;
	s28 =	spop (v2sf);
	(v2sf) =	vpush v17, $0x8  }
0x13b: {  	s8 =	smul.u32 $0x1948B0FD, s8;
	s30 =	spop (v2sf)  }
0x13c: {  	[dreg:$0x10] =	wrdreg s24;
	s31 =	spop (v2sf);
	(v2sf) =	vpush v17, $0xA  }
0x13d: {  	s8 =	sadd.s32 s8, s22;
	s24 =	smulhi.u32 $0x1948B0FD, s19;
	s2 =	spop (v2sf)  }
0x13e: {  	[dreg:$0xa] =	wrdreg s8;
	s12 =	spop (v2sf);
	(v2sf) =	vpush v17, $0xB  }
0x13f: {  	[dreg:$0xc] =	wrdreg s28;
	s15 =	spop (v2sf)  }
0x140: {  	[dreg:$0xb] =	wrdreg s30;
	(v2sf) =	vpush v17, $0x0;
	s17 =	smulhi.u32 $0x1948B0FD, s15;
	s15 =	sshra.s32 s15, $0x1F  }
0x141: {  	s18 =	spop (v2sf);
	s15 =	smul.u32 $0x1948B0FD, s15  }
0x142: {  	[dreg:$0x9] =	wrdreg s31;
	(v2sf) =	vpush v17, $0x1;
	s28 =	smulhi.u32 $0x1948B0FD, s18;
	s18 =	sshra.s32 s18, $0x1F  }
0x143: {  	s19 =	spop (v2sf);
	s18 =	smul.u32 $0x1948B0FD, s18  }
0x144: {  	[dreg:$0x8] =	wrdreg s2;
	(v2sf) =	vpush v17, $0x2;
	s30 =	smulhi.u32 $0x1948B0FD, s19;
	s19 =	sshra.s32 s19, $0x1F  }
0x145: {  	s13 =	spop (v2sf);
	s31 =	smul.u32 $0x1948B0FD, s19  }
0x146: {  	[dreg:$0x11] =	wrdreg s12;
	(v2sf) =	vpush v17, $0x3;
	s21 =	smulhi.u32 $0x1948B0FD, s13;
	s19 =	sshra.s32 s13, $0x1F  }
0x147: {  	s11 =	sadd.s32 s4, s11;
	s14 =	spop (v2sf);
	s19 =	smul.u32 $0x1948B0FD, s19  }
0x148: {  	s12 =	sadd.s32 s3, s16;
	(v2sf) =	vpush v17, $0x4;
	s3 =	smulhi.u32 $0x1948B0FD, s14;
	s0 =	sshra.s32 s14, $0x1F  }
0x149: {  	s2 =	sadd.s32 s1, s6;
	s16 =	spop (v2sf);
	s0 =	smul.u32 $0x1948B0FD, s0  }
0x14a: {  	[dreg:$0xe] =	wrdreg s2;
	(v2sf) =	vpush v17, $0x5;
	s6 =	smulhi.u32 $0x1948B0FD, s16;
	s1 =	sshra.s32 s16, $0x1F  }
0x14b: {  	s2 =	sshrl.u32 s2, $0x1F;
	(v2sf) =	vpush v17, $0x6;
	s13 =	spop (v2sf);
	s4 =	smul.u32 $0x1948B0FD, s1  }
0x14c: {  	s14 =	sadd.s32 s5, s23;
	(v2sf) =	vpush v17, $0x7;
	s5 =	smulhi.u32 $0x1948B0FD, s13;
	s1 =	sshra.s32 s13, $0x1F  }
0x14d: {  	s13 =	sadd.s32 s7, s24;
	s16 =	spop (v2sf);
	s7 =	smul.u32 $0x1948B0FD, s1  }
0x14e: {  	[dreg:$0xf] =	wrdreg s12;
	s8 =	smulhi.u32 $0x1948B0FD, s16;
	s1 =	sshra.s32 s16, $0x1F  }
0x14f: {  	s17 =	sadd.s32 s15, s17;
	s23 =	spop (v2sf);
	s16 =	smul.u32 $0x1948B0FD, s1  }
0x150: {  	s15 =	sadd.s32 s18, s28;
	s18 =	smulhi.u32 $0x1948B0FD, s23;
	s9 =	sshra.s32 s23, $0x1F  }
0x151: {  	s30 =	sadd.s32 s31, s30;
	s28 =	smul.u32 $0x1948B0FD, s9;
	s24 =	spop (v2sf)  }
0x152: {  	s31 =	sadd.s32 s19, s21;
	s19 =	smulhi.u32 $0x1948B0FD, s24;
	s9 =	sshra.s32 s24, $0x1F  }
0x153: {  	s23 =	sadd.s32 s0, s3;
	s1 =	spop (v2sf);
	s0 =	smul.u32 $0x1948B0FD, s9  }
0x154: {  	s9 =	sadd.s32 s4, s6;
	s4 =	smulhi.u32 $0x1948B0FD, s1;
	s3 =	sshra.s32 s1, $0x1F  }
0x155: {  	s22 =	sadd.s32 s7, s5;
	s21 =	spop (v2sf);
	s3 =	smul.u32 $0x1948B0FD, s3  }
0x156: {  	s24 =	sadd.s32 s16, s8;
	s16 =	smulhi.u32 $0x1948B0FD, s21;
	s5 =	sshra.s32 s21, $0x1F  }
0x157: {  	s8 =	sadd.s32 s28, s18;
	s28 =	spop (v2sf);
	s5 =	smul.u32 $0x1948B0FD, s5  }
0x158: {  	s7 =	sadd.s32 s0, s19;
	s0 =	smulhi.u32 $0x1948B0FD, s28;
	s1 =	sshra.s32 s28, $0x1F  }
0x159: {  	s21 =	spop (v2sf);
	s6 =	sadd.s32 s3, s4;
	s18 =	smul.u32 $0x1948B0FD, s1  }
0x15a: {  	s28 =	smulhi.u32 $0x1948B0FD, s21;
	s4 =	sshra.s32 s21, $0x1F;
	s19 =	spop (v2sf)  }
0x15b: {  	s5 =	sadd.s32 s5, s16;
	s4 =	smul.u32 $0x1948B0FD, s4;
	s1 =	spop (v2sf)  }
0x15c: {  	s3 =	sadd.s32 s18, s0;
	s21 =	smulhi.u32 $0x1948B0FD, s1;
	s16 =	sshra.s32 s1, $0x1F  }
0x15d: {  	s18 =	sshra.s32 s20, $0x1F;
	s1 =	sadd.s32 s4, s28;
	s28 =	smul.u32 $0x1948B0FD, s16  }
0x15e: {  	vm14 =	vcmask $0xB08;
	v11 =	vmov s2;
	s16 =	smulhi.u32 $0x1948B0FD, s20;
	s20 =	sshrl.u32 s12, $0x1F;
	s12 =	sshrl.u32 s8, $0x1F  }
0x15f: {  	s0 =	sshrl.u32 s11, $0x1F;
	v11 =	vsel vm14, s20, v11;
	v12 =	vmov s12;
	s12 =	sshrl.u32 s7, $0x1F;
	s20 =	sshrl.u32 s9, $0x1F  }
0x160: {  	[dreg:$0x12] =	wrdreg s16;
	s2 =	sadd.s32 s28, s21;
	s28 =	smul.u32 $0x1948B0FD, s18  }
0x161: {  	vm1 =	vcmask $0x300;
	s21 =	sshrl.u32 s10, $0x1F;
	s18 =	smulhi.u32 $0x1948B0FD, s25;
	s25 =	sshra.s32 s25, $0x1F  }
0x162: {  	vm15 =	vcmask $0x1310;
	s10 =	sshrl.u32 s15, $0x1F;
	s16 =	sshrl.u32 s14, $0x1F;
	v12 =	vnsel vm1, $0x0, v12;
	s4 =	smul.u32 $0x1948B0FD, s25  }
0x163: {  	vm0 =	vcmask $0x1B18;
	v11 =	vsel vm15, s21, v11;
	s21 =	sshrl.u32 s13, $0x1F;
	s25 =	sshrl.u32 s17, $0x1F;
	v12 =	vsel vm14, s12, v12;
	s12 =	sshra.s32 s2, $0x1F  }
0x164: {  	v14 =	vsel vm0, s0, v11;
	v11 =	vmov s10;
	v13 =	vmov s21;
	s0 =	sshrl.u32 s30, $0x1F;
	s10 =	sshrl.u32 s31, $0x1F;
	s21 =	sshra.s32 s8, $0x7  }
0x165: {  	v19 =	vmov s12;
	s12 =	sshrl.u32 s3, $0x1F;
	s30 =	sshra.s32 s30, $0x7;
	v11 =	vsel vm14, s25, v11;
	s25 =	sshrl.u32 s6, $0x1F  }
0x166: {  	v18 =	vsel vm14, s16, v13;
	v19 =	vsel vm1, s21, v19;
	s21 =	sshra.s32 s15, $0x7;
	s15 =	sshra.s32 s5, $0x7;
	s16 =	sshra.s32 s9, $0x7  }
0x167: {  	s4 =	sadd.s32 s4, s18;
	s18 =	rddreg [dreg:$0xc];
	v11 =	vsel vm15, s0, v11;
	s0 =	sshrl.u32 s23, $0x1F  }
0x168: {  	vm3 =	vcmask $0x704;
	v12 =	vsel vm15, s25, v12;
	s25 =	sshra.s32 s8, $0x1F;
	s8 =	smulhi.u32 $0x1948B0FD, s29;
	v13 =	vsel vm0, s10, v11;
	s10 =	sshrl.u32 s5, $0x1F  }
0x169: {  	v11 =	vmov s20;
	s20 =	smulhi.u32 $0x1948B0FD, s19;
	v19 =	vsel vm3, s25, v19;
	s25 =	sshra.s32 s29, $0x1F;
	s29 =	sshra.s32 s7, $0x7  }
0x16a: {  	s7 =	sshra.s32 s7, $0x1F;
	v11 =	vsel vm14, s0, v11;
	v12 =	vsel vm0, s10, v12;
	s0 =	sshra.s32 s19, $0x1F;
	s10 =	sshrl.u32 s22, $0x1F  }
0x16b: {  	vm4 =	vcmask $0x2B28;
	vm2 =	vcmask $0x2320;
	v19 =	vsel vm14, s29, v19;
	s29 =	sshra.s32 s17, $0x7;
	s17 =	rddreg [dreg:$0x10];
	s0 =	smul.u32 $0x1948B0FD, s0  }
0x16c: {  	vm5 =	vcmask $0xF0C;
	v11 =	vsel vm15, s10, v11;
	v12 =	vsel vm2, s12, v12;
	s10 =	sshrl.u32 s24, $0x1F;
	s12 =	sshrl.u32 s1, $0x1F;
	s9 =	smulhi.u32 $0x1948B0FD, s17  }
0x16d: {  	s5 =	sshra.s32 s5, $0x1F;
	s19 =	sshra.s32 s17, $0x1F;
	v20 =	vsel vm0, s10, v11;
	v11 =	vsel vm4, s12, v12;
	v12 =	vsel vm5, s7, v19;
	s7 =	smul.u32 $0x1948B0FD, s25  }
0x16e: {  	vm6 =	vcmask $0x3330;
	vm7 =	vcmask $0x1714;
	vm8 =	vcmask $0x1F1C;
	s12 =	sshra.s32 s31, $0x7;
	s0 =	sadd.s32 s0, s20;
	s20 =	sshra.s32 s6, $0x7  }
0x16f: {  	vm9 =	vcmask $0x2724;
	vm10 =	vcmask $0x2F2C;
	s6 =	sshra.s32 s6, $0x1F;
	v12 =	vsel vm15, s20, v12;
	s25 =	sshrl.u32 s0, $0x1F;
	s20 =	sshra.s32 s23, $0x7  }
0x170: {  	vm11 =	vcmask $0x3B38;
	vm12 =	vcmask $0x3734;
	v21 =	vmov s16;
	s23 =	sshra.s32 s22, $0x7;
	s17 =	sshra.s32 s0, $0x7;
	s7 =	sadd.s32 s7, s8  }
0x171: {  	s8 =	sshra.s32 s18, $0x1F;
	v19 =	vsel vm6, s25, v11;
	v11 =	vmov s21;
	v12 =	vsel vm7, s6, v12;
	s21 =	sshra.s32 s3, $0x7;
	s3 =	sshra.s32 s3, $0x1F  }
0x172: {  	vm13 =	vmmov $0xff;
	v21 =	vsel vm14, s20, v21;
	s25 =	rddreg [dreg:$0x11];
	s20 =	sshra.s32 s0, $0x1F;
	s22 =	smul.u32 $0x1948B0FD, s8;
	v12 =	vsel vm0, s15, v12  }
0x173: {  	v22 =	vimm.s32 $0xECA86420;
	v11 =	vsel vm14, s29, v11;
	s29 =	smulhi.u32 $0x1948B0FD, s25;
	s6 =	sshra.s32 s25, $0x1F;
	s15 =	sshra.s32 s24, $0x7;
	v12 =	vsel vm8, s5, v12  }
0x174: {  	v22 =	vunpack.c.l.s4.s8 v22;
	v21 =	vsel vm15, s23, v21;
	s23 =	rddreg [dreg:$0xb];
	s25 =	sshrl.u32 s4, $0x1F;
	s5 =	smul.u32 $0x1948B0FD, s19;
	v12 =	vsel vm2, s21, v12  }
0x175: {  	v13 =	vcombine.low v20, v13;
	v11 =	vsel vm15, s30, v11;
	s30 =	sshra.s32 s1, $0x7;
	s1 =	sshra.s32 s1, $0x1F;
	s16 =	smul.u32 $0x1948B0FD, s6;
	v12 =	vsel vm9, s3, v12  }
0x176: {  	v21 =	vsel vm0, s15, v21;
	s19 =	smulhi.u32 $0x1948B0FD, s18;
	s15 =	sshrl.u32 s7, $0x1F;
	v23 =	vsel vm0, s12, v11;
	s21 =	sshrl.u32 s2, $0x1F;
	v12 =	vsel vm4, s30, v12  }
0x177: {  	s2 =	sshra.s32 s2, $0x7;
	s0 =	sadd.s32 s16, s29;
	v19 =	vsel vm11, s21, v19;
	s29 =	sshra.s32 s4, $0x7;
	v11 =	vsel vm10, s1, v12;
	v12 =	vmul.u32 $0x2, v4  }
0x178: {  	v21 =	vcombine.low v21, v23;
	s24 =	sshra.s32 s0, $0x1F;
	s30 =	rddreg [dreg:$0x9];
	s1 =	sadd.s32 s22, s19;
	v24 =	vsel vm6, s17, v11;
	v11 =	vunpack.c.0.s8.s32 v22  }
0x179: {  	s31 =	smulhi.u32 $0x1948B0FD, s30;
	s8 =	sshra.s32 s30, $0x1F;
	s22 =	rddreg [dreg:$0x12];
	v22 =	vmov s24;
	v20 =	vsel vm12, s20, v24;
	v19 =	vperm.xlane v19, v12  }
0x17a: {  	s5 =	sadd.s32 s5, s9;
	s8 =	smul.u32 $0x1948B0FD, s8;
	v22 =	vsel vm1, s29, v22;
	s29 =	rddreg [dreg:$0xa];
	v20 =	vsel vm11, s2, v20;
	v13 =	vperm.xlane v13, v11  }
0x17b: {  	s3 =	sshra.s32 s23, $0x1F;
	v23 =	vmov s25;
	s12 =	sadd.s32 s28, s22;
	v21 =	vperm.xlane v21, v11;
	s30 =	sshrl.u32 s29, $0x1F;
	v20 =	vperm.xlane v20, v12  }
0x17c: {  	s4 =	sshra.s32 s4, $0x1F;
	v23 =	vnsel vm1, $0x0, v23;
	s24 =	sadd.s32 s8, s31;
	s8 =	sshrl.u32 s12, $0x1F;
	v18 =	vsel vm15, s30, v18;
	v13 =	vsel vm13, v19, v13  }
0x17d: {  	s3 =	smul.u32 $0x1948B0FD, s3;
	s16 =	sshrl.u32 s5, $0x1F;
	s19 =	sshra.s32 s7, $0x7;
	v18 =	vsel vm0, s8, v18;
	v19 =	vsel vm13, v20, v21;
	v20 =	vsel vm14, s15, v23  }
0x17e: {  	s7 =	sshra.s32 s7, $0x1F;
	s17 =	rddreg [dreg:$0x8];
	s2 =	smulhi.u32 $0x1948B0FD, s23;
	v21 =	vsel vm3, s4, v22;
	vm3 =	vlt.s32 v16, $0x1;
	v14 =	vcombine.low v18, v14  }
0x17f: {  	s21 =	sshrl.u32 s1, $0x1F;
	s18 =	smulhi.u32 $0x1948B0FD, s17;
	s20 =	sshra.s32 s17, $0x1F;
	v19 =	vadd.s32 v13, v19;
	v13 =	vsel vm15, s16, v20;
	v20 =	vsel vm14, s19, v21  }
0x180: {  	s23 =	sshra.s32 s5, $0x7;
	s2 =	sadd.s32 s3, s2;
	s4 =	smul.u32 $0x1948B0FD, s20;
	v21 =	vmul.u32 $0xFFFFFAF0, v19;
	v22 =	vsel vm0, s21, v13;
	v13 =	vsel vm5, s7, v20  }
0x181: {  	s28 =	sshra.s32 s1, $0x7;
	s5 =	sshra.s32 s5, $0x1F;
	s25 =	sshrl.u32 s2, $0x1F;
	v20 =	vsub.s32 $0x0, v17;
	v14 =	vperm.xlane v14, v11;
	v13 =	vsel vm15, s23, v13  }
0x182: {  	s1 =	sshra.s32 s1, $0x1F;
	s4 =	sadd.s32 s4, s18;
	s18 =	sshra.s32 s13, $0x7;
	v22 =	vsel vm2, s25, v22;
	vm5 =	vne.s32 v21, v20;
	v20 =	vsel vm7, s5, v13  }
0x183: {  	s17 =	rddreg [dreg:$0xf];
	s31 =	sshrl.u32 s24, $0x1F;
	s21 =	sshra.s32 s14, $0x7;
	v24 =	vmov s18;
	v13 =	vimm.s32 $0x0;
	v20 =	vsel vm0, s28, v20  }
0x184: {  	s10 =	sshra.s32 s2, $0x7;
	s16 =	rddreg [dreg:$0xe];
	s9 =	sshrl.u32 s4, $0x1F;
	v22 =	vsel vm4, s31, v22;
	v24 =	vsel vm14, s21, v24;
	v20 =	vsel vm8, s1, v20  }
0x185: {  	s22 =	sshra.s32 s29, $0x7;
	s2 =	sshra.s32 s2, $0x1F;
	s5 =	sshra.s32 s16, $0x7;
	vm3 =	vmand vm3, vm5;
	v22 =	vsel vm6, s9, v22;
	v20 =	vsel vm2, s10, v20  }
0x186: {  	s20 =	rddreg [dreg:$0xd];
	s19 =	sshra.s32 s24, $0x7;
	v23 =	vmov s5;
	v24 =	vsel vm15, s22, v24;
	s1 =	sshra.s32 s17, $0x7;
	v20 =	vsel vm9, s2, v20  }
0x187: {  	s3 =	sshra.s32 s24, $0x1F;
	s15 =	sshrl.u32 s0, $0x1F;
	v21 =	vsel vm3, $0xFFFFFFFF, v13;
	v23 =	vsel vm14, s1, v23;
	s1 =	sshra.s32 s20, $0x7;
	v20 =	vsel vm4, s19, v20  }
0x188: {  	s24 =	sshra.s32 s11, $0x7;
	s23 =	sshra.s32 s4, $0x7;
	s25 =	sshra.s32 s12, $0x7;
	v22 =	vsel vm11, s15, v22;
	v23 =	vsel vm15, s1, v23;
	v20 =	vsel vm10, s3, v20  }
0x189: {  	s28 =	sshra.s32 s4, $0x1F;
	v18 =	vsel vm0, s24, v23;
	v23 =	vsel vm0, s25, v24;
	v20 =	vsel vm6, s23, v20  }
0x18a: {  	s0 =	sshra.s32 s0, $0x7;
	v19 =	vadd.s32 v21, v19;
	v18 =	vcombine.low v23, v18;
	v20 =	vsel vm12, s28, v20  }
0x18b: {  	v21 =	vperm.xlane v22, v12;
	v19 =	vshll.u32 v19, $0x4;
	v20 =	vsel vm11, s0, v20  }
0x18c: {  	v22 =	vor.u32 $0x1, v19;
	v18 =	vperm.xlane v18, v11;
	v20 =	vperm.xlane v20, v12;
	_ =	sdelay $0x1  }
0x18d: {  	v14 =	vsel vm13, v21, v14;
	v18 =	vsel vm13, v20, v18  }
0x18e: {  	v14 =	vadd.s32 v14, v18  }
0x18f: {  	v18 =	vmul.u32 $0xFFFFFAF0, v14  }
0x190: {  	v21 =	vld.idx.msk [tilespmem:v22+s26+$0x0], $0xffff;
	v20 =	vsub.s32 $0x0, v9  }
0x191: {  	vm3 =	vlt.s32 v9, $0x1;
	vm5 =	vne.s32 v18, v20  }
0x192: {  	vm3 =	vmand vm3, vm5  }
0x193: {  	v18 =	vsel vm3, $0xFFFFFFFF, v13  }
0x194: {  	v14 =	vadd.s32 v18, v14  }
0x195: {  	v22 =	vshll.u32 v14, $0x4;
	v14 =	vtrunc.f32 v21  }
0x196: {  	v18 =	vor.u32 $0x2, v22;
	v20 =	vcvt.f32.s32 v14  }
0x197: {  	v21 =	vor.u32 $0x3, v22  }
0x198: {  	v23 =	vor.u32 $0x4, v22;
	v14 =	vimm.s32 $0x9;
	vm3 =	veq.s32 v17, v20  }
0x199: {  	v24 =	vor.u32 $0x5, v22;
	v17 =	vsel vm3, $0x2, v14  }
0x19a: {  	v17 =	vor.u32 v17, v19  }
0x19b: {  	v18 =	vld.idx.msk [tilespmem:v18+s26+$0x0], $0xffff;
	v25 =	vadd.s32 $0x1, v17  }
0x19c: {  	v19 =	vld.idx.msk [tilespmem:v21+s26+$0x0], $0xffff;
	v26 =	vadd.s32 $0x2, v17  }
0x19d: {  	v20 =	vld.idx.msk [tilespmem:v23+s26+$0x0], $0xffff;
	v23 =	vadd.s32 $0x3, v17  }
0x19e: {  	v21 =	vld.idx.msk [tilespmem:v24+s26+$0x0], $0xffff  }
0x19f: {  	v24 =	vld.idx.msk [tilespmem:v17+s26+$0x0], $0xffff  }
0x1a0: {  	v22 =	vor.u32 $0x6, v22;
	v25 =	vld.idx.msk [tilespmem:v25+s26+$0x0], $0xffff  }
0x1a1: {  	v17 =	vor.u32 $0x4, v17;
	v27 =	vld.idx.msk [tilespmem:v26+s26+$0x0], $0xffff  }
0x1a2: {  	v60 =	vld.idx.msk [tilespmem:v23+s26+$0x0], $0xffff;
	_ =	sdelay $0x2  }
0x1a3: {  	v22 =	vld.idx.msk [tilespmem:v22+s26+$0x0], $0xffff  }
0x1a4: {  	v61 =	vld.idx.msk [tilespmem:v17+s26+$0x0], $0xffff;
	v17 =	vmax.f32 v18, v24  }
0x1a5: {  	v23 =	vmax.f32 v19, v25;
	v26 =	vmin.f32 v20, v27;
	v62 =	vmin.f32 v21, v60  }
0x1a6: {  	v17 =	vsub.f32 v26, v17;
	v23 =	vsub.f32 v62, v23;
	_ =	sdelay $0x1  }
0x1a7: {  	v17 =	vmax.f32 v17, $0.0e+00;
	v23 =	vmax.f32 v23, $0.0e+00  }
0x1a8: {  	v17 =	vmul.f32 v23, v17;
	v23 =	vadd.f32 v61, v22;
	_ =	sdelay $0x1  }
0x1a9: {  	v23 =	vsub.f32 v23, v17;
	_ =	sdelay $0x1  }
0x1aa: {  	v23 =	vadd.f32 $9.999999930e-09, v23;
	_ =	sdelay $0x1  }
0x1ab: {  	v23 =	vmul.f32 $5.000000000e-01, v23;
	_ =	sdelay $0x1  }
0x1ac: {  	vm5 =	vgt.f32 v15, $-Inf;
	vm3 =	vlt.f32 v15, $-Inf;
	vm7 =	vgt.f32 v17, v23  }
0x1ad: {  	vm3 =	vmor vm5, vm3;
	vm5 =	vmneg vm7  }
0x1ae: {  	vm3 =	vmand vm3, vm5  }
0x1af: {  	v15 =	vsel vm3, $0x1, v13  }
0x1b0: {  	(v2sf) =	vpush v15, $0x0;
	_ =	sdelay $0xc  }
0x1b1: {  	v63 =	vsel vm3, $0x3F800000, v13  }
0x1b2: {  	s30 =	rddreg [dreg:$0x7];
	v23 =	vmul.f32 v63, v24  }
0x1b3: {  	s31 =	stileid.u32;
	v26 =	vnsel vm3, $0xC0000000, v16;
	v16 =	vmul.f32 v63, v25;
	v24 =	vmul.f32 v63, v27;
	s29 =	spop (v2sf)  }
0x1b4: {  	p0 =	sne.s32 s31, $0x0;
	s1 =	simm.s32 $0x0;
	v15 =	vmov s30;
	v17 =	vmul.f32 v63, v60;
	v25 =	vmul.f32 v63, v61;
	p1 =	sne.s32 s29, $0x0  }
.LBB2_5:
0x1b5: {  	vm3 =	vcmask @!p0 $0x3F10  }
0x1b6: {  	vm5 =	vlt.f32 @!p0 v10, $-Inf;
	v27 =	vsel @!p0 vm3, $0x0, v21;
	vm3 =	vcmask @!p0 $0x3F0C  }
0x1b7: {  	vm7 =	vgt.f32 @!p0 v10, $-Inf;
	p2 =	por !p1, p0;
	v10 =	vsel @!p0 vm3, v27, v20;
	vm3 =	vcmask @!p0 $0x3F08  }
0x1b8: {  	vm5 =	vmor @!p0 vm7, vm5;
	v10 =	vsel @!p0 vm3, v10, v19;
	vm3 =	vcmask @!p2 $0x3F10  }
0x1b9: {  	vm7 =	vmmov @!p0 $0x1;
	v27 =	vsel @!p2 vm3, $0x0, v17;
	vm3 =	vcmask @!p2 $0x3F0C  }
0x1ba: {  	s0 =	sshll.u32 @!p0 s1, $0x4;
	v10 =	vsel @!p0 vm7, v18, v10;
	v27 =	vsel @!p2 vm3, v27, v24;
	vm3 =	vcmask @!p2 $0x3F08  }
0x1bb: {  	s0 =	sshra.s32 @!p0 s0, $0x2;
	v10 =	vnsel @!p0 vm5, $0x0, v10;
	v27 =	vsel @!p2 vm3, v27, v16;
	vm3 =	vmmov @!p2 $0x1  }
0x1bc: {  	[tilespmem:s0+$0x5980] =	vst @!p0 v10;
	v10 =	vsel @!p2 vm3, v23, v27  }
0x1bd: {  	[dreg:$0x5] =	wrdreg s1;
	[tilespmem:s0+$0x5984] =	vst @!p2 v10  }
0x1be: {  	s15 =	simm.s32 $0x0;
	[bflag:$0x0] =	sbarrier.arrive $0xFFFF  }
0x1bf: {  	v10 =	vld [tilespmem:s15+$0x3700]  }
0x1c0: {  	v27 =	vld [tilespmem:s15+$0x3C80]  }
0x1c1: {  	v28 =	vld [tilespmem:s15+$0x4200]  }
0x1c2: {  	v29 =	vld [tilespmem:s15+$0x4780];
	_ =	sdelay $0x1  }
0x1c3: {  	v30 =	vld [tilespmem:s15+$0x4D00]  }
0x1c4: {  	s14 =	simm.s32 $0x10  }
0x1c5: {  	v36 =	vld [tilespmem:s14+$0x3700];
	v31 =	vmax.f32 v18, v10  }
0x1c6: {  	v37 =	vld [tilespmem:s14+$0x3C80];
	v32 =	vmax.f32 v19, v27;
	v33 =	vmin.f32 v20, v28;
	v34 =	vmin.f32 v21, v29  }
0x1c7: {  	v10 =	vmax.f32 v23, v10;
	v27 =	vmax.f32 v16, v27;
	v28 =	vmin.f32 v24, v28  }
0x1c8: {  	v38 =	vld [tilespmem:s14+$0x4200];
	v29 =	vmin.f32 v17, v29;
	v62 =	vadd.f32 v30, v22;
	v63 =	vadd.f32 v30, v25  }
0x1c9: {  	v39 =	vld [tilespmem:s14+$0x4780];
	v30 =	vsub.s32 v9, v15;
	v31 =	vsub.f32 v33, v31;
	v32 =	vsub.f32 v34, v32  }
0x1ca: {  	v9 =	vimm.f32 $-Inf;
	v10 =	vsub.f32 v28, v10;
	v27 =	vsub.f32 v29, v27  }
0x1cb: {  	v40 =	vmax.f32 v18, v36;
	v41 =	vmax.f32 v19, v37;
	v28 =	vld [tilespmem:s14+$0x4D00];
	v29 =	vmax.f32 v31, $0.0e+00  }
0x1cc: {  	v31 =	vmax.f32 v32, $0.0e+00;
	v10 =	vmax.f32 v10, $0.0e+00;
	v27 =	vmax.f32 v27, $0.0e+00  }
0x1cd: {  	v45 =	vmin.f32 v20, v38;
	v34 =	vmul.f32 v31, v29;
	v35 =	vmul.f32 v27, v10  }
0x1ce: {  	v44 =	vmin.f32 v21, v39;
	vm5 =	veq.s32 v4, v30;
	v29 =	vsub.s32 v26, v15  }
0x1cf: {  	v27 =	vimm.s32 $0x0;
	v10 =	vsub.f32 v62, v34;
	v26 =	vsub.f32 v63, v35  }
0x1d0: {  	s0 =	simm.s32 $0x1;
	v31 =	vimm.s32 $0x0;
	v32 =	vadd.f32 v28, v22;
	v33 =	vadd.f32 v28, v25  }
0x1d1: {  	s0 =	simm.s32 @!p1 $0x0;
	vm3 =	veq.s32 v4, v29;
	v42 =	vadd.f32 $9.999999930e-09, v10;
	v43 =	vadd.f32 $9.999999930e-09, v26  }
0x1d2: {  	[dreg:$0x6] =	wrdreg s0;
	s0 =	simm.s32 $0x80;
	v28 =	vimm.f32 $-Inf;
	v10 =	vlaneseq.u32;
	v26 =	vimm.s32 $0x0  }
.LBB2_6:
0x1d3: {  	p1 =	sne.s32 s0, $0x1400;
	v36 =	vmax.f32 v23, v36;
	v42 =	vmul.f32 $5.000000000e-01, v42;
	v43 =	vmul.f32 $5.000000000e-01, v43  }
0x1d4: {  	v37 =	vmax.f32 v16, v37;
	v38 =	vmin.f32 v24, v38;
	v39 =	vmin.f32 v17, v39;
	v46 =	vld [tilespmem:s15+$0x5280]  }
0x1d5: {  	v40 =	vsub.f32 v45, v40;
	vm7 =	vgt.f32 v34, v42;
	vm8 =	vgt.f32 v35, v43  }
0x1d6: {  	v34 =	vsub.f32 v44, v41;
	v35 =	vsub.f32 v38, v36;
	vm7 =	vmor vm7, vm8  }
0x1d7: {  	s1 =	sshra.s32 s0, $0x2;
	v37 =	vsub.f32 v39, v37;
	v38 =	vmax.f32 v40, $0.0e+00;
	vm5 =	vmor vm7, vm5  }
0x1d8: {  	v34 =	vmax.f32 v34, $0.0e+00;
	v35 =	vmax.f32 v35, $0.0e+00;
	v40 =	vld [tilespmem:s1+$0x4D00];
	vm3 =	vmor vm3, vm5  }
0x1d9: {  	v34 =	vmul.f32 v34, v38;
	v38 =	vmax.f32 v37, $0.0e+00;
	v36 =	vld [tilespmem:s1+$0x3700];
	v41 =	vsel vm3, $0xFF800000, v46  }
0x1da: {  	v35 =	vmul.f32 v38, v35;
	v37 =	vld [tilespmem:s1+$0x3C80];
	[tilespmem:s15+$0x5280] =	vst v41;
	vm3 =	vgt.f32 v41, v9;
	vm5 =	vgt.f32 v41, v28;
	s15 =	smov.u32 s14;
	s14 =	smov.u32 s1  }
0x1db: {  	v38 =	vld [tilespmem:s14+$0x4200];
	v28 =	vsel vm5, v41, v28;
	v27 =	vsel vm5, v10, v27;
	v31 =	vsel vm3, v10, v31  }
0x1dc: {  	v39 =	vld [tilespmem:s14+$0x4780];
	v28 =	vsel vm3, v9, v28;
	v27 =	vsel vm3, v26, v27;
	v9 =	vsel vm3, v41, v9;
	v26 =	vmovc v31  }
.Ltmp2:
0x1dd: {  	v10 =	vadd.s32 $0x10, v10;
	(pc) =	sbr.rel @p1 .LBB2_6-.Ltmp2, $4  }
0x1de: {  	v43 =	vsub.f32 v33, v35;
	v41 =	vsub.f32 v32, v34;
	vm3 =	veq.s32 v10, v29  }
0x1df: {  	vm5 =	veq.s32 v10, v30;
	v32 =	vadd.f32 v40, v22;
	v33 =	vadd.f32 v40, v25  }
0x1e0: {  	v43 =	vadd.f32 $9.999999930e-09, v43;
	v40 =	vmax.f32 v18, v36;
	v42 =	vadd.f32 $9.999999930e-09, v41  }
0x1e1: {  	s0 =	sadd.s32 $0x40, s0;
	v41 =	vmax.f32 v19, v37;
	v45 =	vmin.f32 v20, v38;
	v44 =	vmin.f32 v21, v39  }
0x1e2: {  	_ = 	snop  }
0x1e3: {  	v20 =	vsub.f32 v45, v40;
	v21 =	vsub.f32 v44, v41;
	v18 =	vmax.f32 v23, v36  }
0x1e4: {  	v16 =	vmax.f32 v16, v37;
	v19 =	vmin.f32 v24, v38;
	v17 =	vmin.f32 v17, v39  }
0x1e5: {  	v18 =	vsub.f32 v19, v18;
	v16 =	vsub.f32 v17, v16  }
0x1e6: {  	v17 =	vmul.f32 $5.000000000e-01, v42;
	v19 =	vmul.f32 $5.000000000e-01, v43;
	v20 =	vmax.f32 v20, $0.0e+00  }
0x1e7: {  	v21 =	vmax.f32 v21, $0.0e+00;
	v18 =	vmax.f32 v18, $0.0e+00;
	v16 =	vmax.f32 v16, $0.0e+00  }
0x1e8: {  	v22 =	vld [tilespmem:s15+$0x5280];
	v20 =	vmul.f32 v21, v20;
	v16 =	vmul.f32 v16, v18  }
0x1e9: {  	vm7 =	vgt.f32 v34, v17;
	vm8 =	vgt.f32 v35, v19  }
0x1ea: {  	vm7 =	vmor vm7, vm8;
	v17 =	vsub.f32 v32, v20;
	v18 =	vsub.f32 v33, v16  }
0x1eb: {  	vm5 =	vmor vm7, vm5  }
0x1ec: {  	vm3 =	vmor vm3, vm5;
	v17 =	vadd.f32 $9.999999930e-09, v17;
	v18 =	vadd.f32 $9.999999930e-09, v18  }
0x1ed: {  	v19 =	vsel vm3, $0xFF800000, v22  }
0x1ee: {  	[tilespmem:s15+$0x5280] =	vst v19;
	v17 =	vmul.f32 $5.000000000e-01, v17;
	v18 =	vmul.f32 $5.000000000e-01, v18  }
0x1ef: {  	v21 =	vld [tilespmem:s14+$0x5280]  }
0x1f0: {  	v22 =	vadd.s32 $0x10, v10;
	vm3 =	vgt.f32 v20, v17;
	vm5 =	vgt.f32 v16, v18  }
0x1f1: {  	vm7 =	veq.s32 v22, v30;
	vm3 =	vmor vm3, vm5  }
0x1f2: {  	vm5 =	veq.s32 v22, v29;
	vm7 =	vmor vm3, vm7  }
0x1f3: {  	vm3 =	vgt.f32 v19, v9;
	vm5 =	vmor vm5, vm7  }
0x1f4: {  	v16 =	vsel vm3, v19, v9;
	v17 =	vsel vm5, $0xFF800000, v21  }
0x1f5: {  	vm5 =	vgt.f32 v17, v16  }
0x1f6: {  	v18 =	vsel vm5, v17, v16  }
0x1f7: {  	v20 =	vperm.xlane v18, v0;
	_ =	sdelay $0x1  }
0x1f8: {  	v20 =	vmax.f32 v18, v20  }
0x1f9: {  	v21 =	vperm.xlane v20, v1;
	_ =	sdelay $0x1  }
0x1fa: {  	v20 =	vmax.f32 v20, v21  }
0x1fb: {  	v21 =	vperm.xlane v20, v2;
	_ =	sdelay $0x1  }
0x1fc: {  	v20 =	vmax.f32 v20, v21  }
0x1fd: {  	v21 =	vperm.xlane v20, v3;
	_ =	sdelay $0x1  }
0x1fe: {  	v23 =	vsel vm3, v10, v31;
	v20 =	vmax.f32 v20, v21  }
0x1ff: {  	v21 =	vsel vm5, v22, v23;
	vm7 =	veq.f32 v18, v20  }
0x200: {  	v24 =	vnsel vm7, $0x40000000, v21  }
0x201: {  	v25 =	vperm.xlane v24, v0;
	_ =	sdelay $0x1  }
0x202: {  	vm7 =	vlt.s32 v24, v25  }
0x203: {  	v24 =	vsel vm7, v24, v25  }
0x204: {  	v25 =	vperm.xlane v24, v1;
	_ =	sdelay $0x1  }
0x205: {  	vm7 =	vlt.s32 v24, v25  }
0x206: {  	v24 =	vsel vm7, v24, v25  }
0x207: {  	v25 =	vperm.xlane v24, v2;
	_ =	sdelay $0x1  }
0x208: {  	vm7 =	vlt.s32 v24, v25  }
0x209: {  	vm8 =	vgt.f32 v19, v28;
	v24 =	vsel vm7, v24, v25  }
0x20a: {  	v19 =	vsel vm8, v19, v28;
	v25 =	vperm.xlane v24, v3  }
0x20b: {  	v9 =	vsel vm3, v9, v19  }
0x20c: {  	vm7 =	vgt.f32 v17, v9;
	vm9 =	vlt.s32 v24, v25  }
0x20d: {  	v9 =	vsel vm7, v17, v9;
	v19 =	vsel vm9, v24, v25  }
0x20e: {  	v9 =	vsel vm5, v16, v9;
	vm9 =	veq.s32 v21, v19  }
0x20f: {  	v9 =	vsel vm9, v9, v18  }
0x210: {  	v16 =	vperm.xlane v9, v0;
	_ =	sdelay $0x1  }
0x211: {  	v16 =	vmax.f32 v9, v16  }
0x212: {  	v18 =	vperm.xlane v16, v1;
	_ =	sdelay $0x1  }
0x213: {  	v16 =	vmax.f32 v16, v18  }
0x214: {  	v18 =	vperm.xlane v16, v2;
	_ =	sdelay $0x1  }
0x215: {  	v10 =	vsel vm8, v10, v27;
	v16 =	vmax.f32 v16, v18  }
0x216: {  	v10 =	vsel vm3, v26, v10;
	v18 =	vperm.xlane v16, v3  }
0x217: {  	v10 =	vsel vm7, v22, v10  }
0x218: {  	v10 =	vsel vm5, v23, v10;
	v16 =	vmax.f32 v16, v18  }
0x219: {  	v10 =	vsel vm9, v10, v21;
	vm3 =	veq.f32 v9, v16  }
0x21a: {  	v9 =	vnsel vm3, $0x40000000, v10  }
0x21b: {  	v10 =	vperm.xlane v9, v0;
	_ =	sdelay $0x1  }
0x21c: {  	vm3 =	vlt.s32 v9, v10  }
0x21d: {  	v9 =	vsel vm3, v9, v10  }
0x21e: {  	v10 =	vperm.xlane v9, v1;
	_ =	sdelay $0x1  }
0x21f: {  	vm3 =	vlt.s32 v9, v10  }
0x220: {  	v9 =	vsel vm3, v9, v10  }
0x221: {  	v10 =	vperm.xlane v9, v2;
	_ =	sdelay $0x1  }
0x222: {  	vm3 =	vlt.s32 v9, v10  }
0x223: {  	v9 =	vsel vm3, v9, v10  }
0x224: {  	v10 =	vperm.xlane v9, v3;
	_ =	sdelay $0x1  }
0x225: {  	vm3 =	vlt.s32 v9, v10  }
0x226: {  	v9 =	vsel vm3, v9, v10  }
0x227: {  	vm3 =	vlt.s32 v9, $0x50F  }
0x228: {  	v9 =	vnsel vm3, $0x50F, v9;
	_ =	sdelay $0x3  }
0x229: {  	s0 =	simm.s32 $0x4D00;
	[tilespmem:s14+$0x5280] =	vst v17  }
0x22a: {  	s1 =	simm.s32 $0x4780;
	v10 =	vld.idx.msk [tilespmem:v9+s0+$0x0], $0xffff  }
0x22b: {  	s2 =	simm.s32 $0x4200;
	vm3 =	vlt.s32 v19, $0x50F;
	v17 =	vld.idx.msk [tilespmem:v9+s1+$0x0], $0xffff  }
0x22c: {  	s3 =	simm.s32 $0x3C80;
	v18 =	vnsel vm3, $0x50F, v19;
	v19 =	vld.idx.msk [tilespmem:v9+s2+$0x0], $0xffff  }
0x22d: {  	s4 =	simm.s32 $0x3700;
	v21 =	vld.idx.msk [tilespmem:v9+s3+$0x0], $0xffff  }
0x22e: {  	vm3 =	vcmask $0x3F38;
	v22 =	vld.idx.msk [tilespmem:v9+s4+$0x0], $0xffff  }
0x22f: {  	v10 =	vsel vm3, $0x0, v10;
	vm3 =	vcmask $0x3F34  }
0x230: {  	v10 =	vsel vm3, v10, v17;
	vm3 =	vcmask $0x3F30  }
0x231: {  	v9 =	vadd.s32 v15, v9;
	v17 =	vld.idx.msk [tilespmem:v18+s0+$0x0], $0xffff;
	v10 =	vsel vm3, v10, v19;
	vm3 =	vcmask $0x3F2C  }
0x232: {  	v9 =	vcvt.s32.f32 v9;
	v19 =	vld.idx.msk [tilespmem:v18+s1+$0x0], $0xffff;
	v10 =	vsel vm3, v10, v21;
	vm3 =	vcmask $0x3F28  }
0x233: {  	v21 =	vld.idx.msk [tilespmem:v18+s2+$0x0], $0xffff;
	v10 =	vsel vm3, v10, v22;
	vm3 =	vcmask $0x3F24  }
0x234: {  	v22 =	vld.idx.msk [tilespmem:v18+s3+$0x0], $0xffff;
	v9 =	vsel vm3, v10, v9;
	vm3 =	vcmask $0x3F20  }
0x235: {  	v10 =	vld.idx.msk [tilespmem:v18+s4+$0x0], $0xffff;
	v9 =	vsel vm3, v9, v16;
	vm3 =	vcmask $0x3F1C  }
0x236: {  	v9 =	vsel vm3, v9, v17;
	vm3 =	vcmask $0x3F18  }
0x237: {  	v9 =	vsel vm3, v9, v19;
	vm3 =	vcmask $0x3F14  }
0x238: {  	v9 =	vsel vm3, v9, v21;
	vm3 =	vcmask $0x3F10  }
0x239: {  	v9 =	vsel vm3, v9, v22;
	vm3 =	vcmask $0x3F0C  }
0x23a: {  	v9 =	vsel vm3, v9, v10;
	v10 =	vld [tilespmem:$0x1FFF0];
	_ =	sdelay $0x1  }
0x23b: {  	v16 =	vadd.s32 v15, v18  }
0x23c: {  	v16 =	vcvt.s32.f32 v16  }
0x23d: {  	vm3 =	vcmask $0x3F08  }
0x23e: {  	v9 =	vsel vm3, v9, v16;
	vm3 =	vnez.u8 v10  }
0x23f: {  	v9 =	vsel vm3, v20, v9  }
0x240: {  	s18 =	rddreg [dreg:$0x4];
	s19 =	simm.s32 $0x5800;
	s20 =	simm.s32 $0x1;
	[tilespmem:$0x5800] =	vst v9  }
0x241: {  	[spmem:s18] =	stream.linear.scatter [tilespmem:s19], [sflag:$0x1], $0x10, $0x38;
	[tilespmem:$0x5E90] =	vst v63  }
0x242: {  	_ =	swait.ge [sflag:s20], $0x10  }
0x243: {  	[sflag:s20] =	ssyncset.done $0x0  }
0x244: {  	[sflag:s20] =	ssyncadd.s32 $0xFFFFFFF0  }
0x245: {  	[bflag:$0x0] =	sbarrier.arrive $0xFFFF  }
0x246: {  	s22 =	simm.s32 $0x5880;
	s21 =	rddreg [dreg:$0x1]  }
0x247: {  	[tilespmem:s22], [sflag:$0x1] =	stream.linear.gather [spmem:s21], $0x100, $0x38;
	[tilespmem:$0x5E90] =	vst v63  }
0x248: {  	_ =	swait.ge [sflag:s20], $0x100  }
0x249: {  	[sflag:s20] =	ssyncset.done $0x0  }
0x24a: {  	[sflag:s20] =	ssyncadd.s32 $0xFFFFFF00  }
0x24b: {  	v16 =	vld.idx.msk [tilespmem:v5+s22+$0x0], $0xffff;
	_ =	sdelay $0x4  }
0x24c: {  	v9 =	vperm.xlane v16, v0;
	_ =	sdelay $0x1  }
0x24d: {  	v9 =	vmax.f32 v16, v9  }
0x24e: {  	v10 =	vperm.xlane v9, v1;
	_ =	sdelay $0x1  }
0x24f: {  	v17 =	vld.idx.msk [tilespmem:v6+s22+$0x0], $0xffff;
	v9 =	vmax.f32 v9, v10  }
0x250: {  	v10 =	vperm.xlane v9, v2;
	_ =	sdelay $0x1  }
0x251: {  	v9 =	vmax.f32 v9, v10  }
0x252: {  	v10 =	vperm.xlane v9, v3  }
0x253: {  	v17 =	vtrunc.f32 v17  }
0x254: {  	v17 =	vcvt.f32.s32 v17;
	v10 =	vmax.f32 v9, v10  }
0x255: {  	vm3 =	veq.f32 v16, v10  }
0x256: {  	v9 =	vnsel vm3, $0x40000000, v17  }
0x257: {  	v18 =	vperm.xlane v9, v0;
	_ =	sdelay $0x1  }
0x258: {  	vm3 =	vlt.s32 v9, v18  }
0x259: {  	v9 =	vsel vm3, v9, v18  }
0x25a: {  	v18 =	vperm.xlane v9, v1;
	_ =	sdelay $0x1  }
0x25b: {  	vm3 =	vlt.s32 v9, v18  }
0x25c: {  	v9 =	vsel vm3, v9, v18  }
0x25d: {  	v18 =	vperm.xlane v9, v2;
	_ =	sdelay $0x1  }
0x25e: {  	vm3 =	vlt.s32 v9, v18  }
0x25f: {  	v9 =	vsel vm3, v9, v18  }
0x260: {  	v18 =	vperm.xlane v9, v3  }
0x261: {  	v19 =	vld.idx.msk [tilespmem:v7+s22+$0x0], $0xffff  }
0x262: {  	vm3 =	vlt.s32 v9, v18  }
0x263: {  	v9 =	vsel vm3, v9, v18  }
0x264: {  	(v2sf) =	vpush v9, $0xD  }
0x265: {  	vm3 =	veq.s32 v9, v17  }
0x266: {  	v18 =	vsel vm3, v19, v16;
	(v2sf) =	vpush v9, $0xC  }
0x267: {  	v16 =	vperm.xlane v18, v0  }
0x268: {  	(v2sf) =	vpush v9, $0xE  }
0x269: {  	v16 =	vmax.f32 v18, v16  }
0x26a: {  	(v2sf) =	vpush v9, $0xF;
	v19 =	vperm.xlane v16, v1  }
0x26b: {  	v20 =	vld.idx.msk [tilespmem:v8+s22+$0x0], $0xffff;
	(v2sf) =	vpush v9, $0x9  }
0x26c: {  	(v2sf) =	vpush v9, $0x8;
	v16 =	vmax.f32 v16, v19  }
0x26d: {  	v19 =	vperm.xlane v16, v2;
	_ =	sdelay $0x1  }
0x26e: {  	(v2sf) =	vpush v9, $0xA;
	v16 =	vmax.f32 v16, v19  }
0x26f: {  	v19 =	vtrunc.f32 v20;
	v20 =	vperm.xlane v16, v3  }
0x270: {  	v19 =	vcvt.f32.s32 v19  }
0x271: {  	(v2sf) =	vpush v9, $0xB;
	v16 =	vmax.f32 v16, v20  }
0x272: {  	v17 =	vsel vm3, v19, v17;
	vm3 =	veq.f32 v18, v16;
	s23 =	spop (v2sf)  }
0x273: {  	v17 =	vnsel vm3, $0x40000000, v17;
	(v2sf) =	vpush v9, $0x0;
	s1 =	smulhi.u32 $0x1948B0FD, s23;
	s0 =	sshra.s32 s23, $0x1F  }
0x274: {  	v18 =	vperm.xlane v17, v0;
	s24 =	spop (v2sf);
	s6 =	smul.u32 $0x1948B0FD, s0  }
0x275: {  	(v2sf) =	vpush v9, $0x1;
	s3 =	smulhi.u32 $0x1948B0FD, s24;
	s0 =	sshra.s32 s24, $0x1F  }
0x276: {  	s25 =	spop (v2sf);
	vm3 =	vlt.s32 v17, v18;
	s8 =	smul.u32 $0x1948B0FD, s0  }
0x277: {  	(v2sf) =	vpush v9, $0x2;
	s5 =	smulhi.u32 $0x1948B0FD, s25;
	s0 =	sshra.s32 s25, $0x1F;
	v17 =	vsel vm3, v17, v18  }
0x278: {  	s26 =	spop (v2sf);
	s10 =	smul.u32 $0x1948B0FD, s0;
	v18 =	vperm.xlane v17, v1  }
0x279: {  	(v2sf) =	vpush v9, $0x3;
	s9 =	smulhi.u32 $0x1948B0FD, s26;
	s0 =	sshra.s32 s26, $0x1F;
	s28 =	spop (v2sf)  }
0x27a: {  	s11 =	smul.u32 $0x1948B0FD, s0;
	s0 =	sshra.s32 s28, $0x1F;
	s29 =	spop (v2sf);
	vm3 =	vlt.s32 v17, v18  }
0x27b: {  	(v2sf) =	vpush v9, $0x4;
	s26 =	smul.u32 $0x1948B0FD, s0;
	s0 =	sshra.s32 s29, $0x1F;
	v17 =	vsel vm3, v17, v18  }
0x27c: {  	s0 =	smul.u32 $0x1948B0FD, s0;
	v18 =	vperm.xlane v17, v2  }
0x27d: {  	s13 =	smulhi.u32 $0x1948B0FD, s28;
	(v2sf) =	vpush v9, $0x5;
	s31 =	spop (v2sf)  }
0x27e: {  	s30 =	smulhi.u32 $0x1948B0FD, s29;
	[dreg:$0x1a] =	wrdreg s0;
	s0 =	sshra.s32 s31, $0x1F;
	vm3 =	vlt.s32 v17, v18  }
0x27f: {  	(v2sf) =	vpush v9, $0x6;
	s0 =	smul.u32 $0x1948B0FD, s0;
	v17 =	vsel vm3, v17, v18  }
0x280: {  	s4 =	smulhi.u32 $0x1948B0FD, s31;
	s7 =	spop (v2sf);
	(v2sf) =	vpush v9, $0x7;
	v18 =	vperm.xlane v17, v3  }
0x281: {  	s12 =	smulhi.u32 $0x1948B0FD, s7;
	[dreg:$0x1c] =	wrdreg s0;
	s0 =	sshra.s32 s7, $0x1F  }
0x282: {  	s7 =	smul.u32 $0x1948B0FD, s0;
	vm3 =	vlt.s32 v17, v18;
	s14 =	spop (v2sf)  }
0x283: {  	[dreg:$0x18] =	wrdreg s4;
	v17 =	vsel vm3, v17, v18;
	s15 =	smulhi.u32 $0x1948B0FD, s14;
	s0 =	sshra.s32 s14, $0x1F  }
0x284: {  	s16 =	spop (v2sf);
	vm3 =	vlt.s32 v17, $0x50FF;
	s2 =	smul.u32 $0x1948B0FD, s0  }
0x285: {  	[dreg:$0x1b] =	wrdreg s12;
	s17 =	smulhi.u32 $0x1948B0FD, s16;
	s0 =	sshra.s32 s16, $0x1F;
	v18 =	vnsel vm3, $0x50FF, v17  }
0x286: {  	s18 =	spop (v2sf);
	s4 =	smul.u32 $0x1948B0FD, s0;
	(v2sf) =	vpush v18, $0xD  }
0x287: {  	[dreg:$0x1d] =	wrdreg s15;
	s12 =	smulhi.u32 $0x1948B0FD, s18;
	s0 =	sshra.s32 s18, $0x1F  }
0x288: {  	s19 =	spop (v2sf);
	s29 =	smul.u32 $0x1948B0FD, s0;
	(v2sf) =	vpush v18, $0xC  }
0x289: {  	[dreg:$0x1e] =	wrdreg s17;
	s20 =	smulhi.u32 $0x1948B0FD, s19;
	s0 =	sshra.s32 s19, $0x1F  }
0x28a: {  	s21 =	spop (v2sf);
	s31 =	smul.u32 $0x1948B0FD, s0;
	(v2sf) =	vpush v18, $0xE  }
0x28b: {  	[smem:$0x7F5] =	sst s12;
	s22 =	smulhi.u32 $0x1948B0FD, s21;
	s0 =	sshra.s32 s21, $0x1F  }
0x28c: {  	s23 =	spop (v2sf);
	s25 =	smul.u32 $0x1948B0FD, s0;
	(v2sf) =	vpush v18, $0xF  }
0x28d: {  	[smem:$0x7F6] =	sst s20;
	s24 =	smulhi.u32 $0x1948B0FD, s23;
	(v2sf) =	vpush v18, $0x9  }
0x28e: {  	s28 =	spop (v2sf);
	[smem:$0x7F7] =	sst s22  }
0x28f: {  	s0 =	sshra.s32 s23, $0x1F;
	s14 =	smulhi.u32 $0x1948B0FD, s28;
	s15 =	spop (v2sf)  }
0x290: {  	[smem:$0x7F8] =	sst s24;
	s24 =	smul.u32 $0x1948B0FD, s0;
	(v2sf) =	vpush v18, $0x8  }
0x291: {  	s0 =	sshra.s32 s28, $0x1F;
	s28 =	smulhi.u32 $0x1948B0FD, s15;
	[smem:$0x7F9] =	sst s14;
	(v2sf) =	vpush v18, $0xA  }
0x292: {  	s14 =	sadd.s32 s8, s3;
	s8 =	sadd.s32 s26, s13;
	s13 =	rddreg [dreg:$0x1a]  }
0x293: {  	s22 =	smul.u32 $0x1948B0FD, s0;
	s0 =	sshra.s32 s15, $0x1F;
	s26 =	rddreg [dreg:$0x18]  }
0x294: {  	s20 =	smul.u32 $0x1948B0FD, s0;
	[dreg:$0x17] =	wrdreg s8;
	(v2sf) =	vpush v18, $0xB  }
0x295: {  	s3 =	sadd.s32 s13, s30;
	s30 =	rddreg [dreg:$0x1c];
	s16 =	spop (v2sf)  }
0x296: {  	[dreg:$0x1f] =	wrdreg s3;
	s23 =	smulhi.u32 $0x1948B0FD, s16;
	s0 =	sshra.s32 s16, $0x1F  }
0x297: {  	s3 =	sadd.s32 s30, s26;
	s17 =	spop (v2sf);
	s18 =	smul.u32 $0x1948B0FD, s0  }
0x298: {  	[dreg:$0x19] =	wrdreg s3;
	s19 =	smulhi.u32 $0x1948B0FD, s17;
	s0 =	sshra.s32 s17, $0x1F  }
0x299: {  	s10 =	sadd.s32 s10, s5;
	s21 =	spop (v2sf);
	s16 =	smul.u32 $0x1948B0FD, s0  }
0x29a: {  	s17 =	smulhi.u32 $0x1948B0FD, s21;
	s0 =	sshra.s32 s21, $0x1F;
	s21 =	sadd.s32 s6, s1  }
0x29b: {  	s12 =	spop (v2sf);
	s6 =	sadd.s32 s11, s9;
	s15 =	smul.u32 $0x1948B0FD, s0  }
0x29c: {  	(v2sf) =	vpush v18, $0x0;
	s1 =	smulhi.u32 $0x1948B0FD, s12;
	s0 =	sshra.s32 s12, $0x1F;
	s5 =	spop (v2sf)  }
0x29d: {  	[dreg:$0x15] =	wrdreg s6;
	s12 =	smul.u32 $0x1948B0FD, s0  }
0x29e: {  	s6 =	rddreg [dreg:$0x1b];
	s11 =	smulhi.u32 $0x1948B0FD, s5;
	s0 =	sshra.s32 s5, $0x1F  }
0x29f: {  	(v2sf) =	vpush v18, $0x1;
	s9 =	spop (v2sf);
	s3 =	sadd.s32 s7, s6;
	s8 =	smul.u32 $0x1948B0FD, s0  }
0x2a0: {  	s13 =	smulhi.u32 $0x1948B0FD, s9;
	s0 =	sshra.s32 s9, $0x1F;
	s5 =	spop (v2sf)  }
0x2a1: {  	[dreg:$0x16] =	wrdreg s3;
	s9 =	smul.u32 $0x1948B0FD, s0  }
0x2a2: {  	(v2sf) =	vpush v18, $0x2;
	s6 =	smulhi.u32 $0x1948B0FD, s5;
	s0 =	sshra.s32 s5, $0x1F;
	s5 =	rddreg [dreg:$0x1e]  }
0x2a3: {  	s30 =	spop (v2sf);
	s3 =	smul.u32 $0x1948B0FD, s0;
	s4 =	sadd.s32 s4, s5  }
0x2a4: {  	(v2sf) =	vpush v18, $0x3;
	s5 =	smulhi.u32 $0x1948B0FD, s30;
	s0 =	sshra.s32 s30, $0x1F;
	s30 =	sld [smem:$0x7F6]  }
0x2a5: {  	s26 =	rddreg [dreg:$0x1d]  }
0x2a6: {  	(v2sf) =	vpush v18, $0x4;
	s7 =	sadd.s32 s2, s26  }
0x2a7: {  	s2 =	smul.u32 $0x1948B0FD, s0;
	s0 =	sadd.s32 s31, s30;
	s30 =	sld [smem:$0x7F7]  }
0x2a8: {  	(v2sf) =	vpush v18, $0x5;
	s26 =	sld [smem:$0x7F5]  }
0x2a9: {  	(v2sf) =	vpush v18, $0x6;
	[smem:$0x7FA] =	sst s0  }
0x2aa: {  	(v2sf) =	vpush v18, $0x7;
	s0 =	sadd.s32 s25, s30;
	s30 =	sld [smem:$0x7F8]  }
0x2ab: {  	s26 =	sadd.s32 s29, s26;
	s29 =	spop (v2sf)  }
0x2ac: {  	[smem:$0x7FB] =	sst s0;
	s31 =	smulhi.u32 $0x1948B0FD, s29  }
0x2ad: {  	s29 =	sshra.s32 s29, $0x1F;
	s0 =	sadd.s32 s24, s30;
	s30 =	sld [smem:$0x7F9]  }
0x2ae: {  	s23 =	sadd.s32 s18, s23;
	s25 =	smul.u32 $0x1948B0FD, s29;
	s29 =	spop (v2sf)  }
0x2af: {  	[dreg:$0x14] =	wrdreg s23;
	s24 =	smulhi.u32 $0x1948B0FD, s29;
	s29 =	sshra.s32 s29, $0x1F  }
0x2b0: {  	[smem:$0x7FC] =	sst s0;
	s0 =	sadd.s32 s22, s30;
	s22 =	smul.u32 $0x1948B0FD, s29  }
0x2b1: {  	[smem:$0x7FD] =	sst s0;
	s0 =	spop (v2sf)  }
0x2b2: {  	s30 =	sadd.s32 s20, s28;
	s20 =	smulhi.u32 $0x1948B0FD, s0;
	s29 =	sshra.s32 s0, $0x1F  }
0x2b3: {  	s23 =	sadd.s32 s16, s19;
	s28 =	spop (v2sf);
	s18 =	smul.u32 $0x1948B0FD, s29  }
0x2b4: {  	s17 =	sadd.s32 s15, s17;
	s19 =	smulhi.u32 $0x1948B0FD, s28;
	s0 =	sshra.s32 s28, $0x1F  }
0x2b5: {  	s15 =	spop (v2sf);
	s28 =	sadd.s32 s12, s1;
	s29 =	smul.u32 $0x1948B0FD, s0  }
0x2b6: {  	[dreg:$0x13] =	wrdreg s28;
	s0 =	smulhi.u32 $0x1948B0FD, s15;
	s1 =	sshra.s32 s15, $0x1F  }
0x2b7: {  	s15 =	sadd.s32 s8, s11;
	s12 =	spop (v2sf);
	s8 =	smul.u32 $0x1948B0FD, s1  }
0x2b8: {  	s28 =	smulhi.u32 $0x1948B0FD, s12;
	s11 =	sshra.s32 s12, $0x1F;
	s1 =	spop (v2sf)  }
0x2b9: {  	s16 =	sadd.s32 s9, s13;
	s9 =	smul.u32 $0x1948B0FD, s11;
	s13 =	spop (v2sf)  }
0x2ba: {  	s6 =	sadd.s32 s3, s6;
	s3 =	smulhi.u32 $0x1948B0FD, s13;
	s11 =	sshra.s32 s13, $0x1F  }
0x2bb: {  	s2 =	sadd.s32 s2, s5;
	s12 =	sadd.s32 s25, s31;
	s31 =	smul.u32 $0x1948B0FD, s11  }
0x2bc: {  	s25 =	rddreg [dreg:$0x1f];
	s5 =	sadd.s32 s29, s19;
	s29 =	sshrl.u32 s14, $0x1F  }
0x2bd: {  	s8 =	sadd.s32 s8, s0;
	s0 =	sadd.s32 s31, s3;
	s31 =	sshrl.u32 s7, $0x1F  }
0x2be: {  	s13 =	sadd.s32 s18, s20;
	s18 =	sshra.s32 s21, $0x7;
	s11 =	sadd.s32 s22, s24;
	v20 =	vmov s31  }
0x2bf: {  	s9 =	sadd.s32 s9, s28;
	s28 =	sshrl.u32 s21, $0x1F;
	s22 =	sshrl.u32 s4, $0x1F;
	v20 =	vnsel vm1, $0x0, v20  }
0x2c0: {  	s21 =	sshrl.u32 s25, $0x1F;
	s31 =	sshrl.u32 s26, $0x1F;
	v20 =	vsel vm14, s22, v20;
	s22 =	rddreg [dreg:$0x17]  }
0x2c1: {  	v19 =	vmov s29;
	v21 =	vmov s21;
	s29 =	sshrl.u32 s22, $0x1F;
	v20 =	vsel vm15, s31, v20;
	s31 =	sld [smem:$0x7FA]  }
0x2c2: {  	s20 =	sshrl.u32 s10, $0x1F;
	v19 =	vsel vm14, s28, v19;
	s28 =	rddreg [dreg:$0x15];
	v21 =	vsel vm14, s29, v21;
	s29 =	sshra.s32 s30, $0x1F  }
0x2c3: {  	v19 =	vsel vm15, s20, v19;
	s24 =	sshrl.u32 s28, $0x1F;
	v23 =	vmov s29;
	s29 =	sld [smem:$0x7FB]  }
0x2c4: {  	v19 =	vsel vm0, s24, v19;
	s24 =	rddreg [dreg:$0x19];
	s21 =	sshrl.u32 s31, $0x1F  }
0x2c5: {  	s3 =	sshra.s32 s10, $0x7;
	s20 =	sshrl.u32 s24, $0x1F;
	v22 =	vsel vm0, s21, v20;
	s21 =	rddreg [dreg:$0x16]  }
0x2c6: {  	v21 =	vsel vm15, s20, v21;
	s20 =	sshra.s32 s7, $0x7;
	s10 =	sshrl.u32 s21, $0x1F;
	s19 =	sshrl.u32 s29, $0x1F  }
0x2c7: {  	v20 =	vsel vm0, s10, v21;
	v21 =	vsel vm2, s19, v22;
	v22 =	vsel vm1, s20, v23;
	s20 =	sld [smem:$0x7FC]  }
0x2c8: {  	s14 =	sshra.s32 s14, $0x7  }
0x2c9: {  	s7 =	sshra.s32 s7, $0x1F;
	v23 =	vmov s14;
	s14 =	sld [smem:$0x7FD]  }
0x2ca: {  	vm7 =	vcmask $0x2724;
	vm3 =	vcmask $0x704;
	s19 =	smulhi.u32 $0x1948B0FD, s1;
	s1 =	sshra.s32 s1, $0x1F;
	s10 =	sshrl.u32 s20, $0x1F  }
0x2cb: {  	vm5 =	vcmask $0xF0C;
	v22 =	vsel vm3, s7, v22;
	s1 =	smul.u32 $0x1948B0FD, s1;
	v21 =	vsel vm4, s10, v21;
	s10 =	sshra.s32 s4, $0x7  }
0x2cc: {  	v23 =	vsel vm14, s18, v23;
	s18 =	sshra.s32 s0, $0x1F;
	v19 =	vcombine.low v20, v19;
	s7 =	sshrl.u32 s14, $0x1F;
	s4 =	sshra.s32 s4, $0x1F;
	v22 =	vsel vm14, s10, v22  }
0x2cd: {  	v24 =	vmov s18;
	s18 =	sshra.s32 s12, $0x7;
	v21 =	vsel vm6, s7, v21;
	s7 =	sshra.s32 s26, $0x7;
	s10 =	sshrl.u32 s23, $0x1F;
	v22 =	vsel vm5, s4, v22  }
0x2ce: {  	v24 =	vsel vm1, s18, v24;
	v25 =	vmov s10;
	s10 =	sshra.s32 s12, $0x1F;
	v22 =	vsel vm15, s7, v22;
	s7 =	sshrl.u32 s12, $0x1F;
	s12 =	rddreg [dreg:$0x14]  }
0x2cf: {  	v23 =	vsel vm15, s3, v23;
	s3 =	sshrl.u32 s17, $0x1F;
	v24 =	vsel vm3, s10, v24;
	s18 =	sshrl.u32 s12, $0x1F;
	v26 =	vmov s7  }
0x2d0: {  	s4 =	sadd.s32 s1, s19;
	s10 =	sshrl.u32 s11, $0x1F;
	vm3 =	vcmask $0x1714;
	s7 =	sshra.s32 s11, $0x7;
	v25 =	vsel vm14, s18, v25;
	v26 =	vnsel vm1, $0x0, v26  }
0x2d1: {  	v24 =	vsel vm14, s7, v24;
	s18 =	sshra.s32 s11, $0x1F;
	s11 =	rddreg [dreg:$0x13];
	s7 =	sshrl.u32 s16, $0x1F;
	v25 =	vsel vm15, s3, v25;
	v26 =	vsel vm14, s10, v26  }
0x2d2: {  	s19 =	sshrl.u32 s11, $0x1F;
	v24 =	vsel vm5, s18, v24;
	s10 =	sshrl.u32 s13, $0x1F;
	s18 =	sshra.s32 s13, $0x7;
	v27 =	vmov s7;
	vm5 =	vcmask $0x1F1C  }
0x2d3: {  	s7 =	sshrl.u32 s15, $0x1F;
	v25 =	vsel vm0, s19, v25;
	v26 =	vsel vm15, s10, v26;
	v24 =	vsel vm15, s18, v24;
	s19 =	sshra.s32 s13, $0x1F;
	s10 =	sshrl.u32 s5, $0x1F  }
0x2d4: {  	v27 =	vsel vm14, s7, v27;
	s13 =	sshrl.u32 s6, $0x1F;
	s18 =	sshrl.u32 s8, $0x1F;
	v26 =	vsel vm0, s10, v26;
	v24 =	vsel vm3, s19, v24;
	s19 =	sshra.s32 s5, $0x7  }
0x2d5: {  	s7 =	sshra.s32 s5, $0x1F;
	v27 =	vsel vm15, s13, v27;
	s10 =	sshrl.u32 s2, $0x1F;
	s13 =	sshrl.u32 s9, $0x1F;
	v26 =	vsel vm2, s18, v26;
	v24 =	vsel vm0, s19, v24  }
0x2d6: {  	v27 =	vsel vm0, s10, v27;
	s19 =	sshra.s32 s23, $0x7;
	s23 =	sshra.s32 s8, $0x7;
	s10 =	sshra.s32 s16, $0x7;
	v26 =	vsel vm4, s13, v26;
	v24 =	vsel vm5, s7, v24  }
0x2d7: {  	s18 =	sshrl.u32 s4, $0x1F;
	v57 =	vmov s19;
	s7 =	sshra.s32 s12, $0x7;
	s12 =	sshra.s32 s8, $0x1F;
	v58 =	vmov s10;
	v24 =	vsel vm2, s23, v24  }
0x2d8: {  	s16 =	sshra.s32 s15, $0x7;
	s13 =	sshra.s32 s17, $0x7;
	s17 =	sshra.s32 s9, $0x7;
	v25 =	vcombine.low v27, v25;
	v26 =	vsel vm6, s18, v26;
	v24 =	vsel vm7, s12, v24  }
0x2d9: {  	s19 =	sshra.s32 s6, $0x7;
	v28 =	vsel vm14, s7, v57;
	v29 =	vsel vm14, s16, v58;
	s23 =	sshra.s32 s9, $0x1F;
	v24 =	vsel vm4, s17, v24  }
0x2da: {  	s3 =	sshra.s32 s2, $0x7;
	s5 =	sshra.s32 s4, $0x7;
	s18 =	sshra.s32 s11, $0x7;
	v28 =	vsel vm15, s13, v28;
	v29 =	vsel vm15, s19, v29;
	v24 =	vsel vm10, s23, v24  }
0x2db: {  	s6 =	sshrl.u32 s0, $0x1F;
	s7 =	sshra.s32 s4, $0x1F;
	v28 =	vsel vm0, s18, v28;
	v29 =	vsel vm0, s3, v29;
	v24 =	vsel vm6, s5, v24  }
0x2dc: {  	s0 =	sshra.s32 s0, $0x7;
	v26 =	vsel vm11, s6, v26;
	v27 =	vcombine.low v29, v28;
	v24 =	vsel vm12, s7, v24  }
0x2dd: {  	v25 =	vperm.xlane v25, v11;
	v26 =	vperm.xlane v26, v12;
	v24 =	vsel vm11, s0, v24  }
0x2de: {  	s8 =	sshra.s32 s26, $0x1F;
	s10 =	sshra.s32 s28, $0x7;
	v27 =	vperm.xlane v27, v11;
	v24 =	vperm.xlane v24, v12  }
0x2df: {  	v19 =	vperm.xlane v19, v11;
	v22 =	vsel vm3, s8, v22;
	s11 =	sshra.s32 s31, $0x7;
	v23 =	vsel vm0, s10, v23  }
0x2e0: {  	v22 =	vsel vm0, s11, v22;
	s12 =	sshra.s32 s31, $0x1F;
	s13 =	sshra.s32 s25, $0x7;
	v25 =	vsel vm13, v26, v25;
	v24 =	vsel vm13, v24, v27  }
0x2e1: {  	s15 =	sshra.s32 s29, $0x7;
	s16 =	sshra.s32 s22, $0x7;
	v22 =	vsel vm5, s12, v22;
	v26 =	vmov s13;
	v24 =	vadd.s32 v25, v24  }
0x2e2: {  	s17 =	sshra.s32 s29, $0x1F;
	v22 =	vsel vm2, s15, v22;
	v25 =	vsel vm14, s16, v26;
	v26 =	vmul.u32 $0xFFFFFAF0, v24  }
0x2e3: {  	s9 =	sshrl.u32 s30, $0x1F;
	vm3 =	vlt.s32 v17, $0x1;
	s19 =	sshra.s32 s20, $0x7;
	v22 =	vsel vm7, s17, v22;
	v27 =	vsub.s32 $0x0, v18  }
0x2e4: {  	s22 =	sshra.s32 s20, $0x1F;
	v21 =	vsel vm11, s9, v21;
	s18 =	sshra.s32 s24, $0x7;
	v22 =	vsel vm4, s19, v22;
	vm5 =	vne.s32 v26, v27  }
0x2e5: {  	s24 =	sshra.s32 s14, $0x7;
	s23 =	sshra.s32 s21, $0x7;
	v22 =	vsel vm10, s22, v22;
	v25 =	vsel vm15, s18, v25;
	vm3 =	vmand vm3, vm5  }
0x2e6: {  	s25 =	sshra.s32 s14, $0x1F;
	v22 =	vsel vm6, s24, v22;
	v25 =	vsel vm0, s23, v25;
	v20 =	vsel vm3, $0xFFFFFFFF, v13  }
0x2e7: {  	s26 =	sshra.s32 s30, $0x7;
	v22 =	vsel vm12, s25, v22;
	v23 =	vcombine.low v25, v23;
	v20 =	vadd.s32 v20, v24  }
0x2e8: {  	v21 =	vperm.xlane v21, v12;
	v22 =	vsel vm11, s26, v22;
	v20 =	vshll.u32 v20, $0x4  }
0x2e9: {  	v22 =	vperm.xlane v22, v12;
	v23 =	vperm.xlane v23, v11;
	v24 =	vor.u32 $0x1, v20;
	_ =	sdelay $0x1  }
0x2ea: {  	v19 =	vsel vm13, v21, v19;
	v21 =	vsel vm13, v22, v23  }
0x2eb: {  	v19 =	vadd.s32 v19, v21  }
0x2ec: {  	s28 =	simm.s32 $0x5880;
	v21 =	vmul.u32 $0xFFFFFAF0, v19  }
0x2ed: {  	v22 =	vsub.s32 $0x0, v9;
	v23 =	vld.idx.msk [tilespmem:v24+s28+$0x0], $0xffff  }
0x2ee: {  	vm3 =	vlt.s32 v9, $0x1;
	vm5 =	vne.s32 v21, v22  }
0x2ef: {  	vm3 =	vmand vm3, vm5  }
0x2f0: {  	v21 =	vsel vm3, $0xFFFFFFFF, v13  }
0x2f1: {  	v19 =	vadd.s32 v21, v19  }
0x2f2: {  	v22 =	vshll.u32 v19, $0x4;
	v19 =	vtrunc.f32 v23  }
0x2f3: {  	v21 =	vor.u32 $0x2, v22;
	v19 =	vcvt.f32.s32 v19  }
0x2f4: {  	v23 =	vor.u32 $0x3, v22  }
0x2f5: {  	v24 =	vor.u32 $0x4, v22;
	vm3 =	veq.s32 v18, v19  }
0x2f6: {  	v25 =	vor.u32 $0x5, v22;
	v18 =	vsel vm3, $0x2, v14  }
0x2f7: {  	v26 =	vor.u32 v18, v20  }
0x2f8: {  	v18 =	vld.idx.msk [tilespmem:v21+s28+$0x0], $0xffff;
	v27 =	vadd.s32 $0x1, v26  }
0x2f9: {  	v19 =	vld.idx.msk [tilespmem:v23+s28+$0x0], $0xffff;
	v23 =	vadd.s32 $0x2, v26  }
0x2fa: {  	v20 =	vld.idx.msk [tilespmem:v24+s28+$0x0], $0xffff;
	v24 =	vadd.s32 $0x3, v26  }
0x2fb: {  	v21 =	vld.idx.msk [tilespmem:v25+s28+$0x0], $0xffff  }
0x2fc: {  	v25 =	vld.idx.msk [tilespmem:v26+s28+$0x0], $0xffff  }
0x2fd: {  	v22 =	vor.u32 $0x6, v22;
	v27 =	vld.idx.msk [tilespmem:v27+s28+$0x0], $0xffff  }
0x2fe: {  	v59 =	vld.idx.msk [tilespmem:v23+s28+$0x0], $0xffff;
	v23 =	vor.u32 $0x4, v26  }
0x2ff: {  	v60 =	vld.idx.msk [tilespmem:v24+s28+$0x0], $0xffff;
	_ =	sdelay $0x2  }
0x300: {  	v22 =	vld.idx.msk [tilespmem:v22+s28+$0x0], $0xffff  }
0x301: {  	v61 =	vld.idx.msk [tilespmem:v23+s28+$0x0], $0xffff;
	v23 =	vmax.f32 v18, v25  }
0x302: {  	v24 =	vmax.f32 v19, v27;
	v26 =	vmin.f32 v20, v59;
	v62 =	vmin.f32 v21, v60  }
0x303: {  	v23 =	vsub.f32 v26, v23;
	v24 =	vsub.f32 v62, v24;
	_ =	sdelay $0x1  }
0x304: {  	v23 =	vmax.f32 v23, $0.0e+00;
	v24 =	vmax.f32 v24, $0.0e+00  }
0x305: {  	v23 =	vmul.f32 v24, v23;
	v24 =	vadd.f32 v61, v22;
	_ =	sdelay $0x1  }
0x306: {  	v24 =	vsub.f32 v24, v23;
	_ =	sdelay $0x1  }
0x307: {  	v24 =	vadd.f32 $9.999999930e-09, v24;
	_ =	sdelay $0x1  }
0x308: {  	v24 =	vmul.f32 $5.000000000e-01, v24;
	_ =	sdelay $0x1  }
0x309: {  	vm5 =	vgt.f32 v16, $-Inf;
	vm3 =	vlt.f32 v16, $-Inf;
	vm7 =	vgt.f32 v23, v24  }
0x30a: {  	vm3 =	vmor vm5, vm3;
	vm5 =	vmneg vm7  }
0x30b: {  	vm3 =	vmand vm3, vm5  }
0x30c: {  	v16 =	vsel vm3, $0x1, v13  }
0x30d: {  	(v2sf) =	vpush v16, $0x0;
	_ =	sdelay $0x6  }
0x30e: {  	s30 =	rddreg [dreg:$0x6]  }
0x30f: {  	s29 =	rddreg [dreg:$0x5]  }
0x310: {  	s0 =	sadd.s32 s30, s29  }
0x311: {  	s1 =	sadd.s32 $0x1, s0  }
0x312: {  	p2 =	slt.s32 s1, $0x12C  }
.Ltmp3:
0x313: {  	_ = 	snop;
	(pc) =	sbr.rel @p2 .LBB2_5-.Ltmp3, $4  }
0x314: {  	v63 =	vsel vm3, $0x3F800000, v13  }
0x315: {  	v23 =	vmul.f32 v63, v25  }
0x316: {  	v16 =	vmul.f32 v63, v27;
	v24 =	vmul.f32 v63, v59;
	s31 =	spop (v2sf)  }
0x317: {  	v26 =	vnsel vm3, $0xC0000000, v17;
	v17 =	vmul.f32 v63, v60;
	v25 =	vmul.f32 v63, v61;
	p1 =	sne.s32 s31, $0x0  }
0x318: {  	_ =	sfence.sel @p0 $0x180000  }
0x319: {  	[bflag:$0x0] =	sbarrier.arrive @p0 $0xFFFF  }
0x31a: {  	_ =	strace @p0 $0x90000047  }
0x31b: {  	[bflag:$0x2] =	sbarrier.arrive @p0 $0xFFFF  }
0x31c: {  	s0 =	simm.s32 @!p0 $0x0;
	s1 =	simm.s32 @!p0 $0x5980;
	s2 =	rddreg [dreg:$0x3]  }
0x31d: {  	[hbm4b:s2+s0] =	stream.linear.scatter @!p0 [tilespmem:s1], [sflag:$0x1], $0x4B0, $0x38;
	[tilespmem:$0x5E90] =	vst v63  }
0x31e: {  	s0 =	simm.s32 @!p0 $0x1  }
0x31f: {  	_ =	swait.ge @!p0 [sflag:s0], $0x4B0  }
0x320: {  	[sflag:s0] =	ssyncset.done @!p0 $0x0  }
0x321: {  	[sflag:s0] =	ssyncadd.s32 @!p0 $0xFFFFFB50  }
0x322: {  	_ =	sfence.sel @!p0 $0x180000  }
0x323: {  	[bflag:$0x0] =	sbarrier.arrive @!p0 $0xFFFF  }
0x324: {  	_ =	strace @!p0 $0x90000047  }
0x325: {  	[bflag:$0x2] =	sbarrier.arrive @!p0 $0xFFFF  }
0x326: {  	s0 =	rddreg [dreg:$0x2]  }
0x327: {  	s0 =	sadd.s32 @!p0 $0x100000, s0  }
0x328: {  	[sflag:s0] =	ssyncadd.tile.s32 @!p0 $0x1;
	_ =	shalt  }
.Lfunc_end2:
_tile_overlayer_lowered:
.L_overlay_start_2:
0x329: {  	(tag) =	ssettag $0x2  }
0x32a: {  	s0 =	rddreg [dreg:$0x0];
	s2 =	stileid.u32  }
0x32b: {  	s1 =	rddreg [dreg:$0x1];
	p0 =	sne.s32 s2, $0x0  }
0x32c: {  	s3 =	rddreg [dreg:$0x2];
	[bflag:$0x3] =	sbarrier.arrive $0xFFFF;
	s2 =	simm.s32 @!p0 $0x1C01  }
0x32d: {  	[timem:s3], [sflag:s2] =	dma.local @!p0 [hbm:s0], s1  }
0x32e: {  	s0 =	simm.s32 @!p0 $0x1  }
0x32f: {  	_ =	swait.ge @!p0 [sflag:s0], s1  }
0x330: {  	s1 =	ssub.s32 @!p0 $0x0, s1;
	[sflag:s0] =	ssyncset.done @!p0 $0x0  }
0x331: {  	[sflag:s0] =	ssyncadd.s32 @!p0 s1  }
0x332: {  	[bflag:$0x3] =	sbarrier.arrive $0xFFFF  }
0x333: {  	_ =	shalt  }

</sc_bundles>
